<compile_context>
chip_gen: v7x
topology: tpu7x:2x2x1
jax: 0.10.2.dev20260603
libtpu: 0.0.44.dev20260713+nightly
codegen_flags: <defaults>
</compile_context>

<pallas_src>
import jax
import jax.numpy as jnp
from jax import lax
from jax.experimental import pallas as pl
from jax.experimental.pallas import tpu as pltpu
from jax.experimental.pallas import tpu_sc as plsc

N_NODES = 10000
D = 128
W = D // 2
E = 320000
NC = 2
NS = 16
NW = NC * NS
E_T = E // NW
C = 128
N_MAIN = 78
C_TAIL = E_T - N_MAIN * C
UNROLL = 16
NBLK = W // UNROLL


def _sc_body(zp_hbm, src_hbm, dst_hbm, out_hbm,
             sidx, didx, srows, drows, outall, ztab, sems, semi):
    sid = lax.axis_index("s")
    wid = lax.axis_index("c") * NS + sid
    tile_base = wid * E_T

    ci = pltpu.async_copy(src_hbm.at[pl.ds(tile_base, E_T)], sidx, semi)
    cd = pltpu.async_copy(dst_hbm.at[pl.ds(tile_base, E_T)], didx, semi)

    @pl.when(sid < 15)
    def _stage_main():
        pltpu.sync_copy(zp_hbm.at[pl.ds(sid * 640, 640)],
                        ztab.at[pl.ds(sid * 640, 640)])

    @pl.when(sid == 15)
    def _stage_tail():
        pltpu.sync_copy(zp_hbm.at[pl.ds(9600, 400)],
                        ztab.at[pl.ds(9600, 400)])

    plsc.subcore_barrier()
    ci.wait()
    cd.wait()

    def start(ic, b, n):
        pltpu.async_copy(ztab.at[sidx.at[pl.ds(ic * C, n)]],
                         srows.at[b, pl.ds(0, n)], sems.at[b])
        pltpu.async_copy(ztab.at[didx.at[pl.ds(ic * C, n)]],
                         drows.at[b, pl.ds(0, n)], sems.at[b])

    def wait(ic, b, n):
        pltpu.make_async_copy(ztab.at[sidx.at[pl.ds(ic * C, n)]],
                              srows.at[b, pl.ds(0, n)], sems.at[b]).wait()
        pltpu.make_async_copy(ztab.at[didx.at[pl.ds(ic * C, n)]],
                              drows.at[b, pl.ds(0, n)], sems.at[b]).wait()

    def compute(ic, b, n):
        def g_body(g, _):
            rows = lax.iota(jnp.int32, 16) + g * 16
            skew = lax.iota(jnp.int32, 16)

            def d_body(dblk, accs):
                acc0, acc1, acc2, acc3 = accs
                for j in range(UNROLL):
                    col = (skew + (dblk * UNROLL + j)) & (W - 1)
                    a = plsc.load_gather(srows.at[b], [rows, col])
                    bb = plsc.load_gather(drows.at[b], [rows, col])
                    p = plsc.bitcast(
                        plsc.bitcast(a, jnp.bfloat16) * plsc.bitcast(bb, jnp.bfloat16),
                        jnp.int32)
                    plo = plsc.bitcast(p << 16, jnp.float32)
                    phi = plsc.bitcast(p & jnp.int32(-65536), jnp.float32)
                    if j % 2 == 0:
                        acc0 = acc0 + plo
                        acc1 = acc1 + phi
                    else:
                        acc2 = acc2 + plo
                        acc3 = acc3 + phi
                return acc0, acc1, acc2, acc3

            z16 = jnp.zeros((16,), jnp.float32)
            accs = lax.fori_loop(0, NBLK, d_body, (z16, z16, z16, z16))
            outall[pl.ds(ic * C + g * 16, 16)] = (accs[0] + accs[1]) + (accs[2] + accs[3])
            return _

        lax.fori_loop(0, n // 16, g_body, 0)

    start(0, 0, C)
    start(1, 1, C)

    def pair_body(i, _):
        for b in range(2):
            ic = i * 2 + b
            wait(ic, b, C)
            compute(ic, b, C)

            @pl.when(ic + 2 < N_MAIN)
            def _start_next():
                start(ic + 2, b, C)

            @pl.when(ic + 2 == N_MAIN)
            def _start_tail():
                start(ic + 2, b, C_TAIL)

        return _

    lax.fori_loop(0, N_MAIN // 2, pair_body, 0)
    wait(N_MAIN, 0, C_TAIL)
    compute(N_MAIN, 0, C_TAIL)

    pltpu.sync_copy(outall, out_hbm.at[pl.ds(tile_base, E_T)])


@jax.jit
def kernel(z, edge_index):
    src = edge_index[0].astype(jnp.int32)
    dst = edge_index[1].astype(jnp.int32)
    zp = lax.bitcast_convert_type(
        z.astype(jnp.bfloat16).reshape(N_NODES, W, 2), jnp.int32)
    mesh = plsc.VectorSubcoreMesh(core_axis_name="c", subcore_axis_name="s")
    f = pl.kernel(
        _sc_body,
        out_type=jax.ShapeDtypeStruct((E,), jnp.float32),
        mesh=mesh,
        scratch_types=[
            pltpu.VMEM((E_T,), jnp.int32),
            pltpu.VMEM((E_T,), jnp.int32),
            pltpu.VMEM((2, C, W), jnp.int32),
            pltpu.VMEM((2, C, W), jnp.int32),
            pltpu.VMEM((E_T,), jnp.float32),
            pltpu.VMEM_SHARED((N_NODES, W), jnp.int32),
            pltpu.SemaphoreType.DMA((2,)),
            pltpu.SemaphoreType.DMA,
        ],
        compiler_params=pltpu.CompilerParams(needs_layout_passes=False, use_tc_tiling_on_sc=False),
    )
    return f(zp, src, dst)

# --- scband reference (transcript-rebuilt; emitter-appended) ---
"""Pipeline reference for scband-inner-product-decoder-41351945125997 (READ-ONLY COPY).

The authoritative reference and input builder live on the scoring server;
editing this copy changes nothing except your own understanding.
"""

import jax, jax.numpy as jnp
import numpy as np


def setup_inputs(seed: int = 0) -> dict:
    key = jax.random.key(seed)
    k1, k2 = jax.random.split(key)
    z = jax.random.normal(k1, (10000, 128), dtype=jnp.float32)
    edge_index = jax.random.randint(k2, (2, 320000), 0, 10000, dtype=jnp.int64)
    return {"z": z, "edge_index": edge_index}


def reference(z, edge_index):
    src = jnp.take(z, edge_index[0], axis=0)
    dst = jnp.take(z, edge_index[1], axis=0)
    return (src * dst).sum(axis=-1)

if __name__ == "__main__":
    import jax
    _d = setup_inputs()
    print(jax.jit(kernel)(*tuple(_d.values())))

</pallas_src>

<mosaic_0001>
#map = affine_map<(d0, d1) -> (0, 0)>
#map1 = affine_map<(d0, d1) -> (0)>
module attributes {stable_mosaic.version = 14 : i64} {
  func.func @_sc_body(%arg0: i32, %arg1: i32, %arg2: memref<10000x64xi32, #tpu.memory_space<hbm>>, %arg3: memref<320000xi32, #tpu.memory_space<hbm>>, %arg4: memref<320000xi32, #tpu.memory_space<hbm>>, %arg5: memref<320000xf32, #tpu.memory_space<hbm>>, %arg6: memref<10000xi32, #tpu.memory_space<vmem>>, %arg7: memref<10000xi32, #tpu.memory_space<vmem>>, %arg8: memref<2x128x64xi32, #tpu.memory_space<vmem>>, %arg9: memref<2x128x64xi32, #tpu.memory_space<vmem>>, %arg10: memref<10000xf32, #tpu.memory_space<vmem>>, %arg11: memref<10000x64xi32, #tpu.memory_space<vmem_shared>>, %arg12: memref<2x!tpu.dma_semaphore, #tpu.memory_space<semaphore_mem>>, %arg13: memref<!tpu.dma_semaphore, #tpu.memory_space<semaphore_mem>>) attributes {dimension_semantics = [#tpu.dimension_semantics<core_parallel>, #tpu.dimension_semantics<subcore_parallel>], iteration_bounds = array<i64: 2, 16>, scalar_prefetch = 0 : i64, scratch_operands = 8 : i64, tpu.core_type = #tpu.core_type<sc_vector_subcore>, window_params = [{transform_indices = #map}, {transform_indices = #map1}, {transform_indices = #map1}, {transform_indices = #map1}]} {
    %mul3A = arith.constant 16 : i32
    %mul3A_0 = arith.muli %arg0, %mul3A : i32
    %add3A = arith.addi %mul3A_0, %arg1 : i32
    %mul3A_1 = arith.constant 10000 : i32
    %mul3A_2 = arith.muli %add3A, %mul3A_1 : i32
    %dma_start3A = tpu.memref_slice %arg3[%mul3A_2] : memref<320000xi32, #tpu.memory_space<hbm>> -> memref<10000xi32, #tpu.memory_space<hbm>>
    %dma_start3A_3 = tpu.memref_slice %arg3[%mul3A_2] : memref<320000xi32, #tpu.memory_space<hbm>> -> memref<10000xi32, #tpu.memory_space<hbm>>
    tpu.enqueue_dma source(%dma_start3A_3 : memref<10000xi32, #tpu.memory_space<hbm>>) target(%arg6 : memref<10000xi32, #tpu.memory_space<vmem>>) target_semaphore(%arg13 : memref<!tpu.dma_semaphore, #tpu.memory_space<semaphore_mem>>)
    %dma_start3A_4 = tpu.memref_slice %arg4[%mul3A_2] : memref<320000xi32, #tpu.memory_space<hbm>> -> memref<10000xi32, #tpu.memory_space<hbm>>
    %dma_start3A_5 = tpu.memref_slice %arg4[%mul3A_2] : memref<320000xi32, #tpu.memory_space<hbm>> -> memref<10000xi32, #tpu.memory_space<hbm>>
    tpu.enqueue_dma source(%dma_start3A_5 : memref<10000xi32, #tpu.memory_space<hbm>>) target(%arg7 : memref<10000xi32, #tpu.memory_space<vmem>>) target_semaphore(%arg13 : memref<!tpu.dma_semaphore, #tpu.memory_space<semaphore_mem>>)
    %lt3A = arith.constant 15 : i32
    %lt3A_6 = arith.cmpi slt, %arg1, %lt3A : i32
    %convert_element_type3A = arith.extui %lt3A_6 : i1 to i32
    %cond3A = arith.constant 0 : i32
    %cond3A_7 = arith.cmpi ne, %convert_element_type3A, %cond3A : i32
    scf.if %cond3A_7 {
      %mul3A_121 = arith.constant 640 : i32
      %mul3A_122 = arith.muli %arg1, %mul3A_121 : i32
      %mul3A_123 = arith.constant 640 : i32
      %mul3A_124 = arith.muli %arg1, %mul3A_123 : i32
      "tpu.region"() ({
        %run_scoped3A = tpu.sem_alloc : memref<!tpu.dma_semaphore, #tpu.memory_space<semaphore_mem>>
        %dma_start3A_125 = arith.constant 0 : i32
        %dma_start3A_126 = tpu.memref_slice %arg11[%mul3A_124, %dma_start3A_125] : memref<10000x64xi32, #tpu.memory_space<vmem_shared>> -> memref<640x64xi32, #tpu.memory_space<vmem_shared>>
        %dma_start3A_127 = arith.constant 0 : i32
        %dma_start3A_128 = tpu.memref_slice %arg2[%mul3A_122, %dma_start3A_127] : memref<10000x64xi32, #tpu.memory_space<hbm>> -> memref<640x64xi32, #tpu.memory_space<hbm>>
        tpu.enqueue_dma source(%dma_start3A_128 : memref<640x64xi32, #tpu.memory_space<hbm>>) target(%dma_start3A_126 : memref<640x64xi32, #tpu.memory_space<vmem_shared>>) target_semaphore(%run_scoped3A : memref<!tpu.dma_semaphore, #tpu.memory_space<semaphore_mem>>)
        %dma_wait3A_129 = arith.constant 0 : i32
        %dma_wait3A_130 = tpu.memref_slice %arg11[%mul3A_124, %dma_wait3A_129] : memref<10000x64xi32, #tpu.memory_space<vmem_shared>> -> memref<640x64xi32, #tpu.memory_space<vmem_shared>>
        %dma_wait3A_131 = arith.constant 0 : i32
        %dma_wait3A_132 = tpu.memref_slice %arg2[%mul3A_122, %dma_wait3A_131] : memref<10000x64xi32, #tpu.memory_space<hbm>> -> memref<640x64xi32, #tpu.memory_space<hbm>>
        tpu.wait_dma2 semaphore(%run_scoped3A : memref<!tpu.dma_semaphore, #tpu.memory_space<semaphore_mem>>) src(%dma_wait3A_132 : memref<640x64xi32, #tpu.memory_space<hbm>>) dst(%dma_wait3A_130 : memref<640x64xi32, #tpu.memory_space<vmem_shared>>)
        tpu.yield
      }) : () -> ()
    } else {
    }
    %eq3A = arith.constant 15 : i32
    %eq3A_8 = arith.cmpi eq, %arg1, %eq3A : i32
    %convert_element_type3A_9 = arith.extui %eq3A_8 : i1 to i32
    %cond3A_10 = arith.constant 0 : i32
    %cond3A_11 = arith.cmpi ne, %convert_element_type3A_9, %cond3A_10 : i32
    scf.if %cond3A_11 {
      "tpu.region"() ({
        %run_scoped3A = tpu.sem_alloc : memref<!tpu.dma_semaphore, #tpu.memory_space<semaphore_mem>>
        %dma_start3A_121 = arith.constant 9600 : i32
        %dma_start3A_122 = arith.constant 0 : i32
        %dma_start3A_123 = tpu.memref_slice %arg11[%dma_start3A_121, %dma_start3A_122] : memref<10000x64xi32, #tpu.memory_space<vmem_shared>> -> memref<400x64xi32, #tpu.memory_space<vmem_shared>>
        %dma_start3A_124 = arith.constant 9600 : i32
        %dma_start3A_125 = arith.constant 0 : i32
        %dma_start3A_126 = tpu.memref_slice %arg2[%dma_start3A_124, %dma_start3A_125] : memref<10000x64xi32, #tpu.memory_space<hbm>> -> memref<400x64xi32, #tpu.memory_space<hbm>>
        tpu.enqueue_dma source(%dma_start3A_126 : memref<400x64xi32, #tpu.memory_space<hbm>>) target(%dma_start3A_123 : memref<400x64xi32, #tpu.memory_space<vmem_shared>>) target_semaphore(%run_scoped3A : memref<!tpu.dma_semaphore, #tpu.memory_space<semaphore_mem>>)
        %dma_wait3A_127 = arith.constant 9600 : i32
        %dma_wait3A_128 = arith.constant 0 : i32
        %dma_wait3A_129 = tpu.memref_slice %arg11[%dma_wait3A_127, %dma_wait3A_128] : memref<10000x64xi32, #tpu.memory_space<vmem_shared>> -> memref<400x64xi32, #tpu.memory_space<vmem_shared>>
        %dma_wait3A_130 = arith.constant 9600 : i32
        %dma_wait3A_131 = arith.constant 0 : i32
        %dma_wait3A_132 = tpu.memref_slice %arg2[%dma_wait3A_130, %dma_wait3A_131] : memref<10000x64xi32, #tpu.memory_space<hbm>> -> memref<400x64xi32, #tpu.memory_space<hbm>>
        tpu.wait_dma2 semaphore(%run_scoped3A : memref<!tpu.dma_semaphore, #tpu.memory_space<semaphore_mem>>) src(%dma_wait3A_132 : memref<400x64xi32, #tpu.memory_space<hbm>>) dst(%dma_wait3A_129 : memref<400x64xi32, #tpu.memory_space<vmem_shared>>)
        tpu.yield
      }) : () -> ()
    } else {
    }
    %barrier3A = arith.constant 0 : index
    tpu.barrier barrier_id(%barrier3A)
    %dma_wait3A = tpu.memref_slice %arg3[%mul3A_2] : memref<320000xi32, #tpu.memory_space<hbm>> -> memref<10000xi32, #tpu.memory_space<hbm>>
    %dma_wait3A_12 = tpu.memref_slice %arg3[%mul3A_2] : memref<320000xi32, #tpu.memory_space<hbm>> -> memref<10000xi32, #tpu.memory_space<hbm>>
    tpu.wait_dma2 semaphore(%arg13 : memref<!tpu.dma_semaphore, #tpu.memory_space<semaphore_mem>>) src(%dma_wait3A_12 : memref<10000xi32, #tpu.memory_space<hbm>>) dst(%arg6 : memref<10000xi32, #tpu.memory_space<vmem>>)
    %dma_wait3A_13 = tpu.memref_slice %arg4[%mul3A_2] : memref<320000xi32, #tpu.memory_space<hbm>> -> memref<10000xi32, #tpu.memory_space<hbm>>
    %dma_wait3A_14 = tpu.memref_slice %arg4[%mul3A_2] : memref<320000xi32, #tpu.memory_space<hbm>> -> memref<10000xi32, #tpu.memory_space<hbm>>
    tpu.wait_dma2 semaphore(%arg13 : memref<!tpu.dma_semaphore, #tpu.memory_space<semaphore_mem>>) src(%dma_wait3A_14 : memref<10000xi32, #tpu.memory_space<hbm>>) dst(%arg7 : memref<10000xi32, #tpu.memory_space<vmem>>)
    %dma_start3A_15 = arith.constant 0 : i32
    %dma_start3A_16 = arith.constant 0 : i32
    %dma_start3A_17 = arith.constant 0 : i32
    %dma_start3A_18 = arith.constant 0 : i32
    %dma_start3A_19 = tpu.memref_slice %arg8[%dma_start3A_15, %dma_start3A_17, %dma_start3A_18] : memref<2x128x64xi32, #tpu.memory_space<vmem>> -> memref<1x128x64xi32, #tpu.memory_space<vmem>>
    %dma_start3A_20 = tpu.memref_squeeze %dma_start3A_19 : memref<1x128x64xi32, #tpu.memory_space<vmem>> -> memref<128x64xi32, #tpu.memory_space<vmem>>
    %dma_start3A_21 = arith.constant 0 : i32
    %dma_start3A_22 = tpu.memref_slice %arg6[%dma_start3A_21] : memref<10000xi32, #tpu.memory_space<vmem>> -> memref<128xi32, #tpu.memory_space<vmem>>
    %dma_start3A_23 = arith.constant 0 : i32
    %dma_start3A_24 = arith.constant 0 : i32
    %dma_start3A_25 = tpu.memref_slice %arg11[%dma_start3A_23, %dma_start3A_24] : memref<10000x64xi32, #tpu.memory_space<vmem_shared>> -> memref<10000x64xi32, #tpu.memory_space<vmem_shared>>
    %dma_start3A_26 = tpu.memref_slice %arg12[%dma_start3A_16] : memref<2x!tpu.dma_semaphore, #tpu.memory_space<semaphore_mem>> -> memref<1x!tpu.dma_semaphore, #tpu.memory_space<semaphore_mem>>
    %dma_start3A_27 = tpu.memref_squeeze %dma_start3A_26 : memref<1x!tpu.dma_semaphore, #tpu.memory_space<semaphore_mem>> -> memref<!tpu.dma_semaphore, #tpu.memory_space<semaphore_mem>>
    tpu.enqueue_indirect_dma source(%dma_start3A_25 : memref<10000x64xi32, #tpu.memory_space<vmem_shared>>) target(%dma_start3A_20 : memref<128x64xi32, #tpu.memory_space<vmem>>) offsets(%dma_start3A_22 : memref<128xi32, #tpu.memory_space<vmem>>) semaphore(%dma_start3A_27 : memref<!tpu.dma_semaphore, #tpu.memory_space<semaphore_mem>>)
    %dma_start3A_28 = arith.constant 0 : i32
    %dma_start3A_29 = arith.constant 0 : i32
    %dma_start3A_30 = arith.constant 0 : i32
    %dma_start3A_31 = arith.constant 0 : i32
    %dma_start3A_32 = tpu.memref_slice %arg9[%dma_start3A_28, %dma_start3A_30, %dma_start3A_31] : memref<2x128x64xi32, #tpu.memory_space<vmem>> -> memref<1x128x64xi32, #tpu.memory_space<vmem>>
    %dma_start3A_33 = tpu.memref_squeeze %dma_start3A_32 : memref<1x128x64xi32, #tpu.memory_space<vmem>> -> memref<128x64xi32, #tpu.memory_space<vmem>>
    %dma_start3A_34 = arith.constant 0 : i32
    %dma_start3A_35 = tpu.memref_slice %arg7[%dma_start3A_34] : memref<10000xi32, #tpu.memory_space<vmem>> -> memref<128xi32, #tpu.memory_space<vmem>>
    %dma_start3A_36 = arith.constant 0 : i32
    %dma_start3A_37 = arith.constant 0 : i32
    %dma_start3A_38 = tpu.memref_slice %arg11[%dma_start3A_36, %dma_start3A_37] : memref<10000x64xi32, #tpu.memory_space<vmem_shared>> -> memref<10000x64xi32, #tpu.memory_space<vmem_shared>>
    %dma_start3A_39 = tpu.memref_slice %arg12[%dma_start3A_29] : memref<2x!tpu.dma_semaphore, #tpu.memory_space<semaphore_mem>> -> memref<1x!tpu.dma_semaphore, #tpu.memory_space<semaphore_mem>>
    %dma_start3A_40 = tpu.memref_squeeze %dma_start3A_39 : memref<1x!tpu.dma_semaphore, #tpu.memory_space<semaphore_mem>> -> memref<!tpu.dma_semaphore, #tpu.memory_space<semaphore_mem>>
    tpu.enqueue_indirect_dma source(%dma_start3A_38 : memref<10000x64xi32, #tpu.memory_space<vmem_shared>>) target(%dma_start3A_33 : memref<128x64xi32, #tpu.memory_space<vmem>>) offsets(%dma_start3A_35 : memref<128xi32, #tpu.memory_space<vmem>>) semaphore(%dma_start3A_40 : memref<!tpu.dma_semaphore, #tpu.memory_space<semaphore_mem>>)
    %dma_start3A_41 = arith.constant 1 : i32
    %dma_start3A_42 = arith.constant 1 : i32
    %dma_start3A_43 = arith.constant 0 : i32
    %dma_start3A_44 = arith.constant 0 : i32
    %dma_start3A_45 = tpu.memref_slice %arg8[%dma_start3A_41, %dma_start3A_43, %dma_start3A_44] : memref<2x128x64xi32, #tpu.memory_space<vmem>> -> memref<1x128x64xi32, #tpu.memory_space<vmem>>
    %dma_start3A_46 = tpu.memref_squeeze %dma_start3A_45 : memref<1x128x64xi32, #tpu.memory_space<vmem>> -> memref<128x64xi32, #tpu.memory_space<vmem>>
    %dma_start3A_47 = arith.constant 128 : i32
    %dma_start3A_48 = tpu.memref_slice %arg6[%dma_start3A_47] : memref<10000xi32, #tpu.memory_space<vmem>> -> memref<128xi32, #tpu.memory_space<vmem>>
    %dma_start3A_49 = arith.constant 0 : i32
    %dma_start3A_50 = arith.constant 0 : i32
    %dma_start3A_51 = tpu.memref_slice %arg11[%dma_start3A_49, %dma_start3A_50] : memref<10000x64xi32, #tpu.memory_space<vmem_shared>> -> memref<10000x64xi32, #tpu.memory_space<vmem_shared>>
    %dma_start3A_52 = tpu.memref_slice %arg12[%dma_start3A_42] : memref<2x!tpu.dma_semaphore, #tpu.memory_space<semaphore_mem>> -> memref<1x!tpu.dma_semaphore, #tpu.memory_space<semaphore_mem>>
    %dma_start3A_53 = tpu.memref_squeeze %dma_start3A_52 : memref<1x!tpu.dma_semaphore, #tpu.memory_space<semaphore_mem>> -> memref<!tpu.dma_semaphore, #tpu.memory_space<semaphore_mem>>
    tpu.enqueue_indirect_dma source(%dma_start3A_51 : memref<10000x64xi32, #tpu.memory_space<vmem_shared>>) target(%dma_start3A_46 : memref<128x64xi32, #tpu.memory_space<vmem>>) offsets(%dma_start3A_48 : memref<128xi32, #tpu.memory_space<vmem>>) semaphore(%dma_start3A_53 : memref<!tpu.dma_semaphore, #tpu.memory_space<semaphore_mem>>)
    %dma_start3A_54 = arith.constant 1 : i32
    %dma_start3A_55 = arith.constant 1 : i32
    %dma_start3A_56 = arith.constant 0 : i32
    %dma_start3A_57 = arith.constant 0 : i32
    %dma_start3A_58 = tpu.memref_slice %arg9[%dma_start3A_54, %dma_start3A_56, %dma_start3A_57] : memref<2x128x64xi32, #tpu.memory_space<vmem>> -> memref<1x128x64xi32, #tpu.memory_space<vmem>>
    %dma_start3A_59 = tpu.memref_squeeze %dma_start3A_58 : memref<1x128x64xi32, #tpu.memory_space<vmem>> -> memref<128x64xi32, #tpu.memory_space<vmem>>
    %dma_start3A_60 = arith.constant 128 : i32
    %dma_start3A_61 = tpu.memref_slice %arg7[%dma_start3A_60] : memref<10000xi32, #tpu.memory_space<vmem>> -> memref<128xi32, #tpu.memory_space<vmem>>
    %dma_start3A_62 = arith.constant 0 : i32
    %dma_start3A_63 = arith.constant 0 : i32
    %dma_start3A_64 = tpu.memref_slice %arg11[%dma_start3A_62, %dma_start3A_63] : memref<10000x64xi32, #tpu.memory_space<vmem_shared>> -> memref<10000x64xi32, #tpu.memory_space<vmem_shared>>
    %dma_start3A_65 = tpu.memref_slice %arg12[%dma_start3A_55] : memref<2x!tpu.dma_semaphore, #tpu.memory_space<semaphore_mem>> -> memref<1x!tpu.dma_semaphore, #tpu.memory_space<semaphore_mem>>
    %dma_start3A_66 = tpu.memref_squeeze %dma_start3A_65 : memref<1x!tpu.dma_semaphore, #tpu.memory_space<semaphore_mem>> -> memref<!tpu.dma_semaphore, #tpu.memory_space<semaphore_mem>>
    tpu.enqueue_indirect_dma source(%dma_start3A_64 : memref<10000x64xi32, #tpu.memory_space<vmem_shared>>) target(%dma_start3A_59 : memref<128x64xi32, #tpu.memory_space<vmem>>) offsets(%dma_start3A_61 : memref<128xi32, #tpu.memory_space<vmem>>) semaphore(%dma_start3A_66 : memref<!tpu.dma_semaphore, #tpu.memory_space<semaphore_mem>>)
    %scan3A = arith.constant 0 : i32
    %scan3A_67 = arith.constant 0 : i32
    %scan3A_68 = arith.constant 39 : i32
    %scan3A_69 = arith.addi %scan3A_67, %scan3A_68 : i32
    %scan3A_70 = arith.constant 1 : i32
    scf.for %scan3A_121 = %scan3A_67 to %scan3A_69 step %scan3A_70  : i32 {
      %mul3A_122 = arith.constant 2 : i32
      %mul3A_123 = arith.muli %scan3A_121, %mul3A_122 : i32
      %add3A_124 = arith.constant 0 : i32
      %add3A_125 = arith.addi %mul3A_123, %add3A_124 : i32
      %mul3A_126 = arith.constant 128 : i32
      %mul3A_127 = arith.muli %add3A_125, %mul3A_126 : i32
      %dma_wait3A_128 = arith.constant 0 : i32
      %dma_wait3A_129 = arith.constant 0 : i32
      %dma_wait3A_130 = arith.constant 0 : i32
      %dma_wait3A_131 = arith.constant 0 : i32
      %dma_wait3A_132 = tpu.memref_slice %arg8[%dma_wait3A_128, %dma_wait3A_130, %dma_wait3A_131] : memref<2x128x64xi32, #tpu.memory_space<vmem>> -> memref<1x128x64xi32, #tpu.memory_space<vmem>>
      %dma_wait3A_133 = tpu.memref_squeeze %dma_wait3A_132 : memref<1x128x64xi32, #tpu.memory_space<vmem>> -> memref<128x64xi32, #tpu.memory_space<vmem>>
      %dma_wait3A_134 = tpu.memref_slice %arg6[%mul3A_127] : memref<10000xi32, #tpu.memory_space<vmem>> -> memref<128xi32, #tpu.memory_space<vmem>>
      %dma_wait3A_135 = arith.constant 0 : i32
      %dma_wait3A_136 = arith.constant 0 : i32
      %dma_wait3A_137 = tpu.memref_slice %arg11[%dma_wait3A_135, %dma_wait3A_136] : memref<10000x64xi32, #tpu.memory_space<vmem_shared>> -> memref<10000x64xi32, #tpu.memory_space<vmem_shared>>
      %dma_wait3A_138 = tpu.memref_slice %arg12[%dma_wait3A_129] : memref<2x!tpu.dma_semaphore, #tpu.memory_space<semaphore_mem>> -> memref<1x!tpu.dma_semaphore, #tpu.memory_space<semaphore_mem>>
      %dma_wait3A_139 = tpu.memref_squeeze %dma_wait3A_138 : memref<1x!tpu.dma_semaphore, #tpu.memory_space<semaphore_mem>> -> memref<!tpu.dma_semaphore, #tpu.memory_space<semaphore_mem>>
      tpu.wait_indirect_dma semaphore(%dma_wait3A_139 : memref<!tpu.dma_semaphore, #tpu.memory_space<semaphore_mem>>) src(%dma_wait3A_137 : memref<10000x64xi32, #tpu.memory_space<vmem_shared>>) dst(%dma_wait3A_133 : memref<128x64xi32, #tpu.memory_space<vmem>>)
      %mul3A_140 = arith.constant 128 : i32
      %mul3A_141 = arith.muli %add3A_125, %mul3A_140 : i32
      %dma_wait3A_142 = arith.constant 0 : i32
      %dma_wait3A_143 = arith.constant 0 : i32
      %dma_wait3A_144 = arith.constant 0 : i32
      %dma_wait3A_145 = arith.constant 0 : i32
      %dma_wait3A_146 = tpu.memref_slice %arg9[%dma_wait3A_142, %dma_wait3A_144, %dma_wait3A_145] : memref<2x128x64xi32, #tpu.memory_space<vmem>> -> memref<1x128x64xi32, #tpu.memory_space<vmem>>
      %dma_wait3A_147 = tpu.memref_squeeze %dma_wait3A_146 : memref<1x128x64xi32, #tpu.memory_space<vmem>> -> memref<128x64xi32, #tpu.memory_space<vmem>>
      %dma_wait3A_148 = tpu.memref_slice %arg7[%mul3A_141] : memref<10000xi32, #tpu.memory_space<vmem>> -> memref<128xi32, #tpu.memory_space<vmem>>
      %dma_wait3A_149 = arith.constant 0 : i32
      %dma_wait3A_150 = arith.constant 0 : i32
      %dma_wait3A_151 = tpu.memref_slice %arg11[%dma_wait3A_149, %dma_wait3A_150] : memref<10000x64xi32, #tpu.memory_space<vmem_shared>> -> memref<10000x64xi32, #tpu.memory_space<vmem_shared>>
      %dma_wait3A_152 = tpu.memref_slice %arg12[%dma_wait3A_143] : memref<2x!tpu.dma_semaphore, #tpu.memory_space<semaphore_mem>> -> memref<1x!tpu.dma_semaphore, #tpu.memory_space<semaphore_mem>>
      %dma_wait3A_153 = tpu.memref_squeeze %dma_wait3A_152 : memref<1x!tpu.dma_semaphore, #tpu.memory_space<semaphore_mem>> -> memref<!tpu.dma_semaphore, #tpu.memory_space<semaphore_mem>>
      tpu.wait_indirect_dma semaphore(%dma_wait3A_153 : memref<!tpu.dma_semaphore, #tpu.memory_space<semaphore_mem>>) src(%dma_wait3A_151 : memref<10000x64xi32, #tpu.memory_space<vmem_shared>>) dst(%dma_wait3A_147 : memref<128x64xi32, #tpu.memory_space<vmem>>)
      %scan3A_154 = arith.constant 0 : i32
      %scan3A_155 = arith.constant 0 : i32
      %scan3A_156 = arith.constant 8 : i32
      %scan3A_157 = arith.addi %scan3A_155, %scan3A_156 : i32
      %scan3A_158 = arith.constant 1 : i32
      scf.for %scan3A_226 = %scan3A_155 to %scan3A_157 step %scan3A_158  : i32 {
        %iota3A_227 = tpu.iota {dimensions = array<i32: 0>} : vector<16xi32>
        %mul3A_228 = arith.constant 16 : i32
        %mul3A_229 = arith.muli %scan3A_226, %mul3A_228 : i32
        %add3A_230 = vector.broadcast %mul3A_229 : i32 to vector<16xi32>
        %add3A_231 = arith.addi %iota3A_227, %add3A_230 : vector<16xi32>
        %iota3A_232 = tpu.iota {dimensions = array<i32: 0>} : vector<16xi32>
        %broadcast_in_dim3A_233 = arith.constant 0.000000e+00 : f32
        %broadcast_in_dim3A_234 = vector.broadcast %broadcast_in_dim3A_233 : f32 to vector<16xf32>
        %scan3A_235 = arith.constant 0 : i32
        %scan3A_236 = arith.constant 4 : i32
        %scan3A_237 = arith.addi %scan3A_235, %scan3A_236 : i32
        %scan3A_238 = arith.constant 1 : i32
        %scan3A_239:4 = scf.for %scan3A_251 = %scan3A_235 to %scan3A_237 step %scan3A_238 iter_args(%scan3A_252 = %broadcast_in_dim3A_234, %scan3A_253 = %broadcast_in_dim3A_234, %scan3A_254 = %broadcast_in_dim3A_234, %scan3A_255 = %broadcast_in_dim3A_234) -> (vector<16xf32>, vector<16xf32>, vector<16xf32>, vector<16xf32>)  : i32 {
          %mul3A_256 = arith.constant 16 : i32
          %mul3A_257 = arith.muli %scan3A_251, %mul3A_256 : i32
          %add3A_258 = arith.constant 0 : i32
          %add3A_259 = arith.addi %mul3A_257, %add3A_258 : i32
          %add3A_260 = vector.broadcast %add3A_259 : i32 to vector<16xi32>
          %add3A_261 = arith.addi %iota3A_232, %add3A_260 : vector<16xi32>
          %and3A = arith.constant 63 : i32
          %and3A_262 = vector.broadcast %and3A : i32 to vector<16xi32>
          %and3A_263 = arith.andi %add3A_261, %and3A_262 : vector<16xi32>
          %gather3A = arith.constant 0 : i32
          %gather3A_264 = arith.constant 0 : i32
          %gather3A_265 = arith.constant 0 : i32
          %gather3A_266 = tpu.memref_slice %arg8[%gather3A, %gather3A_264, %gather3A_265] : memref<2x128x64xi32, #tpu.memory_space<vmem>> -> memref<1x128x64xi32, #tpu.memory_space<vmem>>
          %gather3A_267 = tpu.memref_squeeze %gather3A_266 : memref<1x128x64xi32, #tpu.memory_space<vmem>> -> memref<128x64xi32, #tpu.memory_space<vmem>>
          %gather3A_268 = tpu.vector_load_idx %gather3A_267[%add3A_231, %and3A_263] : memref<128x64xi32, #tpu.memory_space<vmem>>[vector<16xi32>, vector<16xi32>], vector<16xi32>,
          %gather3A_269 = arith.constant 0 : i32
          %gather3A_270 = arith.constant 0 : i32
          %gather3A_271 = arith.constant 0 : i32
          %gather3A_272 = tpu.memref_slice %arg9[%gather3A_269, %gather3A_270, %gather3A_271] : memref<2x128x64xi32, #tpu.memory_space<vmem>> -> memref<1x128x64xi32, #tpu.memory_space<vmem>>
          %gather3A_273 = tpu.memref_squeeze %gather3A_272 : memref<1x128x64xi32, #tpu.memory_space<vmem>> -> memref<128x64xi32, #tpu.memory_space<vmem>>
          %gather3A_274 = tpu.vector_load_idx %gather3A_273[%add3A_231, %and3A_263] : memref<128x64xi32, #tpu.memory_space<vmem>>[vector<16xi32>, vector<16xi32>], vector<16xi32>,
          %bitcast3A = vector.bitcast %gather3A_268 : vector<16xi32> to vector<32xbf16>
          %bitcast3A_275 = vector.bitcast %gather3A_274 : vector<16xi32> to vector<32xbf16>
          %mul3A_276 = arith.mulf %bitcast3A, %bitcast3A_275 : vector<32xbf16>
          %bitcast3A_277 = vector.bitcast %mul3A_276 : vector<32xbf16> to vector<16xi32>
          %shift_left3A = arith.constant 16 : i32
          %shift_left3A_278 = vector.broadcast %shift_left3A : i32 to vector<16xi32>
          %shift_left3A_279 = arith.shli %bitcast3A_277, %shift_left3A_278 : vector<16xi32>
          %bitcast3A_280 = vector.bitcast %shift_left3A_279 : vector<16xi32> to vector<16xf32>
          %and3A_281 = arith.constant -65536 : i32
          %and3A_282 = vector.broadcast %and3A_281 : i32 to vector<16xi32>
          %and3A_283 = arith.andi %bitcast3A_277, %and3A_282 : vector<16xi32>
          %bitcast3A_284 = vector.bitcast %and3A_283 : vector<16xi32> to vector<16xf32>
          %add3A_285 = arith.addf %scan3A_252, %bitcast3A_280 : vector<16xf32>
          %add3A_286 = arith.addf %scan3A_253, %bitcast3A_284 : vector<16xf32>
          %mul3A_287 = arith.constant 16 : i32
          %mul3A_288 = arith.muli %scan3A_251, %mul3A_287 : i32
          %add3A_289 = arith.constant 1 : i32
          %add3A_290 = arith.addi %mul3A_288, %add3A_289 : i32
          %add3A_291 = vector.broadcast %add3A_290 : i32 to vector<16xi32>
          %add3A_292 = arith.addi %iota3A_232, %add3A_291 : vector<16xi32>
          %and3A_293 = arith.constant 63 : i32
          %and3A_294 = vector.broadcast %and3A_293 : i32 to vector<16xi32>
          %and3A_295 = arith.andi %add3A_292, %and3A_294 : vector<16xi32>
          %gather3A_296 = arith.constant 0 : i32
          %gather3A_297 = arith.constant 0 : i32
          %gather3A_298 = arith.constant 0 : i32
          %gather3A_299 = tpu.memref_slice %arg8[%gather3A_296, %gather3A_297, %gather3A_298] : memref<2x128x64xi32, #tpu.memory_space<vmem>> -> memref<1x128x64xi32, #tpu.memory_space<vmem>>
          %gather3A_300 = tpu.memref_squeeze %gather3A_299 : memref<1x128x64xi32, #tpu.memory_space<vmem>> -> memref<128x64xi32, #tpu.memory_space<vmem>>
          %gather3A_301 = tpu.vector_load_idx %gather3A_300[%add3A_231, %and3A_295] : memref<128x64xi32, #tpu.memory_space<vmem>>[vector<16xi32>, vector<16xi32>], vector<16xi32>,
          %gather3A_302 = arith.constant 0 : i32
          %gather3A_303 = arith.constant 0 : i32
          %gather3A_304 = arith.constant 0 : i32
          %gather3A_305 = tpu.memref_slice %arg9[%gather3A_302, %gather3A_303, %gather3A_304] : memref<2x128x64xi32, #tpu.memory_space<vmem>> -> memref<1x128x64xi32, #tpu.memory_space<vmem>>
          %gather3A_306 = tpu.memref_squeeze %gather3A_305 : memref<1x128x64xi32, #tpu.memory_space<vmem>> -> memref<128x64xi32, #tpu.memory_space<vmem>>
          %gather3A_307 = tpu.vector_load_idx %gather3A_306[%add3A_231, %and3A_295] : memref<128x64xi32, #tpu.memory_space<vmem>>[vector<16xi32>, vector<16xi32>], vector<16xi32>,
          %bitcast3A_308 = vector.bitcast %gather3A_301 : vector<16xi32> to vector<32xbf16>
          %bitcast3A_309 = vector.bitcast %gather3A_307 : vector<16xi32> to vector<32xbf16>
          %mul3A_310 = arith.mulf %bitcast3A_308, %bitcast3A_309 : vector<32xbf16>
          %bitcast3A_311 = vector.bitcast %mul3A_310 : vector<32xbf16> to vector<16xi32>
          %shift_left3A_312 = arith.constant 16 : i32
          %shift_left3A_313 = vector.broadcast %shift_left3A_312 : i32 to vector<16xi32>
          %shift_left3A_314 = arith.shli %bitcast3A_311, %shift_left3A_313 : vector<16xi32>
          %bitcast3A_315 = vector.bitcast %shift_left3A_314 : vector<16xi32> to vector<16xf32>
          %and3A_316 = arith.constant -65536 : i32
          %and3A_317 = vector.broadcast %and3A_316 : i32 to vector<16xi32>
          %and3A_318 = arith.andi %bitcast3A_311, %and3A_317 : vector<16xi32>
          %bitcast3A_319 = vector.bitcast %and3A_318 : vector<16xi32> to vector<16xf32>
          %add3A_320 = arith.addf %scan3A_254, %bitcast3A_315 : vector<16xf32>
          %add3A_321 = arith.addf %scan3A_255, %bitcast3A_319 : vector<16xf32>
          %mul3A_322 = arith.constant 16 : i32
          %mul3A_323 = arith.muli %scan3A_251, %mul3A_322 : i32
          %add3A_324 = arith.constant 2 : i32
          %add3A_325 = arith.addi %mul3A_323, %add3A_324 : i32
          %add3A_326 = vector.broadcast %add3A_325 : i32 to vector<16xi32>
          %add3A_327 = arith.addi %iota3A_232, %add3A_326 : vector<16xi32>
          %and3A_328 = arith.constant 63 : i32
          %and3A_329 = vector.broadcast %and3A_328 : i32 to vector<16xi32>
          %and3A_330 = arith.andi %add3A_327, %and3A_329 : vector<16xi32>
          %gather3A_331 = arith.constant 0 : i32
          %gather3A_332 = arith.constant 0 : i32
          %gather3A_333 = arith.constant 0 : i32
          %gather3A_334 = tpu.memref_slice %arg8[%gather3A_331, %gather3A_332, %gather3A_333] : memref<2x128x64xi32, #tpu.memory_space<vmem>> -> memref<1x128x64xi32, #tpu.memory_space<vmem>>
          %gather3A_335 = tpu.memref_squeeze %gather3A_334 : memref<1x128x64xi32, #tpu.memory_space<vmem>> -> memref<128x64xi32, #tpu.memory_space<vmem>>
          %gather3A_336 = tpu.vector_load_idx %gather3A_335[%add3A_231, %and3A_330] : memref<128x64xi32, #tpu.memory_space<vmem>>[vector<16xi32>, vector<16xi32>], vector<16xi32>,
          %gather3A_337 = arith.constant 0 : i32
          %gather3A_338 = arith.constant 0 : i32
          %gather3A_339 = arith.constant 0 : i32
          %gather3A_340 = tpu.memref_slice %arg9[%gather3A_337, %gather3A_338, %gather3A_339] : memref<2x128x64xi32, #tpu.memory_space<vmem>> -> memref<1x128x64xi32, #tpu.memory_space<vmem>>
          %gather3A_341 = tpu.memref_squeeze %gather3A_340 : memref<1x128x64xi32, #tpu.memory_space<vmem>> -> memref<128x64xi32, #tpu.memory_space<vmem>>
          %gather3A_342 = tpu.vector_load_idx %gather3A_341[%add3A_231, %and3A_330] : memref<128x64xi32, #tpu.memory_space<vmem>>[vector<16xi32>, vector<16xi32>], vector<16xi32>,
          %bitcast3A_343 = vector.bitcast %gather3A_336 : vector<16xi32> to vector<32xbf16>
          %bitcast3A_344 = vector.bitcast %gather3A_342 : vector<16xi32> to vector<32xbf16>
          %mul3A_345 = arith.mulf %bitcast3A_343, %bitcast3A_344 : vector<32xbf16>
          %bitcast3A_346 = vector.bitcast %mul3A_345 : vector<32xbf16> to vector<16xi32>
          %shift_left3A_347 = arith.constant 16 : i32
          %shift_left3A_348 = vector.broadcast %shift_left3A_347 : i32 to vector<16xi32>
          %shift_left3A_349 = arith.shli %bitcast3A_346, %shift_left3A_348 : vector<16xi32>
          %bitcast3A_350 = vector.bitcast %shift_left3A_349 : vector<16xi32> to vector<16xf32>
          %and3A_351 = arith.constant -65536 : i32
          %and3A_352 = vector.broadcast %and3A_351 : i32 to vector<16xi32>
          %and3A_353 = arith.andi %bitcast3A_346, %and3A_352 : vector<16xi32>
          %bitcast3A_354 = vector.bitcast %and3A_353 : vector<16xi32> to vector<16xf32>
          %add3A_355 = arith.addf %add3A_285, %bitcast3A_350 : vector<16xf32>
          %add3A_356 = arith.addf %add3A_286, %bitcast3A_354 : vector<16xf32>
          %mul3A_357 = arith.constant 16 : i32
          %mul3A_358 = arith.muli %scan3A_251, %mul3A_357 : i32
          %add3A_359 = arith.constant 3 : i32
          %add3A_360 = arith.addi %mul3A_358, %add3A_359 : i32
          %add3A_361 = vector.broadcast %add3A_360 : i32 to vector<16xi32>
          %add3A_362 = arith.addi %iota3A_232, %add3A_361 : vector<16xi32>
          %and3A_363 = arith.constant 63 : i32
          %and3A_364 = vector.broadcast %and3A_363 : i32 to vector<16xi32>
          %and3A_365 = arith.andi %add3A_362, %and3A_364 : vector<16xi32>
          %gather3A_366 = arith.constant 0 : i32
          %gather3A_367 = arith.constant 0 : i32
          %gather3A_368 = arith.constant 0 : i32
          %gather3A_369 = tpu.memref_slice %arg8[%gather3A_366, %gather3A_367, %gather3A_368] : memref<2x128x64xi32, #tpu.memory_space<vmem>> -> memref<1x128x64xi32, #tpu.memory_space<vmem>>
          %gather3A_370 = tpu.memref_squeeze %gather3A_369 : memref<1x128x64xi32, #tpu.memory_space<vmem>> -> memref<128x64xi32, #tpu.memory_space<vmem>>
          %gather3A_371 = tpu.vector_load_idx %gather3A_370[%add3A_231, %and3A_365] : memref<128x64xi32, #tpu.memory_space<vmem>>[vector<16xi32>, vector<16xi32>], vector<16xi32>,
          %gather3A_372 = arith.constant 0 : i32
          %gather3A_373 = arith.constant 0 : i32
          %gather3A_374 = arith.constant 0 : i32
          %gather3A_375 = tpu.memref_slice %arg9[%gather3A_372, %gather3A_373, %gather3A_374] : memref<2x128x64xi32, #tpu.memory_space<vmem>> -> memref<1x128x64xi32, #tpu.memory_space<vmem>>
          %gather3A_376 = tpu.memref_squeeze %gather3A_375 : memref<1x128x64xi32, #tpu.memory_space<vmem>> -> memref<128x64xi32, #tpu.memory_space<vmem>>
          %gather3A_377 = tpu.vector_load_idx %gather3A_376[%add3A_231, %and3A_365] : memref<128x64xi32, #tpu.memory_space<vmem>>[vector<16xi32>, vector<16xi32>], vector<16xi32>,
          %bitcast3A_378 = vector.bitcast %gather3A_371 : vector<16xi32> to vector<32xbf16>
          %bitcast3A_379 = vector.bitcast %gather3A_377 : vector<16xi32> to vector<32xbf16>
          %mul3A_380 = arith.mulf %bitcast3A_378, %bitcast3A_379 : vector<32xbf16>
          %bitcast3A_381 = vector.bitcast %mul3A_380 : vector<32xbf16> to vector<16xi32>
          %shift_left3A_382 = arith.constant 16 : i32
          %shift_left3A_383 = vector.broadcast %shift_left3A_382 : i32 to vector<16xi32>
          %shift_left3A_384 = arith.shli %bitcast3A_381, %shift_left3A_383 : vector<16xi32>
          %bitcast3A_385 = vector.bitcast %shift_left3A_384 : vector<16xi32> to vector<16xf32>
          %and3A_386 = arith.constant -65536 : i32
          %and3A_387 = vector.broadcast %and3A_386 : i32 to vector<16xi32>
          %and3A_388 = arith.andi %bitcast3A_381, %and3A_387 : vector<16xi32>
          %bitcast3A_389 = vector.bitcast %and3A_388 : vector<16xi32> to vector<16xf32>
          %add3A_390 = arith.addf %add3A_320, %bitcast3A_385 : vector<16xf32>
          %add3A_391 = arith.addf %add3A_321, %bitcast3A_389 : vector<16xf32>
          %mul3A_392 = arith.constant 16 : i32
          %mul3A_393 = arith.muli %scan3A_251, %mul3A_392 : i32
          %add3A_394 = arith.constant 4 : i32
          %add3A_395 = arith.addi %mul3A_393, %add3A_394 : i32
          %add3A_396 = vector.broadcast %add3A_395 : i32 to vector<16xi32>
          %add3A_397 = arith.addi %iota3A_232, %add3A_396 : vector<16xi32>
          %and3A_398 = arith.constant 63 : i32
          %and3A_399 = vector.broadcast %and3A_398 : i32 to vector<16xi32>
          %and3A_400 = arith.andi %add3A_397, %and3A_399 : vector<16xi32>
          %gather3A_401 = arith.constant 0 : i32
          %gather3A_402 = arith.constant 0 : i32
          %gather3A_403 = arith.constant 0 : i32
          %gather3A_404 = tpu.memref_slice %arg8[%gather3A_401, %gather3A_402, %gather3A_403] : memref<2x128x64xi32, #tpu.memory_space<vmem>> -> memref<1x128x64xi32, #tpu.memory_space<vmem>>
          %gather3A_405 = tpu.memref_squeeze %gather3A_404 : memref<1x128x64xi32, #tpu.memory_space<vmem>> -> memref<128x64xi32, #tpu.memory_space<vmem>>
          %gather3A_406 = tpu.vector_load_idx %gather3A_405[%add3A_231, %and3A_400] : memref<128x64xi32, #tpu.memory_space<vmem>>[vector<16xi32>, vector<16xi32>], vector<16xi32>,
          %gather3A_407 = arith.constant 0 : i32
          %gather3A_408 = arith.constant 0 : i32
          %gather3A_409 = arith.constant 0 : i32
          %gather3A_410 = tpu.memref_slice %arg9[%gather3A_407, %gather3A_408, %gather3A_409] : memref<2x128x64xi32, #tpu.memory_space<vmem>> -> memref<1x128x64xi32, #tpu.memory_space<vmem>>
          %gather3A_411 = tpu.memref_squeeze %gather3A_410 : memref<1x128x64xi32, #tpu.memory_space<vmem>> -> memref<128x64xi32, #tpu.memory_space<vmem>>
          %gather3A_412 = tpu.vector_load_idx %gather3A_411[%add3A_231, %and3A_400] : memref<128x64xi32, #tpu.memory_space<vmem>>[vector<16xi32>, vector<16xi32>], vector<16xi32>,
          %bitcast3A_413 = vector.bitcast %gather3A_406 : vector<16xi32> to vector<32xbf16>
          %bitcast3A_414 = vector.bitcast %gather3A_412 : vector<16xi32> to vector<32xbf16>
          %mul3A_415 = arith.mulf %bitcast3A_413, %bitcast3A_414 : vector<32xbf16>
          %bitcast3A_416 = vector.bitcast %mul3A_415 : vector<32xbf16> to vector<16xi32>
          %shift_left3A_417 = arith.constant 16 : i32
          %shift_left3A_418 = vector.broadcast %shift_left3A_417 : i32 to vector<16xi32>
          %shift_left3A_419 = arith.shli %bitcast3A_416, %shift_left3A_418 : vector<16xi32>
          %bitcast3A_420 = vector.bitcast %shift_left3A_419 : vector<16xi32> to vector<16xf32>
          %and3A_421 = arith.constant -65536 : i32
          %and3A_422 = vector.broadcast %and3A_421 : i32 to vector<16xi32>
          %and3A_423 = arith.andi %bitcast3A_416, %and3A_422 : vector<16xi32>
          %bitcast3A_424 = vector.bitcast %and3A_423 : vector<16xi32> to vector<16xf32>
          %add3A_425 = arith.addf %add3A_355, %bitcast3A_420 : vector<16xf32>
          %add3A_426 = arith.addf %add3A_356, %bitcast3A_424 : vector<16xf32>
          %mul3A_427 = arith.constant 16 : i32
          %mul3A_428 = arith.muli %scan3A_251, %mul3A_427 : i32
          %add3A_429 = arith.constant 5 : i32
          %add3A_430 = arith.addi %mul3A_428, %add3A_429 : i32
          %add3A_431 = vector.broadcast %add3A_430 : i32 to vector<16xi32>
          %add3A_432 = arith.addi %iota3A_232, %add3A_431 : vector<16xi32>
          %and3A_433 = arith.constant 63 : i32
          %and3A_434 = vector.broadcast %and3A_433 : i32 to vector<16xi32>
          %and3A_435 = arith.andi %add3A_432, %and3A_434 : vector<16xi32>
          %gather3A_436 = arith.constant 0 : i32
          %gather3A_437 = arith.constant 0 : i32
          %gather3A_438 = arith.constant 0 : i32
          %gather3A_439 = tpu.memref_slice %arg8[%gather3A_436, %gather3A_437, %gather3A_438] : memref<2x128x64xi32, #tpu.memory_space<vmem>> -> memref<1x128x64xi32, #tpu.memory_space<vmem>>
          %gather3A_440 = tpu.memref_squeeze %gather3A_439 : memref<1x128x64xi32, #tpu.memory_space<vmem>> -> memref<128x64xi32, #tpu.memory_space<vmem>>
          %gather3A_441 = tpu.vector_load_idx %gather3A_440[%add3A_231, %and3A_435] : memref<128x64xi32, #tpu.memory_space<vmem>>[vector<16xi32>, vector<16xi32>], vector<16xi32>,
          %gather3A_442 = arith.constant 0 : i32
          %gather3A_443 = arith.constant 0 : i32
          %gather3A_444 = arith.constant 0 : i32
          %gather3A_445 = tpu.memref_slice %arg9[%gather3A_442, %gather3A_443, %gather3A_444] : memref<2x128x64xi32, #tpu.memory_space<vmem>> -> memref<1x128x64xi32, #tpu.memory_space<vmem>>
          %gather3A_446 = tpu.memref_squeeze %gather3A_445 : memref<1x128x64xi32, #tpu.memory_space<vmem>> -> memref<128x64xi32, #tpu.memory_space<vmem>>
          %gather3A_447 = tpu.vector_load_idx %gather3A_446[%add3A_231, %and3A_435] : memref<128x64xi32, #tpu.memory_space<vmem>>[vector<16xi32>, vector<16xi32>], vector<16xi32>,
          %bitcast3A_448 = vector.bitcast %gather3A_441 : vector<16xi32> to vector<32xbf16>
          %bitcast3A_449 = vector.bitcast %gather3A_447 : vector<16xi32> to vector<32xbf16>
          %mul3A_450 = arith.mulf %bitcast3A_448, %bitcast3A_449 : vector<32xbf16>
          %bitcast3A_451 = vector.bitcast %mul3A_450 : vector<32xbf16> to vector<16xi32>
          %shift_left3A_452 = arith.constant 16 : i32
          %shift_left3A_453 = vector.broadcast %shift_left3A_452 : i32 to vector<16xi32>
          %shift_left3A_454 = arith.shli %bitcast3A_451, %shift_left3A_453 : vector<16xi32>
          %bitcast3A_455 = vector.bitcast %shift_left3A_454 : vector<16xi32> to vector<16xf32>
          %and3A_456 = arith.constant -65536 : i32
          %and3A_457 = vector.broadcast %and3A_456 : i32 to vector<16xi32>
          %and3A_458 = arith.andi %bitcast3A_451, %and3A_457 : vector<16xi32>
          %bitcast3A_459 = vector.bitcast %and3A_458 : vector<16xi32> to vector<16xf32>
          %add3A_460 = arith.addf %add3A_390, %bitcast3A_455 : vector<16xf32>
          %add3A_461 = arith.addf %add3A_391, %bitcast3A_459 : vector<16xf32>
          %mul3A_462 = arith.constant 16 : i32
          %mul3A_463 = arith.muli %scan3A_251, %mul3A_462 : i32
          %add3A_464 = arith.constant 6 : i32
          %add3A_465 = arith.addi %mul3A_463, %add3A_464 : i32
          %add3A_466 = vector.broadcast %add3A_465 : i32 to vector<16xi32>
          %add3A_467 = arith.addi %iota3A_232, %add3A_466 : vector<16xi32>
          %and3A_468 = arith.constant 63 : i32
          %and3A_469 = vector.broadcast %and3A_468 : i32 to vector<16xi32>
          %and3A_470 = arith.andi %add3A_467, %and3A_469 : vector<16xi32>
          %gather3A_471 = arith.constant 0 : i32
          %gather3A_472 = arith.constant 0 : i32
          %gather3A_473 = arith.constant 0 : i32
          %gather3A_474 = tpu.memref_slice %arg8[%gather3A_471, %gather3A_472, %gather3A_473] : memref<2x128x64xi32, #tpu.memory_space<vmem>> -> memref<1x128x64xi32, #tpu.memory_space<vmem>>
          %gather3A_475 = tpu.memref_squeeze %gather3A_474 : memref<1x128x64xi32, #tpu.memory_space<vmem>> -> memref<128x64xi32, #tpu.memory_space<vmem>>
          %gather3A_476 = tpu.vector_load_idx %gather3A_475[%add3A_231, %and3A_470] : memref<128x64xi32, #tpu.memory_space<vmem>>[vector<16xi32>, vector<16xi32>], vector<16xi32>,
          %gather3A_477 = arith.constant 0 : i32
          %gather3A_478 = arith.constant 0 : i32
          %gather3A_479 = arith.constant 0 : i32
          %gather3A_480 = tpu.memref_slice %arg9[%gather3A_477, %gather3A_478, %gather3A_479] : memref<2x128x64xi32, #tpu.memory_space<vmem>> -> memref<1x128x64xi32, #tpu.memory_space<vmem>>
          %gather3A_481 = tpu.memref_squeeze %gather3A_480 : memref<1x128x64xi32, #tpu.memory_space<vmem>> -> memref<128x64xi32, #tpu.memory_space<vmem>>
          %gather3A_482 = tpu.vector_load_idx %gather3A_481[%add3A_231, %and3A_470] : memref<128x64xi32, #tpu.memory_space<vmem>>[vector<16xi32>, vector<16xi32>], vector<16xi32>,
          %bitcast3A_483 = vector.bitcast %gather3A_476 : vector<16xi32> to vector<32xbf16>
          %bitcast3A_484 = vector.bitcast %gather3A_482 : vector<16xi32> to vector<32xbf16>
          %mul3A_485 = arith.mulf %bitcast3A_483, %bitcast3A_484 : vector<32xbf16>
          %bitcast3A_486 = vector.bitcast %mul3A_485 : vector<32xbf16> to vector<16xi32>
          %shift_left3A_487 = arith.constant 16 : i32
          %shift_left3A_488 = vector.broadcast %shift_left3A_487 : i32 to vector<16xi32>
          %shift_left3A_489 = arith.shli %bitcast3A_486, %shift_left3A_488 : vector<16xi32>
          %bitcast3A_490 = vector.bitcast %shift_left3A_489 : vector<16xi32> to vector<16xf32>
          %and3A_491 = arith.constant -65536 : i32
          %and3A_492 = vector.broadcast %and3A_491 : i32 to vector<16xi32>
          %and3A_493 = arith.andi %bitcast3A_486, %and3A_492 : vector<16xi32>
          %bitcast3A_494 = vector.bitcast %and3A_493 : vector<16xi32> to vector<16xf32>
          %add3A_495 = arith.addf %add3A_425, %bitcast3A_490 : vector<16xf32>
          %add3A_496 = arith.addf %add3A_426, %bitcast3A_494 : vector<16xf32>
          %mul3A_497 = arith.constant 16 : i32
          %mul3A_498 = arith.muli %scan3A_251, %mul3A_497 : i32
          %add3A_499 = arith.constant 7 : i32
          %add3A_500 = arith.addi %mul3A_498, %add3A_499 : i32
          %add3A_501 = vector.broadcast %add3A_500 : i32 to vector<16xi32>
          %add3A_502 = arith.addi %iota3A_232, %add3A_501 : vector<16xi32>
          %and3A_503 = arith.constant 63 : i32
          %and3A_504 = vector.broadcast %and3A_503 : i32 to vector<16xi32>
          %and3A_505 = arith.andi %add3A_502, %and3A_504 : vector<16xi32>
          %gather3A_506 = arith.constant 0 : i32
          %gather3A_507 = arith.constant 0 : i32
          %gather3A_508 = arith.constant 0 : i32
          %gather3A_509 = tpu.memref_slice %arg8[%gather3A_506, %gather3A_507, %gather3A_508] : memref<2x128x64xi32, #tpu.memory_space<vmem>> -> memref<1x128x64xi32, #tpu.memory_space<vmem>>
          %gather3A_510 = tpu.memref_squeeze %gather3A_509 : memref<1x128x64xi32, #tpu.memory_space<vmem>> -> memref<128x64xi32, #tpu.memory_space<vmem>>
          %gather3A_511 = tpu.vector_load_idx %gather3A_510[%add3A_231, %and3A_505] : memref<128x64xi32, #tpu.memory_space<vmem>>[vector<16xi32>, vector<16xi32>], vector<16xi32>,
          %gather3A_512 = arith.constant 0 : i32
          %gather3A_513 = arith.constant 0 : i32
          %gather3A_514 = arith.constant 0 : i32
          %gather3A_515 = tpu.memref_slice %arg9[%gather3A_512, %gather3A_513, %gather3A_514] : memref<2x128x64xi32, #tpu.memory_space<vmem>> -> memref<1x128x64xi32, #tpu.memory_space<vmem>>
          %gather3A_516 = tpu.memref_squeeze %gather3A_515 : memref<1x128x64xi32, #tpu.memory_space<vmem>> -> memref<128x64xi32, #tpu.memory_space<vmem>>
          %gather3A_517 = tpu.vector_load_idx %gather3A_516[%add3A_231, %and3A_505] : memref<128x64xi32, #tpu.memory_space<vmem>>[vector<16xi32>, vector<16xi32>], vector<16xi32>,
          %bitcast3A_518 = vector.bitcast %gather3A_511 : vector<16xi32> to vector<32xbf16>
          %bitcast3A_519 = vector.bitcast %gather3A_517 : vector<16xi32> to vector<32xbf16>
          %mul3A_520 = arith.mulf %bitcast3A_518, %bitcast3A_519 : vector<32xbf16>
          %bitcast3A_521 = vector.bitcast %mul3A_520 : vector<32xbf16> to vector<16xi32>
          %shift_left3A_522 = arith.constant 16 : i32
          %shift_left3A_523 = vector.broadcast %shift_left3A_522 : i32 to vector<16xi32>
          %shift_left3A_524 = arith.shli %bitcast3A_521, %shift_left3A_523 : vector<16xi32>
          %bitcast3A_525 = vector.bitcast %shift_left3A_524 : vector<16xi32> to vector<16xf32>
          %and3A_526 = arith.constant -65536 : i32
          %and3A_527 = vector.broadcast %and3A_526 : i32 to vector<16xi32>
          %and3A_528 = arith.andi %bitcast3A_521, %and3A_527 : vector<16xi32>
          %bitcast3A_529 = vector.bitcast %and3A_528 : vector<16xi32> to vector<16xf32>
          %add3A_530 = arith.addf %add3A_460, %bitcast3A_525 : vector<16xf32>
          %add3A_531 = arith.addf %add3A_461, %bitcast3A_529 : vector<16xf32>
          %mul3A_532 = arith.constant 16 : i32
          %mul3A_533 = arith.muli %scan3A_251, %mul3A_532 : i32
          %add3A_534 = arith.constant 8 : i32
          %add3A_535 = arith.addi %mul3A_533, %add3A_534 : i32
          %add3A_536 = vector.broadcast %add3A_535 : i32 to vector<16xi32>
          %add3A_537 = arith.addi %iota3A_232, %add3A_536 : vector<16xi32>
          %and3A_538 = arith.constant 63 : i32
          %and3A_539 = vector.broadcast %and3A_538 : i32 to vector<16xi32>
          %and3A_540 = arith.andi %add3A_537, %and3A_539 : vector<16xi32>
          %gather3A_541 = arith.constant 0 : i32
          %gather3A_542 = arith.constant 0 : i32
          %gather3A_543 = arith.constant 0 : i32
          %gather3A_544 = tpu.memref_slice %arg8[%gather3A_541, %gather3A_542, %gather3A_543] : memref<2x128x64xi32, #tpu.memory_space<vmem>> -> memref<1x128x64xi32, #tpu.memory_space<vmem>>
          %gather3A_545 = tpu.memref_squeeze %gather3A_544 : memref<1x128x64xi32, #tpu.memory_space<vmem>> -> memref<128x64xi32, #tpu.memory_space<vmem>>
          %gather3A_546 = tpu.vector_load_idx %gather3A_545[%add3A_231, %and3A_540] : memref<128x64xi32, #tpu.memory_space<vmem>>[vector<16xi32>, vector<16xi32>], vector<16xi32>,
          %gather3A_547 = arith.constant 0 : i32
          %gather3A_548 = arith.constant 0 : i32
          %gather3A_549 = arith.constant 0 : i32
          %gather3A_550 = tpu.memref_slice %arg9[%gather3A_547, %gather3A_548, %gather3A_549] : memref<2x128x64xi32, #tpu.memory_space<vmem>> -> memref<1x128x64xi32, #tpu.memory_space<vmem>>
          %gather3A_551 = tpu.memref_squeeze %gather3A_550 : memref<1x128x64xi32, #tpu.memory_space<vmem>> -> memref<128x64xi32, #tpu.memory_space<vmem>>
          %gather3A_552 = tpu.vector_load_idx %gather3A_551[%add3A_231, %and3A_540] : memref<128x64xi32, #tpu.memory_space<vmem>>[vector<16xi32>, vector<16xi32>], vector<16xi32>,
          %bitcast3A_553 = vector.bitcast %gather3A_546 : vector<16xi32> to vector<32xbf16>
          %bitcast3A_554 = vector.bitcast %gather3A_552 : vector<16xi32> to vector<32xbf16>
          %mul3A_555 = arith.mulf %bitcast3A_553, %bitcast3A_554 : vector<32xbf16>
          %bitcast3A_556 = vector.bitcast %mul3A_555 : vector<32xbf16> to vector<16xi32>
          %shift_left3A_557 = arith.constant 16 : i32
          %shift_left3A_558 = vector.broadcast %shift_left3A_557 : i32 to vector<16xi32>
          %shift_left3A_559 = arith.shli %bitcast3A_556, %shift_left3A_558 : vector<16xi32>
          %bitcast3A_560 = vector.bitcast %shift_left3A_559 : vector<16xi32> to vector<16xf32>
          %and3A_561 = arith.constant -65536 : i32
          %and3A_562 = vector.broadcast %and3A_561 : i32 to vector<16xi32>
          %and3A_563 = arith.andi %bitcast3A_556, %and3A_562 : vector<16xi32>
          %bitcast3A_564 = vector.bitcast %and3A_563 : vector<16xi32> to vector<16xf32>
          %add3A_565 = arith.addf %add3A_495, %bitcast3A_560 : vector<16xf32>
          %add3A_566 = arith.addf %add3A_496, %bitcast3A_564 : vector<16xf32>
          %mul3A_567 = arith.constant 16 : i32
          %mul3A_568 = arith.muli %scan3A_251, %mul3A_567 : i32
          %add3A_569 = arith.constant 9 : i32
          %add3A_570 = arith.addi %mul3A_568, %add3A_569 : i32
          %add3A_571 = vector.broadcast %add3A_570 : i32 to vector<16xi32>
          %add3A_572 = arith.addi %iota3A_232, %add3A_571 : vector<16xi32>
          %and3A_573 = arith.constant 63 : i32
          %and3A_574 = vector.broadcast %and3A_573 : i32 to vector<16xi32>
          %and3A_575 = arith.andi %add3A_572, %and3A_574 : vector<16xi32>
          %gather3A_576 = arith.constant 0 : i32
          %gather3A_577 = arith.constant 0 : i32
          %gather3A_578 = arith.constant 0 : i32
          %gather3A_579 = tpu.memref_slice %arg8[%gather3A_576, %gather3A_577, %gather3A_578] : memref<2x128x64xi32, #tpu.memory_space<vmem>> -> memref<1x128x64xi32, #tpu.memory_space<vmem>>
          %gather3A_580 = tpu.memref_squeeze %gather3A_579 : memref<1x128x64xi32, #tpu.memory_space<vmem>> -> memref<128x64xi32, #tpu.memory_space<vmem>>
          %gather3A_581 = tpu.vector_load_idx %gather3A_580[%add3A_231, %and3A_575] : memref<128x64xi32, #tpu.memory_space<vmem>>[vector<16xi32>, vector<16xi32>], vector<16xi32>,
          %gather3A_582 = arith.constant 0 : i32
          %gather3A_583 = arith.constant 0 : i32
          %gather3A_584 = arith.constant 0 : i32
          %gather3A_585 = tpu.memref_slice %arg9[%gather3A_582, %gather3A_583, %gather3A_584] : memref<2x128x64xi32, #tpu.memory_space<vmem>> -> memref<1x128x64xi32, #tpu.memory_space<vmem>>
          %gather3A_586 = tpu.memref_squeeze %gather3A_585 : memref<1x128x64xi32, #tpu.memory_space<vmem>> -> memref<128x64xi32, #tpu.memory_space<vmem>>
          %gather3A_587 = tpu.vector_load_idx %gather3A_586[%add3A_231, %and3A_575] : memref<128x64xi32, #tpu.memory_space<vmem>>[vector<16xi32>, vector<16xi32>], vector<16xi32>,
          %bitcast3A_588 = vector.bitcast %gather3A_581 : vector<16xi32> to vector<32xbf16>
          %bitcast3A_589 = vector.bitcast %gather3A_587 : vector<16xi32> to vector<32xbf16>
          %mul3A_590 = arith.mulf %bitcast3A_588, %bitcast3A_589 : vector<32xbf16>
          %bitcast3A_591 = vector.bitcast %mul3A_590 : vector<32xbf16> to vector<16xi32>
          %shift_left3A_592 = arith.constant 16 : i32
          %shift_left3A_593 = vector.broadcast %shift_left3A_592 : i32 to vector<16xi32>
          %shift_left3A_594 = arith.shli %bitcast3A_591, %shift_left3A_593 : vector<16xi32>
          %bitcast3A_595 = vector.bitcast %shift_left3A_594 : vector<16xi32> to vector<16xf32>
          %and3A_596 = arith.constant -65536 : i32
          %and3A_597 = vector.broadcast %and3A_596 : i32 to vector<16xi32>
          %and3A_598 = arith.andi %bitcast3A_591, %and3A_597 : vector<16xi32>
          %bitcast3A_599 = vector.bitcast %and3A_598 : vector<16xi32> to vector<16xf32>
          %add3A_600 = arith.addf %add3A_530, %bitcast3A_595 : vector<16xf32>
          %add3A_601 = arith.addf %add3A_531, %bitcast3A_599 : vector<16xf32>
          %mul3A_602 = arith.constant 16 : i32
          %mul3A_603 = arith.muli %scan3A_251, %mul3A_602 : i32
          %add3A_604 = arith.constant 10 : i32
          %add3A_605 = arith.addi %mul3A_603, %add3A_604 : i32
          %add3A_606 = vector.broadcast %add3A_605 : i32 to vector<16xi32>
          %add3A_607 = arith.addi %iota3A_232, %add3A_606 : vector<16xi32>
          %and3A_608 = arith.constant 63 : i32
          %and3A_609 = vector.broadcast %and3A_608 : i32 to vector<16xi32>
          %and3A_610 = arith.andi %add3A_607, %and3A_609 : vector<16xi32>
          %gather3A_611 = arith.constant 0 : i32
          %gather3A_612 = arith.constant 0 : i32
          %gather3A_613 = arith.constant 0 : i32
          %gather3A_614 = tpu.memref_slice %arg8[%gather3A_611, %gather3A_612, %gather3A_613] : memref<2x128x64xi32, #tpu.memory_space<vmem>> -> memref<1x128x64xi32, #tpu.memory_space<vmem>>
          %gather3A_615 = tpu.memref_squeeze %gather3A_614 : memref<1x128x64xi32, #tpu.memory_space<vmem>> -> memref<128x64xi32, #tpu.memory_space<vmem>>
          %gather3A_616 = tpu.vector_load_idx %gather3A_615[%add3A_231, %and3A_610] : memref<128x64xi32, #tpu.memory_space<vmem>>[vector<16xi32>, vector<16xi32>], vector<16xi32>,
          %gather3A_617 = arith.constant 0 : i32
          %gather3A_618 = arith.constant 0 : i32
          %gather3A_619 = arith.constant 0 : i32
          %gather3A_620 = tpu.memref_slice %arg9[%gather3A_617, %gather3A_618, %gather3A_619] : memref<2x128x64xi32, #tpu.memory_space<vmem>> -> memref<1x128x64xi32, #tpu.memory_space<vmem>>
          %gather3A_621 = tpu.memref_squeeze %gather3A_620 : memref<1x128x64xi32, #tpu.memory_space<vmem>> -> memref<128x64xi32, #tpu.memory_space<vmem>>
          %gather3A_622 = tpu.vector_load_idx %gather3A_621[%add3A_231, %and3A_610] : memref<128x64xi32, #tpu.memory_space<vmem>>[vector<16xi32>, vector<16xi32>], vector<16xi32>,
          %bitcast3A_623 = vector.bitcast %gather3A_616 : vector<16xi32> to vector<32xbf16>
          %bitcast3A_624 = vector.bitcast %gather3A_622 : vector<16xi32> to vector<32xbf16>
          %mul3A_625 = arith.mulf %bitcast3A_623, %bitcast3A_624 : vector<32xbf16>
          %bitcast3A_626 = vector.bitcast %mul3A_625 : vector<32xbf16> to vector<16xi32>
          %shift_left3A_627 = arith.constant 16 : i32
          %shift_left3A_628 = vector.broadcast %shift_left3A_627 : i32 to vector<16xi32>
          %shift_left3A_629 = arith.shli %bitcast3A_626, %shift_left3A_628 : vector<16xi32>
          %bitcast3A_630 = vector.bitcast %shift_left3A_629 : vector<16xi32> to vector<16xf32>
          %and3A_631 = arith.constant -65536 : i32
          %and3A_632 = vector.broadcast %and3A_631 : i32 to vector<16xi32>
          %and3A_633 = arith.andi %bitcast3A_626, %and3A_632 : vector<16xi32>
          %bitcast3A_634 = vector.bitcast %and3A_633 : vector<16xi32> to vector<16xf32>
          %add3A_635 = arith.addf %add3A_565, %bitcast3A_630 : vector<16xf32>
          %add3A_636 = arith.addf %add3A_566, %bitcast3A_634 : vector<16xf32>
          %mul3A_637 = arith.constant 16 : i32
          %mul3A_638 = arith.muli %scan3A_251, %mul3A_637 : i32
          %add3A_639 = arith.constant 11 : i32
          %add3A_640 = arith.addi %mul3A_638, %add3A_639 : i32
          %add3A_641 = vector.broadcast %add3A_640 : i32 to vector<16xi32>
          %add3A_642 = arith.addi %iota3A_232, %add3A_641 : vector<16xi32>
          %and3A_643 = arith.constant 63 : i32
          %and3A_644 = vector.broadcast %and3A_643 : i32 to vector<16xi32>
          %and3A_645 = arith.andi %add3A_642, %and3A_644 : vector<16xi32>
          %gather3A_646 = arith.constant 0 : i32
          %gather3A_647 = arith.constant 0 : i32
          %gather3A_648 = arith.constant 0 : i32
          %gather3A_649 = tpu.memref_slice %arg8[%gather3A_646, %gather3A_647, %gather3A_648] : memref<2x128x64xi32, #tpu.memory_space<vmem>> -> memref<1x128x64xi32, #tpu.memory_space<vmem>>
          %gather3A_650 = tpu.memref_squeeze %gather3A_649 : memref<1x128x64xi32, #tpu.memory_space<vmem>> -> memref<128x64xi32, #tpu.memory_space<vmem>>
          %gather3A_651 = tpu.vector_load_idx %gather3A_650[%add3A_231, %and3A_645] : memref<128x64xi32, #tpu.memory_space<vmem>>[vector<16xi32>, vector<16xi32>], vector<16xi32>,
          %gather3A_652 = arith.constant 0 : i32
          %gather3A_653 = arith.constant 0 : i32
          %gather3A_654 = arith.constant 0 : i32
          %gather3A_655 = tpu.memref_slice %arg9[%gather3A_652, %gather3A_653, %gather3A_654] : memref<2x128x64xi32, #tpu.memory_space<vmem>> -> memref<1x128x64xi32, #tpu.memory_space<vmem>>
          %gather3A_656 = tpu.memref_squeeze %gather3A_655 : memref<1x128x64xi32, #tpu.memory_space<vmem>> -> memref<128x64xi32, #tpu.memory_space<vmem>>
          %gather3A_657 = tpu.vector_load_idx %gather3A_656[%add3A_231, %and3A_645] : memref<128x64xi32, #tpu.memory_space<vmem>>[vector<16xi32>, vector<16xi32>], vector<16xi32>,
          %bitcast3A_658 = vector.bitcast %gather3A_651 : vector<16xi32> to vector<32xbf16>
          %bitcast3A_659 = vector.bitcast %gather3A_657 : vector<16xi32> to vector<32xbf16>
          %mul3A_660 = arith.mulf %bitcast3A_658, %bitcast3A_659 : vector<32xbf16>
          %bitcast3A_661 = vector.bitcast %mul3A_660 : vector<32xbf16> to vector<16xi32>
          %shift_left3A_662 = arith.constant 16 : i32
          %shift_left3A_663 = vector.broadcast %shift_left3A_662 : i32 to vector<16xi32>
          %shift_left3A_664 = arith.shli %bitcast3A_661, %shift_left3A_663 : vector<16xi32>
          %bitcast3A_665 = vector.bitcast %shift_left3A_664 : vector<16xi32> to vector<16xf32>
          %and3A_666 = arith.constant -65536 : i32
          %and3A_667 = vector.broadcast %and3A_666 : i32 to vector<16xi32>
          %and3A_668 = arith.andi %bitcast3A_661, %and3A_667 : vector<16xi32>
          %bitcast3A_669 = vector.bitcast %and3A_668 : vector<16xi32> to vector<16xf32>
          %add3A_670 = arith.addf %add3A_600, %bitcast3A_665 : vector<16xf32>
          %add3A_671 = arith.addf %add3A_601, %bitcast3A_669 : vector<16xf32>
          %mul3A_672 = arith.constant 16 : i32
          %mul3A_673 = arith.muli %scan3A_251, %mul3A_672 : i32
          %add3A_674 = arith.constant 12 : i32
          %add3A_675 = arith.addi %mul3A_673, %add3A_674 : i32
          %add3A_676 = vector.broadcast %add3A_675 : i32 to vector<16xi32>
          %add3A_677 = arith.addi %iota3A_232, %add3A_676 : vector<16xi32>
          %and3A_678 = arith.constant 63 : i32
          %and3A_679 = vector.broadcast %and3A_678 : i32 to vector<16xi32>
          %and3A_680 = arith.andi %add3A_677, %and3A_679 : vector<16xi32>
          %gather3A_681 = arith.constant 0 : i32
          %gather3A_682 = arith.constant 0 : i32
          %gather3A_683 = arith.constant 0 : i32
          %gather3A_684 = tpu.memref_slice %arg8[%gather3A_681, %gather3A_682, %gather3A_683] : memref<2x128x64xi32, #tpu.memory_space<vmem>> -> memref<1x128x64xi32, #tpu.memory_space<vmem>>
          %gather3A_685 = tpu.memref_squeeze %gather3A_684 : memref<1x128x64xi32, #tpu.memory_space<vmem>> -> memref<128x64xi32, #tpu.memory_space<vmem>>
          %gather3A_686 = tpu.vector_load_idx %gather3A_685[%add3A_231, %and3A_680] : memref<128x64xi32, #tpu.memory_space<vmem>>[vector<16xi32>, vector<16xi32>], vector<16xi32>,
          %gather3A_687 = arith.constant 0 : i32
          %gather3A_688 = arith.constant 0 : i32
          %gather3A_689 = arith.constant 0 : i32
          %gather3A_690 = tpu.memref_slice %arg9[%gather3A_687, %gather3A_688, %gather3A_689] : memref<2x128x64xi32, #tpu.memory_space<vmem>> -> memref<1x128x64xi32, #tpu.memory_space<vmem>>
          %gather3A_691 = tpu.memref_squeeze %gather3A_690 : memref<1x128x64xi32, #tpu.memory_space<vmem>> -> memref<128x64xi32, #tpu.memory_space<vmem>>
          %gather3A_692 = tpu.vector_load_idx %gather3A_691[%add3A_231, %and3A_680] : memref<128x64xi32, #tpu.memory_space<vmem>>[vector<16xi32>, vector<16xi32>], vector<16xi32>,
          %bitcast3A_693 = vector.bitcast %gather3A_686 : vector<16xi32> to vector<32xbf16>
          %bitcast3A_694 = vector.bitcast %gather3A_692 : vector<16xi32> to vector<32xbf16>
          %mul3A_695 = arith.mulf %bitcast3A_693, %bitcast3A_694 : vector<32xbf16>
          %bitcast3A_696 = vector.bitcast %mul3A_695 : vector<32xbf16> to vector<16xi32>
          %shift_left3A_697 = arith.constant 16 : i32
          %shift_left3A_698 = vector.broadcast %shift_left3A_697 : i32 to vector<16xi32>
          %shift_left3A_699 = arith.shli %bitcast3A_696, %shift_left3A_698 : vector<16xi32>
          %bitcast3A_700 = vector.bitcast %shift_left3A_699 : vector<16xi32> to vector<16xf32>
          %and3A_701 = arith.constant -65536 : i32
          %and3A_702 = vector.broadcast %and3A_701 : i32 to vector<16xi32>
          %and3A_703 = arith.andi %bitcast3A_696, %and3A_702 : vector<16xi32>
          %bitcast3A_704 = vector.bitcast %and3A_703 : vector<16xi32> to vector<16xf32>
          %add3A_705 = arith.addf %add3A_635, %bitcast3A_700 : vector<16xf32>
          %add3A_706 = arith.addf %add3A_636, %bitcast3A_704 : vector<16xf32>
          %mul3A_707 = arith.constant 16 : i32
          %mul3A_708 = arith.muli %scan3A_251, %mul3A_707 : i32
          %add3A_709 = arith.constant 13 : i32
          %add3A_710 = arith.addi %mul3A_708, %add3A_709 : i32
          %add3A_711 = vector.broadcast %add3A_710 : i32 to vector<16xi32>
          %add3A_712 = arith.addi %iota3A_232, %add3A_711 : vector<16xi32>
          %and3A_713 = arith.constant 63 : i32
          %and3A_714 = vector.broadcast %and3A_713 : i32 to vector<16xi32>
          %and3A_715 = arith.andi %add3A_712, %and3A_714 : vector<16xi32>
          %gather3A_716 = arith.constant 0 : i32
          %gather3A_717 = arith.constant 0 : i32
          %gather3A_718 = arith.constant 0 : i32
          %gather3A_719 = tpu.memref_slice %arg8[%gather3A_716, %gather3A_717, %gather3A_718] : memref<2x128x64xi32, #tpu.memory_space<vmem>> -> memref<1x128x64xi32, #tpu.memory_space<vmem>>
          %gather3A_720 = tpu.memref_squeeze %gather3A_719 : memref<1x128x64xi32, #tpu.memory_space<vmem>> -> memref<128x64xi32, #tpu.memory_space<vmem>>
          %gather3A_721 = tpu.vector_load_idx %gather3A_720[%add3A_231, %and3A_715] : memref<128x64xi32, #tpu.memory_space<vmem>>[vector<16xi32>, vector<16xi32>], vector<16xi32>,
          %gather3A_722 = arith.constant 0 : i32
          %gather3A_723 = arith.constant 0 : i32
          %gather3A_724 = arith.constant 0 : i32
          %gather3A_725 = tpu.memref_slice %arg9[%gather3A_722, %gather3A_723, %gather3A_724] : memref<2x128x64xi32, #tpu.memory_space<vmem>> -> memref<1x128x64xi32, #tpu.memory_space<vmem>>
          %gather3A_726 = tpu.memref_squeeze %gather3A_725 : memref<1x128x64xi32, #tpu.memory_space<vmem>> -> memref<128x64xi32, #tpu.memory_space<vmem>>
          %gather3A_727 = tpu.vector_load_idx %gather3A_726[%add3A_231, %and3A_715] : memref<128x64xi32, #tpu.memory_space<vmem>>[vector<16xi32>, vector<16xi32>], vector<16xi32>,
          %bitcast3A_728 = vector.bitcast %gather3A_721 : vector<16xi32> to vector<32xbf16>
          %bitcast3A_729 = vector.bitcast %gather3A_727 : vector<16xi32> to vector<32xbf16>
          %mul3A_730 = arith.mulf %bitcast3A_728, %bitcast3A_729 : vector<32xbf16>
          %bitcast3A_731 = vector.bitcast %mul3A_730 : vector<32xbf16> to vector<16xi32>
          %shift_left3A_732 = arith.constant 16 : i32
          %shift_left3A_733 = vector.broadcast %shift_left3A_732 : i32 to vector<16xi32>
          %shift_left3A_734 = arith.shli %bitcast3A_731, %shift_left3A_733 : vector<16xi32>
          %bitcast3A_735 = vector.bitcast %shift_left3A_734 : vector<16xi32> to vector<16xf32>
          %and3A_736 = arith.constant -65536 : i32
          %and3A_737 = vector.broadcast %and3A_736 : i32 to vector<16xi32>
          %and3A_738 = arith.andi %bitcast3A_731, %and3A_737 : vector<16xi32>
          %bitcast3A_739 = vector.bitcast %and3A_738 : vector<16xi32> to vector<16xf32>
          %add3A_740 = arith.addf %add3A_670, %bitcast3A_735 : vector<16xf32>
          %add3A_741 = arith.addf %add3A_671, %bitcast3A_739 : vector<16xf32>
          %mul3A_742 = arith.constant 16 : i32
          %mul3A_743 = arith.muli %scan3A_251, %mul3A_742 : i32
          %add3A_744 = arith.constant 14 : i32
          %add3A_745 = arith.addi %mul3A_743, %add3A_744 : i32
          %add3A_746 = vector.broadcast %add3A_745 : i32 to vector<16xi32>
          %add3A_747 = arith.addi %iota3A_232, %add3A_746 : vector<16xi32>
          %and3A_748 = arith.constant 63 : i32
          %and3A_749 = vector.broadcast %and3A_748 : i32 to vector<16xi32>
          %and3A_750 = arith.andi %add3A_747, %and3A_749 : vector<16xi32>
          %gather3A_751 = arith.constant 0 : i32
          %gather3A_752 = arith.constant 0 : i32
          %gather3A_753 = arith.constant 0 : i32
          %gather3A_754 = tpu.memref_slice %arg8[%gather3A_751, %gather3A_752, %gather3A_753] : memref<2x128x64xi32, #tpu.memory_space<vmem>> -> memref<1x128x64xi32, #tpu.memory_space<vmem>>
          %gather3A_755 = tpu.memref_squeeze %gather3A_754 : memref<1x128x64xi32, #tpu.memory_space<vmem>> -> memref<128x64xi32, #tpu.memory_space<vmem>>
          %gather3A_756 = tpu.vector_load_idx %gather3A_755[%add3A_231, %and3A_750] : memref<128x64xi32, #tpu.memory_space<vmem>>[vector<16xi32>, vector<16xi32>], vector<16xi32>,
          %gather3A_757 = arith.constant 0 : i32
          %gather3A_758 = arith.constant 0 : i32
          %gather3A_759 = arith.constant 0 : i32
          %gather3A_760 = tpu.memref_slice %arg9[%gather3A_757, %gather3A_758, %gather3A_759] : memref<2x128x64xi32, #tpu.memory_space<vmem>> -> memref<1x128x64xi32, #tpu.memory_space<vmem>>
          %gather3A_761 = tpu.memref_squeeze %gather3A_760 : memref<1x128x64xi32, #tpu.memory_space<vmem>> -> memref<128x64xi32, #tpu.memory_space<vmem>>
          %gather3A_762 = tpu.vector_load_idx %gather3A_761[%add3A_231, %and3A_750] : memref<128x64xi32, #tpu.memory_space<vmem>>[vector<16xi32>, vector<16xi32>], vector<16xi32>,
          %bitcast3A_763 = vector.bitcast %gather3A_756 : vector<16xi32> to vector<32xbf16>
          %bitcast3A_764 = vector.bitcast %gather3A_762 : vector<16xi32> to vector<32xbf16>
          %mul3A_765 = arith.mulf %bitcast3A_763, %bitcast3A_764 : vector<32xbf16>
          %bitcast3A_766 = vector.bitcast %mul3A_765 : vector<32xbf16> to vector<16xi32>
          %shift_left3A_767 = arith.constant 16 : i32
          %shift_left3A_768 = vector.broadcast %shift_left3A_767 : i32 to vector<16xi32>
          %shift_left3A_769 = arith.shli %bitcast3A_766, %shift_left3A_768 : vector<16xi32>
          %bitcast3A_770 = vector.bitcast %shift_left3A_769 : vector<16xi32> to vector<16xf32>
          %and3A_771 = arith.constant -65536 : i32
          %and3A_772 = vector.broadcast %and3A_771 : i32 to vector<16xi32>
          %and3A_773 = arith.andi %bitcast3A_766, %and3A_772 : vector<16xi32>
          %bitcast3A_774 = vector.bitcast %and3A_773 : vector<16xi32> to vector<16xf32>
          %add3A_775 = arith.addf %add3A_705, %bitcast3A_770 : vector<16xf32>
          %add3A_776 = arith.addf %add3A_706, %bitcast3A_774 : vector<16xf32>
          %mul3A_777 = arith.constant 16 : i32
          %mul3A_778 = arith.muli %scan3A_251, %mul3A_777 : i32
          %add3A_779 = arith.constant 15 : i32
          %add3A_780 = arith.addi %mul3A_778, %add3A_779 : i32
          %add3A_781 = vector.broadcast %add3A_780 : i32 to vector<16xi32>
          %add3A_782 = arith.addi %iota3A_232, %add3A_781 : vector<16xi32>
          %and3A_783 = arith.constant 63 : i32
          %and3A_784 = vector.broadcast %and3A_783 : i32 to vector<16xi32>
          %and3A_785 = arith.andi %add3A_782, %and3A_784 : vector<16xi32>
          %gather3A_786 = arith.constant 0 : i32
          %gather3A_787 = arith.constant 0 : i32
          %gather3A_788 = arith.constant 0 : i32
          %gather3A_789 = tpu.memref_slice %arg8[%gather3A_786, %gather3A_787, %gather3A_788] : memref<2x128x64xi32, #tpu.memory_space<vmem>> -> memref<1x128x64xi32, #tpu.memory_space<vmem>>
          %gather3A_790 = tpu.memref_squeeze %gather3A_789 : memref<1x128x64xi32, #tpu.memory_space<vmem>> -> memref<128x64xi32, #tpu.memory_space<vmem>>
          %gather3A_791 = tpu.vector_load_idx %gather3A_790[%add3A_231, %and3A_785] : memref<128x64xi32, #tpu.memory_space<vmem>>[vector<16xi32>, vector<16xi32>], vector<16xi32>,
          %gather3A_792 = arith.constant 0 : i32
          %gather3A_793 = arith.constant 0 : i32
          %gather3A_794 = arith.constant 0 : i32
          %gather3A_795 = tpu.memref_slice %arg9[%gather3A_792, %gather3A_793, %gather3A_794] : memref<2x128x64xi32, #tpu.memory_space<vmem>> -> memref<1x128x64xi32, #tpu.memory_space<vmem>>
          %gather3A_796 = tpu.memref_squeeze %gather3A_795 : memref<1x128x64xi32, #tpu.memory_space<vmem>> -> memref<128x64xi32, #tpu.memory_space<vmem>>
          %gather3A_797 = tpu.vector_load_idx %gather3A_796[%add3A_231, %and3A_785] : memref<128x64xi32, #tpu.memory_space<vmem>>[vector<16xi32>, vector<16xi32>], vector<16xi32>,
          %bitcast3A_798 = vector.bitcast %gather3A_791 : vector<16xi32> to vector<32xbf16>
          %bitcast3A_799 = vector.bitcast %gather3A_797 : vector<16xi32> to vector<32xbf16>
          %mul3A_800 = arith.mulf %bitcast3A_798, %bitcast3A_799 : vector<32xbf16>
          %bitcast3A_801 = vector.bitcast %mul3A_800 : vector<32xbf16> to vector<16xi32>
          %shift_left3A_802 = arith.constant 16 : i32
          %shift_left3A_803 = vector.broadcast %shift_left3A_802 : i32 to vector<16xi32>
          %shift_left3A_804 = arith.shli %bitcast3A_801, %shift_left3A_803 : vector<16xi32>
          %bitcast3A_805 = vector.bitcast %shift_left3A_804 : vector<16xi32> to vector<16xf32>
          %and3A_806 = arith.constant -65536 : i32
          %and3A_807 = vector.broadcast %and3A_806 : i32 to vector<16xi32>
          %and3A_808 = arith.andi %bitcast3A_801, %and3A_807 : vector<16xi32>
          %bitcast3A_809 = vector.bitcast %and3A_808 : vector<16xi32> to vector<16xf32>
          %add3A_810 = arith.addf %add3A_740, %bitcast3A_805 : vector<16xf32>
          %add3A_811 = arith.addf %add3A_741, %bitcast3A_809 : vector<16xf32>
          scf.yield %add3A_775, %add3A_776, %add3A_810, %add3A_811 : vector<16xf32>, vector<16xf32>, vector<16xf32>, vector<16xf32>
        }
        %scan3A_240 = arith.constant 4 : i32
        %add3A_241 = arith.addf %scan3A_239#0, %scan3A_239#1 : vector<16xf32>
        %add3A_242 = arith.addf %scan3A_239#2, %scan3A_239#3 : vector<16xf32>
        %add3A_243 = arith.addf %add3A_241, %add3A_242 : vector<16xf32>
        %mul3A_244 = arith.constant 128 : i32
        %mul3A_245 = arith.muli %add3A_125, %mul3A_244 : i32
        %mul3A_246 = arith.constant 16 : i32
        %mul3A_247 = arith.muli %scan3A_226, %mul3A_246 : i32
        %add3A_248 = arith.addi %mul3A_245, %mul3A_247 : i32
        %swap3A_249 = arith.index_cast %add3A_248 : i32 to index
        %swap3A_250 = tpu.vector_load %arg10[%swap3A_249] {strides = array<i32>} : memref<10000xf32, #tpu.memory_space<vmem>>, vector<16xf32>,
        tpu.vector_store %arg10[%swap3A_249], %add3A_243 {strides = array<i32>} : memref<10000xf32, #tpu.memory_space<vmem>>, vector<16xf32>,
      }
      %scan3A_159 = arith.constant 8 : i32
      %add3A_160 = arith.constant 2 : i32
      %add3A_161 = arith.addi %add3A_125, %add3A_160 : i32
      %lt3A_162 = arith.constant 78 : i32
      %lt3A_163 = arith.cmpi slt, %add3A_161, %lt3A_162 : i32
      %convert_element_type3A_164 = arith.extui %lt3A_163 : i1 to i32
      %cond3A_165 = arith.constant 0 : i32
      %cond3A_166 = arith.cmpi ne, %convert_element_type3A_164, %cond3A_165 : i32
      scf.if %cond3A_166 {
        %add3A_226 = arith.constant 2 : i32
        %add3A_227 = arith.addi %add3A_125, %add3A_226 : i32
        %mul3A_228 = arith.constant 128 : i32
        %mul3A_229 = arith.muli %add3A_227, %mul3A_228 : i32
        %dma_start3A_230 = arith.constant 0 : i32
        %dma_start3A_231 = arith.constant 0 : i32
        %dma_start3A_232 = arith.constant 0 : i32
        %dma_start3A_233 = arith.constant 0 : i32
        %dma_start3A_234 = tpu.memref_slice %arg8[%dma_start3A_230, %dma_start3A_232, %dma_start3A_233] : memref<2x128x64xi32, #tpu.memory_space<vmem>> -> memref<1x128x64xi32, #tpu.memory_space<vmem>>
        %dma_start3A_235 = tpu.memref_squeeze %dma_start3A_234 : memref<1x128x64xi32, #tpu.memory_space<vmem>> -> memref<128x64xi32, #tpu.memory_space<vmem>>
        %dma_start3A_236 = tpu.memref_slice %arg6[%mul3A_229] : memref<10000xi32, #tpu.memory_space<vmem>> -> memref<128xi32, #tpu.memory_space<vmem>>
        %dma_start3A_237 = arith.constant 0 : i32
        %dma_start3A_238 = arith.constant 0 : i32
        %dma_start3A_239 = tpu.memref_slice %arg11[%dma_start3A_237, %dma_start3A_238] : memref<10000x64xi32, #tpu.memory_space<vmem_shared>> -> memref<10000x64xi32, #tpu.memory_space<vmem_shared>>
        %dma_start3A_240 = tpu.memref_slice %arg12[%dma_start3A_231] : memref<2x!tpu.dma_semaphore, #tpu.memory_space<semaphore_mem>> -> memref<1x!tpu.dma_semaphore, #tpu.memory_space<semaphore_mem>>
        %dma_start3A_241 = tpu.memref_squeeze %dma_start3A_240 : memref<1x!tpu.dma_semaphore, #tpu.memory_space<semaphore_mem>> -> memref<!tpu.dma_semaphore, #tpu.memory_space<semaphore_mem>>
        tpu.enqueue_indirect_dma source(%dma_start3A_239 : memref<10000x64xi32, #tpu.memory_space<vmem_shared>>) target(%dma_start3A_235 : memref<128x64xi32, #tpu.memory_space<vmem>>) offsets(%dma_start3A_236 : memref<128xi32, #tpu.memory_space<vmem>>) semaphore(%dma_start3A_241 : memref<!tpu.dma_semaphore, #tpu.memory_space<semaphore_mem>>)
        %mul3A_242 = arith.constant 128 : i32
        %mul3A_243 = arith.muli %add3A_227, %mul3A_242 : i32
        %dma_start3A_244 = arith.constant 0 : i32
        %dma_start3A_245 = arith.constant 0 : i32
        %dma_start3A_246 = arith.constant 0 : i32
        %dma_start3A_247 = arith.constant 0 : i32
        %dma_start3A_248 = tpu.memref_slice %arg9[%dma_start3A_244, %dma_start3A_246, %dma_start3A_247] : memref<2x128x64xi32, #tpu.memory_space<vmem>> -> memref<1x128x64xi32, #tpu.memory_space<vmem>>
        %dma_start3A_249 = tpu.memref_squeeze %dma_start3A_248 : memref<1x128x64xi32, #tpu.memory_space<vmem>> -> memref<128x64xi32, #tpu.memory_space<vmem>>
        %dma_start3A_250 = tpu.memref_slice %arg7[%mul3A_243] : memref<10000xi32, #tpu.memory_space<vmem>> -> memref<128xi32, #tpu.memory_space<vmem>>
        %dma_start3A_251 = arith.constant 0 : i32
        %dma_start3A_252 = arith.constant 0 : i32
        %dma_start3A_253 = tpu.memref_slice %arg11[%dma_start3A_251, %dma_start3A_252] : memref<10000x64xi32, #tpu.memory_space<vmem_shared>> -> memref<10000x64xi32, #tpu.memory_space<vmem_shared>>
        %dma_start3A_254 = tpu.memref_slice %arg12[%dma_start3A_245] : memref<2x!tpu.dma_semaphore, #tpu.memory_space<semaphore_mem>> -> memref<1x!tpu.dma_semaphore, #tpu.memory_space<semaphore_mem>>
        %dma_start3A_255 = tpu.memref_squeeze %dma_start3A_254 : memref<1x!tpu.dma_semaphore, #tpu.memory_space<semaphore_mem>> -> memref<!tpu.dma_semaphore, #tpu.memory_space<semaphore_mem>>
        tpu.enqueue_indirect_dma source(%dma_start3A_253 : memref<10000x64xi32, #tpu.memory_space<vmem_shared>>) target(%dma_start3A_249 : memref<128x64xi32, #tpu.memory_space<vmem>>) offsets(%dma_start3A_250 : memref<128xi32, #tpu.memory_space<vmem>>) semaphore(%dma_start3A_255 : memref<!tpu.dma_semaphore, #tpu.memory_space<semaphore_mem>>)
      } else {
      }
      %add3A_167 = arith.constant 2 : i32
      %add3A_168 = arith.addi %add3A_125, %add3A_167 : i32
      %eq3A_169 = arith.constant 78 : i32
      %eq3A_170 = arith.cmpi eq, %add3A_168, %eq3A_169 : i32
      %convert_element_type3A_171 = arith.extui %eq3A_170 : i1 to i32
      %cond3A_172 = arith.constant 0 : i32
      %cond3A_173 = arith.cmpi ne, %convert_element_type3A_171, %cond3A_172 : i32
      scf.if %cond3A_173 {
        %add3A_226 = arith.constant 2 : i32
        %add3A_227 = arith.addi %add3A_125, %add3A_226 : i32
        %mul3A_228 = arith.constant 128 : i32
        %mul3A_229 = arith.muli %add3A_227, %mul3A_228 : i32
        %dma_start3A_230 = arith.constant 0 : i32
        %dma_start3A_231 = arith.constant 0 : i32
        %dma_start3A_232 = arith.constant 0 : i32
        %dma_start3A_233 = arith.constant 0 : i32
        %dma_start3A_234 = tpu.memref_slice %arg8[%dma_start3A_230, %dma_start3A_232, %dma_start3A_233] : memref<2x128x64xi32, #tpu.memory_space<vmem>> -> memref<1x16x64xi32, #tpu.memory_space<vmem>>
        %dma_start3A_235 = tpu.memref_squeeze %dma_start3A_234 : memref<1x16x64xi32, #tpu.memory_space<vmem>> -> memref<16x64xi32, #tpu.memory_space<vmem>>
        %dma_start3A_236 = tpu.memref_slice %arg6[%mul3A_229] : memref<10000xi32, #tpu.memory_space<vmem>> -> memref<16xi32, #tpu.memory_space<vmem>>
        %dma_start3A_237 = arith.constant 0 : i32
        %dma_start3A_238 = arith.constant 0 : i32
        %dma_start3A_239 = tpu.memref_slice %arg11[%dma_start3A_237, %dma_start3A_238] : memref<10000x64xi32, #tpu.memory_space<vmem_shared>> -> memref<10000x64xi32, #tpu.memory_space<vmem_shared>>
        %dma_start3A_240 = tpu.memref_slice %arg12[%dma_start3A_231] : memref<2x!tpu.dma_semaphore, #tpu.memory_space<semaphore_mem>> -> memref<1x!tpu.dma_semaphore, #tpu.memory_space<semaphore_mem>>
        %dma_start3A_241 = tpu.memref_squeeze %dma_start3A_240 : memref<1x!tpu.dma_semaphore, #tpu.memory_space<semaphore_mem>> -> memref<!tpu.dma_semaphore, #tpu.memory_space<semaphore_mem>>
        tpu.enqueue_indirect_dma source(%dma_start3A_239 : memref<10000x64xi32, #tpu.memory_space<vmem_shared>>) target(%dma_start3A_235 : memref<16x64xi32, #tpu.memory_space<vmem>>) offsets(%dma_start3A_236 : memref<16xi32, #tpu.memory_space<vmem>>) semaphore(%dma_start3A_241 : memref<!tpu.dma_semaphore, #tpu.memory_space<semaphore_mem>>)
        %mul3A_242 = arith.constant 128 : i32
        %mul3A_243 = arith.muli %add3A_227, %mul3A_242 : i32
        %dma_start3A_244 = arith.constant 0 : i32
        %dma_start3A_245 = arith.constant 0 : i32
        %dma_start3A_246 = arith.constant 0 : i32
        %dma_start3A_247 = arith.constant 0 : i32
        %dma_start3A_248 = tpu.memref_slice %arg9[%dma_start3A_244, %dma_start3A_246, %dma_start3A_247] : memref<2x128x64xi32, #tpu.memory_space<vmem>> -> memref<1x16x64xi32, #tpu.memory_space<vmem>>
        %dma_start3A_249 = tpu.memref_squeeze %dma_start3A_248 : memref<1x16x64xi32, #tpu.memory_space<vmem>> -> memref<16x64xi32, #tpu.memory_space<vmem>>
        %dma_start3A_250 = tpu.memref_slice %arg7[%mul3A_243] : memref<10000xi32, #tpu.memory_space<vmem>> -> memref<16xi32, #tpu.memory_space<vmem>>
        %dma_start3A_251 = arith.constant 0 : i32
        %dma_start3A_252 = arith.constant 0 : i32
        %dma_start3A_253 = tpu.memref_slice %arg11[%dma_start3A_251, %dma_start3A_252] : memref<10000x64xi32, #tpu.memory_space<vmem_shared>> -> memref<10000x64xi32, #tpu.memory_space<vmem_shared>>
        %dma_start3A_254 = tpu.memref_slice %arg12[%dma_start3A_245] : memref<2x!tpu.dma_semaphore, #tpu.memory_space<semaphore_mem>> -> memref<1x!tpu.dma_semaphore, #tpu.memory_space<semaphore_mem>>
        %dma_start3A_255 = tpu.memref_squeeze %dma_start3A_254 : memref<1x!tpu.dma_semaphore, #tpu.memory_space<semaphore_mem>> -> memref<!tpu.dma_semaphore, #tpu.memory_space<semaphore_mem>>
        tpu.enqueue_indirect_dma source(%dma_start3A_253 : memref<10000x64xi32, #tpu.memory_space<vmem_shared>>) target(%dma_start3A_249 : memref<16x64xi32, #tpu.memory_space<vmem>>) offsets(%dma_start3A_250 : memref<16xi32, #tpu.memory_space<vmem>>) semaphore(%dma_start3A_255 : memref<!tpu.dma_semaphore, #tpu.memory_space<semaphore_mem>>)
      } else {
      }
      %mul3A_174 = arith.constant 2 : i32
      %mul3A_175 = arith.muli %scan3A_121, %mul3A_174 : i32
      %add3A_176 = arith.constant 1 : i32
      %add3A_177 = arith.addi %mul3A_175, %add3A_176 : i32
      %mul3A_178 = arith.constant 128 : i32
      %mul3A_179 = arith.muli %add3A_177, %mul3A_178 : i32
      %dma_wait3A_180 = arith.constant 1 : i32
      %dma_wait3A_181 = arith.constant 1 : i32
      %dma_wait3A_182 = arith.constant 0 : i32
      %dma_wait3A_183 = arith.constant 0 : i32
      %dma_wait3A_184 = tpu.memref_slice %arg8[%dma_wait3A_180, %dma_wait3A_182, %dma_wait3A_183] : memref<2x128x64xi32, #tpu.memory_space<vmem>> -> memref<1x128x64xi32, #tpu.memory_space<vmem>>
      %dma_wait3A_185 = tpu.memref_squeeze %dma_wait3A_184 : memref<1x128x64xi32, #tpu.memory_space<vmem>> -> memref<128x64xi32, #tpu.memory_space<vmem>>
      %dma_wait3A_186 = tpu.memref_slice %arg6[%mul3A_179] : memref<10000xi32, #tpu.memory_space<vmem>> -> memref<128xi32, #tpu.memory_space<vmem>>
      %dma_wait3A_187 = arith.constant 0 : i32
      %dma_wait3A_188 = arith.constant 0 : i32
      %dma_wait3A_189 = tpu.memref_slice %arg11[%dma_wait3A_187, %dma_wait3A_188] : memref<10000x64xi32, #tpu.memory_space<vmem_shared>> -> memref<10000x64xi32, #tpu.memory_space<vmem_shared>>
      %dma_wait3A_190 = tpu.memref_slice %arg12[%dma_wait3A_181] : memref<2x!tpu.dma_semaphore, #tpu.memory_space<semaphore_mem>> -> memref<1x!tpu.dma_semaphore, #tpu.memory_space<semaphore_mem>>
      %dma_wait3A_191 = tpu.memref_squeeze %dma_wait3A_190 : memref<1x!tpu.dma_semaphore, #tpu.memory_space<semaphore_mem>> -> memref<!tpu.dma_semaphore, #tpu.memory_space<semaphore_mem>>
      tpu.wait_indirect_dma semaphore(%dma_wait3A_191 : memref<!tpu.dma_semaphore, #tpu.memory_space<semaphore_mem>>) src(%dma_wait3A_189 : memref<10000x64xi32, #tpu.memory_space<vmem_shared>>) dst(%dma_wait3A_185 : memref<128x64xi32, #tpu.memory_space<vmem>>)
      %mul3A_192 = arith.constant 128 : i32
      %mul3A_193 = arith.muli %add3A_177, %mul3A_192 : i32
      %dma_wait3A_194 = arith.constant 1 : i32
      %dma_wait3A_195 = arith.constant 1 : i32
      %dma_wait3A_196 = arith.constant 0 : i32
      %dma_wait3A_197 = arith.constant 0 : i32
      %dma_wait3A_198 = tpu.memref_slice %arg9[%dma_wait3A_194, %dma_wait3A_196, %dma_wait3A_197] : memref<2x128x64xi32, #tpu.memory_space<vmem>> -> memref<1x128x64xi32, #tpu.memory_space<vmem>>
      %dma_wait3A_199 = tpu.memref_squeeze %dma_wait3A_198 : memref<1x128x64xi32, #tpu.memory_space<vmem>> -> memref<128x64xi32, #tpu.memory_space<vmem>>
      %dma_wait3A_200 = tpu.memref_slice %arg7[%mul3A_193] : memref<10000xi32, #tpu.memory_space<vmem>> -> memref<128xi32, #tpu.memory_space<vmem>>
      %dma_wait3A_201 = arith.constant 0 : i32
      %dma_wait3A_202 = arith.constant 0 : i32
      %dma_wait3A_203 = tpu.memref_slice %arg11[%dma_wait3A_201, %dma_wait3A_202] : memref<10000x64xi32, #tpu.memory_space<vmem_shared>> -> memref<10000x64xi32, #tpu.memory_space<vmem_shared>>
      %dma_wait3A_204 = tpu.memref_slice %arg12[%dma_wait3A_195] : memref<2x!tpu.dma_semaphore, #tpu.memory_space<semaphore_mem>> -> memref<1x!tpu.dma_semaphore, #tpu.memory_space<semaphore_mem>>
      %dma_wait3A_205 = tpu.memref_squeeze %dma_wait3A_204 : memref<1x!tpu.dma_semaphore, #tpu.memory_space<semaphore_mem>> -> memref<!tpu.dma_semaphore, #tpu.memory_space<semaphore_mem>>
      tpu.wait_indirect_dma semaphore(%dma_wait3A_205 : memref<!tpu.dma_semaphore, #tpu.memory_space<semaphore_mem>>) src(%dma_wait3A_203 : memref<10000x64xi32, #tpu.memory_space<vmem_shared>>) dst(%dma_wait3A_199 : memref<128x64xi32, #tpu.memory_space<vmem>>)
      %scan3A_206 = arith.constant 0 : i32
      %scan3A_207 = arith.constant 0 : i32
      %scan3A_208 = arith.constant 8 : i32
      %scan3A_209 = arith.addi %scan3A_207, %scan3A_208 : i32
      %scan3A_210 = arith.constant 1 : i32
      scf.for %scan3A_226 = %scan3A_207 to %scan3A_209 step %scan3A_210  : i32 {
        %iota3A_227 = tpu.iota {dimensions = array<i32: 0>} : vector<16xi32>
        %mul3A_228 = arith.constant 16 : i32
        %mul3A_229 = arith.muli %scan3A_226, %mul3A_228 : i32
        %add3A_230 = vector.broadcast %mul3A_229 : i32 to vector<16xi32>
        %add3A_231 = arith.addi %iota3A_227, %add3A_230 : vector<16xi32>
        %iota3A_232 = tpu.iota {dimensions = array<i32: 0>} : vector<16xi32>
        %broadcast_in_dim3A_233 = arith.constant 0.000000e+00 : f32
        %broadcast_in_dim3A_234 = vector.broadcast %broadcast_in_dim3A_233 : f32 to vector<16xf32>
        %scan3A_235 = arith.constant 0 : i32
        %scan3A_236 = arith.constant 4 : i32
        %scan3A_237 = arith.addi %scan3A_235, %scan3A_236 : i32
        %scan3A_238 = arith.constant 1 : i32
        %scan3A_239:4 = scf.for %scan3A_251 = %scan3A_235 to %scan3A_237 step %scan3A_238 iter_args(%scan3A_252 = %broadcast_in_dim3A_234, %scan3A_253 = %broadcast_in_dim3A_234, %scan3A_254 = %broadcast_in_dim3A_234, %scan3A_255 = %broadcast_in_dim3A_234) -> (vector<16xf32>, vector<16xf32>, vector<16xf32>, vector<16xf32>)  : i32 {
          %mul3A_256 = arith.constant 16 : i32
          %mul3A_257 = arith.muli %scan3A_251, %mul3A_256 : i32
          %add3A_258 = arith.constant 0 : i32
          %add3A_259 = arith.addi %mul3A_257, %add3A_258 : i32
          %add3A_260 = vector.broadcast %add3A_259 : i32 to vector<16xi32>
          %add3A_261 = arith.addi %iota3A_232, %add3A_260 : vector<16xi32>
          %and3A = arith.constant 63 : i32
          %and3A_262 = vector.broadcast %and3A : i32 to vector<16xi32>
          %and3A_263 = arith.andi %add3A_261, %and3A_262 : vector<16xi32>
          %gather3A = arith.constant 1 : i32
          %gather3A_264 = arith.constant 0 : i32
          %gather3A_265 = arith.constant 0 : i32
          %gather3A_266 = tpu.memref_slice %arg8[%gather3A, %gather3A_264, %gather3A_265] : memref<2x128x64xi32, #tpu.memory_space<vmem>> -> memref<1x128x64xi32, #tpu.memory_space<vmem>>
          %gather3A_267 = tpu.memref_squeeze %gather3A_266 : memref<1x128x64xi32, #tpu.memory_space<vmem>> -> memref<128x64xi32, #tpu.memory_space<vmem>>
          %gather3A_268 = tpu.vector_load_idx %gather3A_267[%add3A_231, %and3A_263] : memref<128x64xi32, #tpu.memory_space<vmem>>[vector<16xi32>, vector<16xi32>], vector<16xi32>,
          %gather3A_269 = arith.constant 1 : i32
          %gather3A_270 = arith.constant 0 : i32
          %gather3A_271 = arith.constant 0 : i32
          %gather3A_272 = tpu.memref_slice %arg9[%gather3A_269, %gather3A_270, %gather3A_271] : memref<2x128x64xi32, #tpu.memory_space<vmem>> -> memref<1x128x64xi32, #tpu.memory_space<vmem>>
          %gather3A_273 = tpu.memref_squeeze %gather3A_272 : memref<1x128x64xi32, #tpu.memory_space<vmem>> -> memref<128x64xi32, #tpu.memory_space<vmem>>
          %gather3A_274 = tpu.vector_load_idx %gather3A_273[%add3A_231, %and3A_263] : memref<128x64xi32, #tpu.memory_space<vmem>>[vector<16xi32>, vector<16xi32>], vector<16xi32>,
          %bitcast3A = vector.bitcast %gather3A_268 : vector<16xi32> to vector<32xbf16>
          %bitcast3A_275 = vector.bitcast %gather3A_274 : vector<16xi32> to vector<32xbf16>
          %mul3A_276 = arith.mulf %bitcast3A, %bitcast3A_275 : vector<32xbf16>
          %bitcast3A_277 = vector.bitcast %mul3A_276 : vector<32xbf16> to vector<16xi32>
          %shift_left3A = arith.constant 16 : i32
          %shift_left3A_278 = vector.broadcast %shift_left3A : i32 to vector<16xi32>
          %shift_left3A_279 = arith.shli %bitcast3A_277, %shift_left3A_278 : vector<16xi32>
          %bitcast3A_280 = vector.bitcast %shift_left3A_279 : vector<16xi32> to vector<16xf32>
          %and3A_281 = arith.constant -65536 : i32
          %and3A_282 = vector.broadcast %and3A_281 : i32 to vector<16xi32>
          %and3A_283 = arith.andi %bitcast3A_277, %and3A_282 : vector<16xi32>
          %bitcast3A_284 = vector.bitcast %and3A_283 : vector<16xi32> to vector<16xf32>
          %add3A_285 = arith.addf %scan3A_252, %bitcast3A_280 : vector<16xf32>
          %add3A_286 = arith.addf %scan3A_253, %bitcast3A_284 : vector<16xf32>
          %mul3A_287 = arith.constant 16 : i32
          %mul3A_288 = arith.muli %scan3A_251, %mul3A_287 : i32
          %add3A_289 = arith.constant 1 : i32
          %add3A_290 = arith.addi %mul3A_288, %add3A_289 : i32
          %add3A_291 = vector.broadcast %add3A_290 : i32 to vector<16xi32>
          %add3A_292 = arith.addi %iota3A_232, %add3A_291 : vector<16xi32>
          %and3A_293 = arith.constant 63 : i32
          %and3A_294 = vector.broadcast %and3A_293 : i32 to vector<16xi32>
          %and3A_295 = arith.andi %add3A_292, %and3A_294 : vector<16xi32>
          %gather3A_296 = arith.constant 1 : i32
          %gather3A_297 = arith.constant 0 : i32
          %gather3A_298 = arith.constant 0 : i32
          %gather3A_299 = tpu.memref_slice %arg8[%gather3A_296, %gather3A_297, %gather3A_298] : memref<2x128x64xi32, #tpu.memory_space<vmem>> -> memref<1x128x64xi32, #tpu.memory_space<vmem>>
          %gather3A_300 = tpu.memref_squeeze %gather3A_299 : memref<1x128x64xi32, #tpu.memory_space<vmem>> -> memref<128x64xi32, #tpu.memory_space<vmem>>
          %gather3A_301 = tpu.vector_load_idx %gather3A_300[%add3A_231, %and3A_295] : memref<128x64xi32, #tpu.memory_space<vmem>>[vector<16xi32>, vector<16xi32>], vector<16xi32>,
          %gather3A_302 = arith.constant 1 : i32
          %gather3A_303 = arith.constant 0 : i32
          %gather3A_304 = arith.constant 0 : i32
          %gather3A_305 = tpu.memref_slice %arg9[%gather3A_302, %gather3A_303, %gather3A_304] : memref<2x128x64xi32, #tpu.memory_space<vmem>> -> memref<1x128x64xi32, #tpu.memory_space<vmem>>
          %gather3A_306 = tpu.memref_squeeze %gather3A_305 : memref<1x128x64xi32, #tpu.memory_space<vmem>> -> memref<128x64xi32, #tpu.memory_space<vmem>>
          %gather3A_307 = tpu.vector_load_idx %gather3A_306[%add3A_231, %and3A_295] : memref<128x64xi32, #tpu.memory_space<vmem>>[vector<16xi32>, vector<16xi32>], vector<16xi32>,
          %bitcast3A_308 = vector.bitcast %gather3A_301 : vector<16xi32> to vector<32xbf16>
          %bitcast3A_309 = vector.bitcast %gather3A_307 : vector<16xi32> to vector<32xbf16>
          %mul3A_310 = arith.mulf %bitcast3A_308, %bitcast3A_309 : vector<32xbf16>
          %bitcast3A_311 = vector.bitcast %mul3A_310 : vector<32xbf16> to vector<16xi32>
          %shift_left3A_312 = arith.constant 16 : i32
          %shift_left3A_313 = vector.broadcast %shift_left3A_312 : i32 to vector<16xi32>
          %shift_left3A_314 = arith.shli %bitcast3A_311, %shift_left3A_313 : vector<16xi32>
          %bitcast3A_315 = vector.bitcast %shift_left3A_314 : vector<16xi32> to vector<16xf32>
          %and3A_316 = arith.constant -65536 : i32
          %and3A_317 = vector.broadcast %and3A_316 : i32 to vector<16xi32>
          %and3A_318 = arith.andi %bitcast3A_311, %and3A_317 : vector<16xi32>
          %bitcast3A_319 = vector.bitcast %and3A_318 : vector<16xi32> to vector<16xf32>
          %add3A_320 = arith.addf %scan3A_254, %bitcast3A_315 : vector<16xf32>
          %add3A_321 = arith.addf %scan3A_255, %bitcast3A_319 : vector<16xf32>
          %mul3A_322 = arith.constant 16 : i32
          %mul3A_323 = arith.muli %scan3A_251, %mul3A_322 : i32
          %add3A_324 = arith.constant 2 : i32
          %add3A_325 = arith.addi %mul3A_323, %add3A_324 : i32
          %add3A_326 = vector.broadcast %add3A_325 : i32 to vector<16xi32>
          %add3A_327 = arith.addi %iota3A_232, %add3A_326 : vector<16xi32>
          %and3A_328 = arith.constant 63 : i32
          %and3A_329 = vector.broadcast %and3A_328 : i32 to vector<16xi32>
          %and3A_330 = arith.andi %add3A_327, %and3A_329 : vector<16xi32>
          %gather3A_331 = arith.constant 1 : i32
          %gather3A_332 = arith.constant 0 : i32
          %gather3A_333 = arith.constant 0 : i32
          %gather3A_334 = tpu.memref_slice %arg8[%gather3A_331, %gather3A_332, %gather3A_333] : memref<2x128x64xi32, #tpu.memory_space<vmem>> -> memref<1x128x64xi32, #tpu.memory_space<vmem>>
          %gather3A_335 = tpu.memref_squeeze %gather3A_334 : memref<1x128x64xi32, #tpu.memory_space<vmem>> -> memref<128x64xi32, #tpu.memory_space<vmem>>
          %gather3A_336 = tpu.vector_load_idx %gather3A_335[%add3A_231, %and3A_330] : memref<128x64xi32, #tpu.memory_space<vmem>>[vector<16xi32>, vector<16xi32>], vector<16xi32>,
          %gather3A_337 = arith.constant 1 : i32
          %gather3A_338 = arith.constant 0 : i32
          %gather3A_339 = arith.constant 0 : i32
          %gather3A_340 = tpu.memref_slice %arg9[%gather3A_337, %gather3A_338, %gather3A_339] : memref<2x128x64xi32, #tpu.memory_space<vmem>> -> memref<1x128x64xi32, #tpu.memory_space<vmem>>
          %gather3A_341 = tpu.memref_squeeze %gather3A_340 : memref<1x128x64xi32, #tpu.memory_space<vmem>> -> memref<128x64xi32, #tpu.memory_space<vmem>>
          %gather3A_342 = tpu.vector_load_idx %gather3A_341[%add3A_231, %and3A_330] : memref<128x64xi32, #tpu.memory_space<vmem>>[vector<16xi32>, vector<16xi32>], vector<16xi32>,
          %bitcast3A_343 = vector.bitcast %gather3A_336 : vector<16xi32> to vector<32xbf16>
          %bitcast3A_344 = vector.bitcast %gather3A_342 : vector<16xi32> to vector<32xbf16>
          %mul3A_345 = arith.mulf %bitcast3A_343, %bitcast3A_344 : vector<32xbf16>
          %bitcast3A_346 = vector.bitcast %mul3A_345 : vector<32xbf16> to vector<16xi32>
          %shift_left3A_347 = arith.constant 16 : i32
          %shift_left3A_348 = vector.broadcast %shift_left3A_347 : i32 to vector<16xi32>
          %shift_left3A_349 = arith.shli %bitcast3A_346, %shift_left3A_348 : vector<16xi32>
          %bitcast3A_350 = vector.bitcast %shift_left3A_349 : vector<16xi32> to vector<16xf32>
          %and3A_351 = arith.constant -65536 : i32
          %and3A_352 = vector.broadcast %and3A_351 : i32 to vector<16xi32>
          %and3A_353 = arith.andi %bitcast3A_346, %and3A_352 : vector<16xi32>
          %bitcast3A_354 = vector.bitcast %and3A_353 : vector<16xi32> to vector<16xf32>
          %add3A_355 = arith.addf %add3A_285, %bitcast3A_350 : vector<16xf32>
          %add3A_356 = arith.addf %add3A_286, %bitcast3A_354 : vector<16xf32>
          %mul3A_357 = arith.constant 16 : i32
          %mul3A_358 = arith.muli %scan3A_251, %mul3A_357 : i32
          %add3A_359 = arith.constant 3 : i32
          %add3A_360 = arith.addi %mul3A_358, %add3A_359 : i32
          %add3A_361 = vector.broadcast %add3A_360 : i32 to vector<16xi32>
          %add3A_362 = arith.addi %iota3A_232, %add3A_361 : vector<16xi32>
          %and3A_363 = arith.constant 63 : i32
          %and3A_364 = vector.broadcast %and3A_363 : i32 to vector<16xi32>
          %and3A_365 = arith.andi %add3A_362, %and3A_364 : vector<16xi32>
          %gather3A_366 = arith.constant 1 : i32
          %gather3A_367 = arith.constant 0 : i32
          %gather3A_368 = arith.constant 0 : i32
          %gather3A_369 = tpu.memref_slice %arg8[%gather3A_366, %gather3A_367, %gather3A_368] : memref<2x128x64xi32, #tpu.memory_space<vmem>> -> memref<1x128x64xi32, #tpu.memory_space<vmem>>
          %gather3A_370 = tpu.memref_squeeze %gather3A_369 : memref<1x128x64xi32, #tpu.memory_space<vmem>> -> memref<128x64xi32, #tpu.memory_space<vmem>>
          %gather3A_371 = tpu.vector_load_idx %gather3A_370[%add3A_231, %and3A_365] : memref<128x64xi32, #tpu.memory_space<vmem>>[vector<16xi32>, vector<16xi32>], vector<16xi32>,
          %gather3A_372 = arith.constant 1 : i32
          %gather3A_373 = arith.constant 0 : i32
          %gather3A_374 = arith.constant 0 : i32
          %gather3A_375 = tpu.memref_slice %arg9[%gather3A_372, %gather3A_373, %gather3A_374] : memref<2x128x64xi32, #tpu.memory_space<vmem>> -> memref<1x128x64xi32, #tpu.memory_space<vmem>>
          %gather3A_376 = tpu.memref_squeeze %gather3A_375 : memref<1x128x64xi32, #tpu.memory_space<vmem>> -> memref<128x64xi32, #tpu.memory_space<vmem>>
          %gather3A_377 = tpu.vector_load_idx %gather3A_376[%add3A_231, %and3A_365] : memref<128x64xi32, #tpu.memory_space<vmem>>[vector<16xi32>, vector<16xi32>], vector<16xi32>,
          %bitcast3A_378 = vector.bitcast %gather3A_371 : vector<16xi32> to vector<32xbf16>
          %bitcast3A_379 = vector.bitcast %gather3A_377 : vector<16xi32> to vector<32xbf16>
          %mul3A_380 = arith.mulf %bitcast3A_378, %bitcast3A_379 : vector<32xbf16>
          %bitcast3A_381 = vector.bitcast %mul3A_380 : vector<32xbf16> to vector<16xi32>
          %shift_left3A_382 = arith.constant 16 : i32
          %shift_left3A_383 = vector.broadcast %shift_left3A_382 : i32 to vector<16xi32>
          %shift_left3A_384 = arith.shli %bitcast3A_381, %shift_left3A_383 : vector<16xi32>
          %bitcast3A_385 = vector.bitcast %shift_left3A_384 : vector<16xi32> to vector<16xf32>
          %and3A_386 = arith.constant -65536 : i32
          %and3A_387 = vector.broadcast %and3A_386 : i32 to vector<16xi32>
          %and3A_388 = arith.andi %bitcast3A_381, %and3A_387 : vector<16xi32>
          %bitcast3A_389 = vector.bitcast %and3A_388 : vector<16xi32> to vector<16xf32>
          %add3A_390 = arith.addf %add3A_320, %bitcast3A_385 : vector<16xf32>
          %add3A_391 = arith.addf %add3A_321, %bitcast3A_389 : vector<16xf32>
          %mul3A_392 = arith.constant 16 : i32
          %mul3A_393 = arith.muli %scan3A_251, %mul3A_392 : i32
          %add3A_394 = arith.constant 4 : i32
          %add3A_395 = arith.addi %mul3A_393, %add3A_394 : i32
          %add3A_396 = vector.broadcast %add3A_395 : i32 to vector<16xi32>
          %add3A_397 = arith.addi %iota3A_232, %add3A_396 : vector<16xi32>
          %and3A_398 = arith.constant 63 : i32
          %and3A_399 = vector.broadcast %and3A_398 : i32 to vector<16xi32>
          %and3A_400 = arith.andi %add3A_397, %and3A_399 : vector<16xi32>
          %gather3A_401 = arith.constant 1 : i32
          %gather3A_402 = arith.constant 0 : i32
          %gather3A_403 = arith.constant 0 : i32
          %gather3A_404 = tpu.memref_slice %arg8[%gather3A_401, %gather3A_402, %gather3A_403] : memref<2x128x64xi32, #tpu.memory_space<vmem>> -> memref<1x128x64xi32, #tpu.memory_space<vmem>>
          %gather3A_405 = tpu.memref_squeeze %gather3A_404 : memref<1x128x64xi32, #tpu.memory_space<vmem>> -> memref<128x64xi32, #tpu.memory_space<vmem>>
          %gather3A_406 = tpu.vector_load_idx %gather3A_405[%add3A_231, %and3A_400] : memref<128x64xi32, #tpu.memory_space<vmem>>[vector<16xi32>, vector<16xi32>], vector<16xi32>,
          %gather3A_407 = arith.constant 1 : i32
          %gather3A_408 = arith.constant 0 : i32
          %gather3A_409 = arith.constant 0 : i32
          %gather3A_410 = tpu.memref_slice %arg9[%gather3A_407, %gather3A_408, %gather3A_409] : memref<2x128x64xi32, #tpu.memory_space<vmem>> -> memref<1x128x64xi32, #tpu.memory_space<vmem>>
          %gather3A_411 = tpu.memref_squeeze %gather3A_410 : memref<1x128x64xi32, #tpu.memory_space<vmem>> -> memref<128x64xi32, #tpu.memory_space<vmem>>
          %gather3A_412 = tpu.vector_load_idx %gather3A_411[%add3A_231, %and3A_400] : memref<128x64xi32, #tpu.memory_space<vmem>>[vector<16xi32>, vector<16xi32>], vector<16xi32>,
          %bitcast3A_413 = vector.bitcast %gather3A_406 : vector<16xi32> to vector<32xbf16>
          %bitcast3A_414 = vector.bitcast %gather3A_412 : vector<16xi32> to vector<32xbf16>
          %mul3A_415 = arith.mulf %bitcast3A_413, %bitcast3A_414 : vector<32xbf16>
          %bitcast3A_416 = vector.bitcast %mul3A_415 : vector<32xbf16> to vector<16xi32>
          %shift_left3A_417 = arith.constant 16 : i32
          %shift_left3A_418 = vector.broadcast %shift_left3A_417 : i32 to vector<16xi32>
          %shift_left3A_419 = arith.shli %bitcast3A_416, %shift_left3A_418 : vector<16xi32>
          %bitcast3A_420 = vector.bitcast %shift_left3A_419 : vector<16xi32> to vector<16xf32>
          %and3A_421 = arith.constant -65536 : i32
          %and3A_422 = vector.broadcast %and3A_421 : i32 to vector<16xi32>
          %and3A_423 = arith.andi %bitcast3A_416, %and3A_422 : vector<16xi32>
          %bitcast3A_424 = vector.bitcast %and3A_423 : vector<16xi32> to vector<16xf32>
          %add3A_425 = arith.addf %add3A_355, %bitcast3A_420 : vector<16xf32>
          %add3A_426 = arith.addf %add3A_356, %bitcast3A_424 : vector<16xf32>
          %mul3A_427 = arith.constant 16 : i32
          %mul3A_428 = arith.muli %scan3A_251, %mul3A_427 : i32
          %add3A_429 = arith.constant 5 : i32
          %add3A_430 = arith.addi %mul3A_428, %add3A_429 : i32
          %add3A_431 = vector.broadcast %add3A_430 : i32 to vector<16xi32>
          %add3A_432 = arith.addi %iota3A_232, %add3A_431 : vector<16xi32>
          %and3A_433 = arith.constant 63 : i32
          %and3A_434 = vector.broadcast %and3A_433 : i32 to vector<16xi32>
          %and3A_435 = arith.andi %add3A_432, %and3A_434 : vector<16xi32>
          %gather3A_436 = arith.constant 1 : i32
          %gather3A_437 = arith.constant 0 : i32
          %gather3A_438 = arith.constant 0 : i32
          %gather3A_439 = tpu.memref_slice %arg8[%gather3A_436, %gather3A_437, %gather3A_438] : memref<2x128x64xi32, #tpu.memory_space<vmem>> -> memref<1x128x64xi32, #tpu.memory_space<vmem>>
          %gather3A_440 = tpu.memref_squeeze %gather3A_439 : memref<1x128x64xi32, #tpu.memory_space<vmem>> -> memref<128x64xi32, #tpu.memory_space<vmem>>
          %gather3A_441 = tpu.vector_load_idx %gather3A_440[%add3A_231, %and3A_435] : memref<128x64xi32, #tpu.memory_space<vmem>>[vector<16xi32>, vector<16xi32>], vector<16xi32>,
          %gather3A_442 = arith.constant 1 : i32
          %gather3A_443 = arith.constant 0 : i32
          %gather3A_444 = arith.constant 0 : i32
          %gather3A_445 = tpu.memref_slice %arg9[%gather3A_442, %gather3A_443, %gather3A_444] : memref<2x128x64xi32, #tpu.memory_space<vmem>> -> memref<1x128x64xi32, #tpu.memory_space<vmem>>
          %gather3A_446 = tpu.memref_squeeze %gather3A_445 : memref<1x128x64xi32, #tpu.memory_space<vmem>> -> memref<128x64xi32, #tpu.memory_space<vmem>>
          %gather3A_447 = tpu.vector_load_idx %gather3A_446[%add3A_231, %and3A_435] : memref<128x64xi32, #tpu.memory_space<vmem>>[vector<16xi32>, vector<16xi32>], vector<16xi32>,
          %bitcast3A_448 = vector.bitcast %gather3A_441 : vector<16xi32> to vector<32xbf16>
          %bitcast3A_449 = vector.bitcast %gather3A_447 : vector<16xi32> to vector<32xbf16>
          %mul3A_450 = arith.mulf %bitcast3A_448, %bitcast3A_449 : vector<32xbf16>
          %bitcast3A_451 = vector.bitcast %mul3A_450 : vector<32xbf16> to vector<16xi32>
          %shift_left3A_452 = arith.constant 16 : i32
          %shift_left3A_453 = vector.broadcast %shift_left3A_452 : i32 to vector<16xi32>
          %shift_left3A_454 = arith.shli %bitcast3A_451, %shift_left3A_453 : vector<16xi32>
          %bitcast3A_455 = vector.bitcast %shift_left3A_454 : vector<16xi32> to vector<16xf32>
          %and3A_456 = arith.constant -65536 : i32
          %and3A_457 = vector.broadcast %and3A_456 : i32 to vector<16xi32>
          %and3A_458 = arith.andi %bitcast3A_451, %and3A_457 : vector<16xi32>
          %bitcast3A_459 = vector.bitcast %and3A_458 : vector<16xi32> to vector<16xf32>
          %add3A_460 = arith.addf %add3A_390, %bitcast3A_455 : vector<16xf32>
          %add3A_461 = arith.addf %add3A_391, %bitcast3A_459 : vector<16xf32>
          %mul3A_462 = arith.constant 16 : i32
          %mul3A_463 = arith.muli %scan3A_251, %mul3A_462 : i32
          %add3A_464 = arith.constant 6 : i32
          %add3A_465 = arith.addi %mul3A_463, %add3A_464 : i32
          %add3A_466 = vector.broadcast %add3A_465 : i32 to vector<16xi32>
          %add3A_467 = arith.addi %iota3A_232, %add3A_466 : vector<16xi32>
          %and3A_468 = arith.constant 63 : i32
          %and3A_469 = vector.broadcast %and3A_468 : i32 to vector<16xi32>
          %and3A_470 = arith.andi %add3A_467, %and3A_469 : vector<16xi32>
          %gather3A_471 = arith.constant 1 : i32
          %gather3A_472 = arith.constant 0 : i32
          %gather3A_473 = arith.constant 0 : i32
          %gather3A_474 = tpu.memref_slice %arg8[%gather3A_471, %gather3A_472, %gather3A_473] : memref<2x128x64xi32, #tpu.memory_space<vmem>> -> memref<1x128x64xi32, #tpu.memory_space<vmem>>
          %gather3A_475 = tpu.memref_squeeze %gather3A_474 : memref<1x128x64xi32, #tpu.memory_space<vmem>> -> memref<128x64xi32, #tpu.memory_space<vmem>>
          %gather3A_476 = tpu.vector_load_idx %gather3A_475[%add3A_231, %and3A_470] : memref<128x64xi32, #tpu.memory_space<vmem>>[vector<16xi32>, vector<16xi32>], vector<16xi32>,
          %gather3A_477 = arith.constant 1 : i32
          %gather3A_478 = arith.constant 0 : i32
          %gather3A_479 = arith.constant 0 : i32
          %gather3A_480 = tpu.memref_slice %arg9[%gather3A_477, %gather3A_478, %gather3A_479] : memref<2x128x64xi32, #tpu.memory_space<vmem>> -> memref<1x128x64xi32, #tpu.memory_space<vmem>>
          %gather3A_481 = tpu.memref_squeeze %gather3A_480 : memref<1x128x64xi32, #tpu.memory_space<vmem>> -> memref<128x64xi32, #tpu.memory_space<vmem>>
          %gather3A_482 = tpu.vector_load_idx %gather3A_481[%add3A_231, %and3A_470] : memref<128x64xi32, #tpu.memory_space<vmem>>[vector<16xi32>, vector<16xi32>], vector<16xi32>,
          %bitcast3A_483 = vector.bitcast %gather3A_476 : vector<16xi32> to vector<32xbf16>
          %bitcast3A_484 = vector.bitcast %gather3A_482 : vector<16xi32> to vector<32xbf16>
          %mul3A_485 = arith.mulf %bitcast3A_483, %bitcast3A_484 : vector<32xbf16>
          %bitcast3A_486 = vector.bitcast %mul3A_485 : vector<32xbf16> to vector<16xi32>
          %shift_left3A_487 = arith.constant 16 : i32
          %shift_left3A_488 = vector.broadcast %shift_left3A_487 : i32 to vector<16xi32>
          %shift_left3A_489 = arith.shli %bitcast3A_486, %shift_left3A_488 : vector<16xi32>
          %bitcast3A_490 = vector.bitcast %shift_left3A_489 : vector<16xi32> to vector<16xf32>
          %and3A_491 = arith.constant -65536 : i32
          %and3A_492 = vector.broadcast %and3A_491 : i32 to vector<16xi32>
          %and3A_493 = arith.andi %bitcast3A_486, %and3A_492 : vector<16xi32>
          %bitcast3A_494 = vector.bitcast %and3A_493 : vector<16xi32> to vector<16xf32>
          %add3A_495 = arith.addf %add3A_425, %bitcast3A_490 : vector<16xf32>
          %add3A_496 = arith.addf %add3A_426, %bitcast3A_494 : vector<16xf32>
          %mul3A_497 = arith.constant 16 : i32
          %mul3A_498 = arith.muli %scan3A_251, %mul3A_497 : i32
          %add3A_499 = arith.constant 7 : i32
          %add3A_500 = arith.addi %mul3A_498, %add3A_499 : i32
          %add3A_501 = vector.broadcast %add3A_500 : i32 to vector<16xi32>
          %add3A_502 = arith.addi %iota3A_232, %add3A_501 : vector<16xi32>
          %and3A_503 = arith.constant 63 : i32
          %and3A_504 = vector.broadcast %and3A_503 : i32 to vector<16xi32>
          %and3A_505 = arith.andi %add3A_502, %and3A_504 : vector<16xi32>
          %gather3A_506 = arith.constant 1 : i32
          %gather3A_507 = arith.constant 0 : i32
          %gather3A_508 = arith.constant 0 : i32
          %gather3A_509 = tpu.memref_slice %arg8[%gather3A_506, %gather3A_507, %gather3A_508] : memref<2x128x64xi32, #tpu.memory_space<vmem>> -> memref<1x128x64xi32, #tpu.memory_space<vmem>>
          %gather3A_510 = tpu.memref_squeeze %gather3A_509 : memref<1x128x64xi32, #tpu.memory_space<vmem>> -> memref<128x64xi32, #tpu.memory_space<vmem>>
          %gather3A_511 = tpu.vector_load_idx %gather3A_510[%add3A_231, %and3A_505] : memref<128x64xi32, #tpu.memory_space<vmem>>[vector<16xi32>, vector<16xi32>], vector<16xi32>,
          %gather3A_512 = arith.constant 1 : i32
          %gather3A_513 = arith.constant 0 : i32
          %gather3A_514 = arith.constant 0 : i32
          %gather3A_515 = tpu.memref_slice %arg9[%gather3A_512, %gather3A_513, %gather3A_514] : memref<2x128x64xi32, #tpu.memory_space<vmem>> -> memref<1x128x64xi32, #tpu.memory_space<vmem>>
          %gather3A_516 = tpu.memref_squeeze %gather3A_515 : memref<1x128x64xi32, #tpu.memory_space<vmem>> -> memref<128x64xi32, #tpu.memory_space<vmem>>
          %gather3A_517 = tpu.vector_load_idx %gather3A_516[%add3A_231, %and3A_505] : memref<128x64xi32, #tpu.memory_space<vmem>>[vector<16xi32>, vector<16xi32>], vector<16xi32>,
          %bitcast3A_518 = vector.bitcast %gather3A_511 : vector<16xi32> to vector<32xbf16>
          %bitcast3A_519 = vector.bitcast %gather3A_517 : vector<16xi32> to vector<32xbf16>
          %mul3A_520 = arith.mulf %bitcast3A_518, %bitcast3A_519 : vector<32xbf16>
          %bitcast3A_521 = vector.bitcast %mul3A_520 : vector<32xbf16> to vector<16xi32>
          %shift_left3A_522 = arith.constant 16 : i32
          %shift_left3A_523 = vector.broadcast %shift_left3A_522 : i32 to vector<16xi32>
          %shift_left3A_524 = arith.shli %bitcast3A_521, %shift_left3A_523 : vector<16xi32>
          %bitcast3A_525 = vector.bitcast %shift_left3A_524 : vector<16xi32> to vector<16xf32>
          %and3A_526 = arith.constant -65536 : i32
          %and3A_527 = vector.broadcast %and3A_526 : i32 to vector<16xi32>
          %and3A_528 = arith.andi %bitcast3A_521, %and3A_527 : vector<16xi32>
          %bitcast3A_529 = vector.bitcast %and3A_528 : vector<16xi32> to vector<16xf32>
          %add3A_530 = arith.addf %add3A_460, %bitcast3A_525 : vector<16xf32>
          %add3A_531 = arith.addf %add3A_461, %bitcast3A_529 : vector<16xf32>
          %mul3A_532 = arith.constant 16 : i32
          %mul3A_533 = arith.muli %scan3A_251, %mul3A_532 : i32
          %add3A_534 = arith.constant 8 : i32
          %add3A_535 = arith.addi %mul3A_533, %add3A_534 : i32
          %add3A_536 = vector.broadcast %add3A_535 : i32 to vector<16xi32>
          %add3A_537 = arith.addi %iota3A_232, %add3A_536 : vector<16xi32>
          %and3A_538 = arith.constant 63 : i32
          %and3A_539 = vector.broadcast %and3A_538 : i32 to vector<16xi32>
          %and3A_540 = arith.andi %add3A_537, %and3A_539 : vector<16xi32>
          %gather3A_541 = arith.constant 1 : i32
          %gather3A_542 = arith.constant 0 : i32
          %gather3A_543 = arith.constant 0 : i32
          %gather3A_544 = tpu.memref_slice %arg8[%gather3A_541, %gather3A_542, %gather3A_543] : memref<2x128x64xi32, #tpu.memory_space<vmem>> -> memref<1x128x64xi32, #tpu.memory_space<vmem>>
          %gather3A_545 = tpu.memref_squeeze %gather3A_544 : memref<1x128x64xi32, #tpu.memory_space<vmem>> -> memref<128x64xi32, #tpu.memory_space<vmem>>
          %gather3A_546 = tpu.vector_load_idx %gather3A_545[%add3A_231, %and3A_540] : memref<128x64xi32, #tpu.memory_space<vmem>>[vector<16xi32>, vector<16xi32>], vector<16xi32>,
          %gather3A_547 = arith.constant 1 : i32
          %gather3A_548 = arith.constant 0 : i32
          %gather3A_549 = arith.constant 0 : i32
          %gather3A_550 = tpu.memref_slice %arg9[%gather3A_547, %gather3A_548, %gather3A_549] : memref<2x128x64xi32, #tpu.memory_space<vmem>> -> memref<1x128x64xi32, #tpu.memory_space<vmem>>
          %gather3A_551 = tpu.memref_squeeze %gather3A_550 : memref<1x128x64xi32, #tpu.memory_space<vmem>> -> memref<128x64xi32, #tpu.memory_space<vmem>>
          %gather3A_552 = tpu.vector_load_idx %gather3A_551[%add3A_231, %and3A_540] : memref<128x64xi32, #tpu.memory_space<vmem>>[vector<16xi32>, vector<16xi32>], vector<16xi32>,
          %bitcast3A_553 = vector.bitcast %gather3A_546 : vector<16xi32> to vector<32xbf16>
          %bitcast3A_554 = vector.bitcast %gather3A_552 : vector<16xi32> to vector<32xbf16>
          %mul3A_555 = arith.mulf %bitcast3A_553, %bitcast3A_554 : vector<32xbf16>
          %bitcast3A_556 = vector.bitcast %mul3A_555 : vector<32xbf16> to vector<16xi32>
          %shift_left3A_557 = arith.constant 16 : i32
          %shift_left3A_558 = vector.broadcast %shift_left3A_557 : i32 to vector<16xi32>
          %shift_left3A_559 = arith.shli %bitcast3A_556, %shift_left3A_558 : vector<16xi32>
          %bitcast3A_560 = vector.bitcast %shift_left3A_559 : vector<16xi32> to vector<16xf32>
          %and3A_561 = arith.constant -65536 : i32
          %and3A_562 = vector.broadcast %and3A_561 : i32 to vector<16xi32>
          %and3A_563 = arith.andi %bitcast3A_556, %and3A_562 : vector<16xi32>
          %bitcast3A_564 = vector.bitcast %and3A_563 : vector<16xi32> to vector<16xf32>
          %add3A_565 = arith.addf %add3A_495, %bitcast3A_560 : vector<16xf32>
          %add3A_566 = arith.addf %add3A_496, %bitcast3A_564 : vector<16xf32>
          %mul3A_567 = arith.constant 16 : i32
          %mul3A_568 = arith.muli %scan3A_251, %mul3A_567 : i32
          %add3A_569 = arith.constant 9 : i32
          %add3A_570 = arith.addi %mul3A_568, %add3A_569 : i32
          %add3A_571 = vector.broadcast %add3A_570 : i32 to vector<16xi32>
          %add3A_572 = arith.addi %iota3A_232, %add3A_571 : vector<16xi32>
          %and3A_573 = arith.constant 63 : i32
          %and3A_574 = vector.broadcast %and3A_573 : i32 to vector<16xi32>
          %and3A_575 = arith.andi %add3A_572, %and3A_574 : vector<16xi32>
          %gather3A_576 = arith.constant 1 : i32
          %gather3A_577 = arith.constant 0 : i32
          %gather3A_578 = arith.constant 0 : i32
          %gather3A_579 = tpu.memref_slice %arg8[%gather3A_576, %gather3A_577, %gather3A_578] : memref<2x128x64xi32, #tpu.memory_space<vmem>> -> memref<1x128x64xi32, #tpu.memory_space<vmem>>
          %gather3A_580 = tpu.memref_squeeze %gather3A_579 : memref<1x128x64xi32, #tpu.memory_space<vmem>> -> memref<128x64xi32, #tpu.memory_space<vmem>>
          %gather3A_581 = tpu.vector_load_idx %gather3A_580[%add3A_231, %and3A_575] : memref<128x64xi32, #tpu.memory_space<vmem>>[vector<16xi32>, vector<16xi32>], vector<16xi32>,
          %gather3A_582 = arith.constant 1 : i32
          %gather3A_583 = arith.constant 0 : i32
          %gather3A_584 = arith.constant 0 : i32
          %gather3A_585 = tpu.memref_slice %arg9[%gather3A_582, %gather3A_583, %gather3A_584] : memref<2x128x64xi32, #tpu.memory_space<vmem>> -> memref<1x128x64xi32, #tpu.memory_space<vmem>>
          %gather3A_586 = tpu.memref_squeeze %gather3A_585 : memref<1x128x64xi32, #tpu.memory_space<vmem>> -> memref<128x64xi32, #tpu.memory_space<vmem>>
          %gather3A_587 = tpu.vector_load_idx %gather3A_586[%add3A_231, %and3A_575] : memref<128x64xi32, #tpu.memory_space<vmem>>[vector<16xi32>, vector<16xi32>], vector<16xi32>,
          %bitcast3A_588 = vector.bitcast %gather3A_581 : vector<16xi32> to vector<32xbf16>
          %bitcast3A_589 = vector.bitcast %gather3A_587 : vector<16xi32> to vector<32xbf16>
          %mul3A_590 = arith.mulf %bitcast3A_588, %bitcast3A_589 : vector<32xbf16>
          %bitcast3A_591 = vector.bitcast %mul3A_590 : vector<32xbf16> to vector<16xi32>
          %shift_left3A_592 = arith.constant 16 : i32
          %shift_left3A_593 = vector.broadcast %shift_left3A_592 : i32 to vector<16xi32>
          %shift_left3A_594 = arith.shli %bitcast3A_591, %shift_left3A_593 : vector<16xi32>
          %bitcast3A_595 = vector.bitcast %shift_left3A_594 : vector<16xi32> to vector<16xf32>
          %and3A_596 = arith.constant -65536 : i32
          %and3A_597 = vector.broadcast %and3A_596 : i32 to vector<16xi32>
          %and3A_598 = arith.andi %bitcast3A_591, %and3A_597 : vector<16xi32>
          %bitcast3A_599 = vector.bitcast %and3A_598 : vector<16xi32> to vector<16xf32>
          %add3A_600 = arith.addf %add3A_530, %bitcast3A_595 : vector<16xf32>
          %add3A_601 = arith.addf %add3A_531, %bitcast3A_599 : vector<16xf32>
          %mul3A_602 = arith.constant 16 : i32
          %mul3A_603 = arith.muli %scan3A_251, %mul3A_602 : i32
          %add3A_604 = arith.constant 10 : i32
          %add3A_605 = arith.addi %mul3A_603, %add3A_604 : i32
          %add3A_606 = vector.broadcast %add3A_605 : i32 to vector<16xi32>
          %add3A_607 = arith.addi %iota3A_232, %add3A_606 : vector<16xi32>
          %and3A_608 = arith.constant 63 : i32
          %and3A_609 = vector.broadcast %and3A_608 : i32 to vector<16xi32>
          %and3A_610 = arith.andi %add3A_607, %and3A_609 : vector<16xi32>
          %gather3A_611 = arith.constant 1 : i32
          %gather3A_612 = arith.constant 0 : i32
          %gather3A_613 = arith.constant 0 : i32
          %gather3A_614 = tpu.memref_slice %arg8[%gather3A_611, %gather3A_612, %gather3A_613] : memref<2x128x64xi32, #tpu.memory_space<vmem>> -> memref<1x128x64xi32, #tpu.memory_space<vmem>>
          %gather3A_615 = tpu.memref_squeeze %gather3A_614 : memref<1x128x64xi32, #tpu.memory_space<vmem>> -> memref<128x64xi32, #tpu.memory_space<vmem>>
          %gather3A_616 = tpu.vector_load_idx %gather3A_615[%add3A_231, %and3A_610] : memref<128x64xi32, #tpu.memory_space<vmem>>[vector<16xi32>, vector<16xi32>], vector<16xi32>,
          %gather3A_617 = arith.constant 1 : i32
          %gather3A_618 = arith.constant 0 : i32
          %gather3A_619 = arith.constant 0 : i32
          %gather3A_620 = tpu.memref_slice %arg9[%gather3A_617, %gather3A_618, %gather3A_619] : memref<2x128x64xi32, #tpu.memory_space<vmem>> -> memref<1x128x64xi32, #tpu.memory_space<vmem>>
          %gather3A_621 = tpu.memref_squeeze %gather3A_620 : memref<1x128x64xi32, #tpu.memory_space<vmem>> -> memref<128x64xi32, #tpu.memory_space<vmem>>
          %gather3A_622 = tpu.vector_load_idx %gather3A_621[%add3A_231, %and3A_610] : memref<128x64xi32, #tpu.memory_space<vmem>>[vector<16xi32>, vector<16xi32>], vector<16xi32>,
          %bitcast3A_623 = vector.bitcast %gather3A_616 : vector<16xi32> to vector<32xbf16>
          %bitcast3A_624 = vector.bitcast %gather3A_622 : vector<16xi32> to vector<32xbf16>
          %mul3A_625 = arith.mulf %bitcast3A_623, %bitcast3A_624 : vector<32xbf16>
          %bitcast3A_626 = vector.bitcast %mul3A_625 : vector<32xbf16> to vector<16xi32>
          %shift_left3A_627 = arith.constant 16 : i32
          %shift_left3A_628 = vector.broadcast %shift_left3A_627 : i32 to vector<16xi32>
          %shift_left3A_629 = arith.shli %bitcast3A_626, %shift_left3A_628 : vector<16xi32>
          %bitcast3A_630 = vector.bitcast %shift_left3A_629 : vector<16xi32> to vector<16xf32>
          %and3A_631 = arith.constant -65536 : i32
          %and3A_632 = vector.broadcast %and3A_631 : i32 to vector<16xi32>
          %and3A_633 = arith.andi %bitcast3A_626, %and3A_632 : vector<16xi32>
          %bitcast3A_634 = vector.bitcast %and3A_633 : vector<16xi32> to vector<16xf32>
          %add3A_635 = arith.addf %add3A_565, %bitcast3A_630 : vector<16xf32>
          %add3A_636 = arith.addf %add3A_566, %bitcast3A_634 : vector<16xf32>
          %mul3A_637 = arith.constant 16 : i32
          %mul3A_638 = arith.muli %scan3A_251, %mul3A_637 : i32
          %add3A_639 = arith.constant 11 : i32
          %add3A_640 = arith.addi %mul3A_638, %add3A_639 : i32
          %add3A_641 = vector.broadcast %add3A_640 : i32 to vector<16xi32>
          %add3A_642 = arith.addi %iota3A_232, %add3A_641 : vector<16xi32>
          %and3A_643 = arith.constant 63 : i32
          %and3A_644 = vector.broadcast %and3A_643 : i32 to vector<16xi32>
          %and3A_645 = arith.andi %add3A_642, %and3A_644 : vector<16xi32>
          %gather3A_646 = arith.constant 1 : i32
          %gather3A_647 = arith.constant 0 : i32
          %gather3A_648 = arith.constant 0 : i32
          %gather3A_649 = tpu.memref_slice %arg8[%gather3A_646, %gather3A_647, %gather3A_648] : memref<2x128x64xi32, #tpu.memory_space<vmem>> -> memref<1x128x64xi32, #tpu.memory_space<vmem>>
          %gather3A_650 = tpu.memref_squeeze %gather3A_649 : memref<1x128x64xi32, #tpu.memory_space<vmem>> -> memref<128x64xi32, #tpu.memory_space<vmem>>
          %gather3A_651 = tpu.vector_load_idx %gather3A_650[%add3A_231, %and3A_645] : memref<128x64xi32, #tpu.memory_space<vmem>>[vector<16xi32>, vector<16xi32>], vector<16xi32>,
          %gather3A_652 = arith.constant 1 : i32
          %gather3A_653 = arith.constant 0 : i32
          %gather3A_654 = arith.constant 0 : i32
          %gather3A_655 = tpu.memref_slice %arg9[%gather3A_652, %gather3A_653, %gather3A_654] : memref<2x128x64xi32, #tpu.memory_space<vmem>> -> memref<1x128x64xi32, #tpu.memory_space<vmem>>
          %gather3A_656 = tpu.memref_squeeze %gather3A_655 : memref<1x128x64xi32, #tpu.memory_space<vmem>> -> memref<128x64xi32, #tpu.memory_space<vmem>>
          %gather3A_657 = tpu.vector_load_idx %gather3A_656[%add3A_231, %and3A_645] : memref<128x64xi32, #tpu.memory_space<vmem>>[vector<16xi32>, vector<16xi32>], vector<16xi32>,
          %bitcast3A_658 = vector.bitcast %gather3A_651 : vector<16xi32> to vector<32xbf16>
          %bitcast3A_659 = vector.bitcast %gather3A_657 : vector<16xi32> to vector<32xbf16>
          %mul3A_660 = arith.mulf %bitcast3A_658, %bitcast3A_659 : vector<32xbf16>
          %bitcast3A_661 = vector.bitcast %mul3A_660 : vector<32xbf16> to vector<16xi32>
          %shift_left3A_662 = arith.constant 16 : i32
          %shift_left3A_663 = vector.broadcast %shift_left3A_662 : i32 to vector<16xi32>
          %shift_left3A_664 = arith.shli %bitcast3A_661, %shift_left3A_663 : vector<16xi32>
          %bitcast3A_665 = vector.bitcast %shift_left3A_664 : vector<16xi32> to vector<16xf32>
          %and3A_666 = arith.constant -65536 : i32
          %and3A_667 = vector.broadcast %and3A_666 : i32 to vector<16xi32>
          %and3A_668 = arith.andi %bitcast3A_661, %and3A_667 : vector<16xi32>
          %bitcast3A_669 = vector.bitcast %and3A_668 : vector<16xi32> to vector<16xf32>
          %add3A_670 = arith.addf %add3A_600, %bitcast3A_665 : vector<16xf32>
          %add3A_671 = arith.addf %add3A_601, %bitcast3A_669 : vector<16xf32>
          %mul3A_672 = arith.constant 16 : i32
          %mul3A_673 = arith.muli %scan3A_251, %mul3A_672 : i32
          %add3A_674 = arith.constant 12 : i32
          %add3A_675 = arith.addi %mul3A_673, %add3A_674 : i32
          %add3A_676 = vector.broadcast %add3A_675 : i32 to vector<16xi32>
          %add3A_677 = arith.addi %iota3A_232, %add3A_676 : vector<16xi32>
          %and3A_678 = arith.constant 63 : i32
          %and3A_679 = vector.broadcast %and3A_678 : i32 to vector<16xi32>
          %and3A_680 = arith.andi %add3A_677, %and3A_679 : vector<16xi32>
          %gather3A_681 = arith.constant 1 : i32
          %gather3A_682 = arith.constant 0 : i32
          %gather3A_683 = arith.constant 0 : i32
          %gather3A_684 = tpu.memref_slice %arg8[%gather3A_681, %gather3A_682, %gather3A_683] : memref<2x128x64xi32, #tpu.memory_space<vmem>> -> memref<1x128x64xi32, #tpu.memory_space<vmem>>
          %gather3A_685 = tpu.memref_squeeze %gather3A_684 : memref<1x128x64xi32, #tpu.memory_space<vmem>> -> memref<128x64xi32, #tpu.memory_space<vmem>>
          %gather3A_686 = tpu.vector_load_idx %gather3A_685[%add3A_231, %and3A_680] : memref<128x64xi32, #tpu.memory_space<vmem>>[vector<16xi32>, vector<16xi32>], vector<16xi32>,
          %gather3A_687 = arith.constant 1 : i32
          %gather3A_688 = arith.constant 0 : i32
          %gather3A_689 = arith.constant 0 : i32
          %gather3A_690 = tpu.memref_slice %arg9[%gather3A_687, %gather3A_688, %gather3A_689] : memref<2x128x64xi32, #tpu.memory_space<vmem>> -> memref<1x128x64xi32, #tpu.memory_space<vmem>>
          %gather3A_691 = tpu.memref_squeeze %gather3A_690 : memref<1x128x64xi32, #tpu.memory_space<vmem>> -> memref<128x64xi32, #tpu.memory_space<vmem>>
          %gather3A_692 = tpu.vector_load_idx %gather3A_691[%add3A_231, %and3A_680] : memref<128x64xi32, #tpu.memory_space<vmem>>[vector<16xi32>, vector<16xi32>], vector<16xi32>,
          %bitcast3A_693 = vector.bitcast %gather3A_686 : vector<16xi32> to vector<32xbf16>
          %bitcast3A_694 = vector.bitcast %gather3A_692 : vector<16xi32> to vector<32xbf16>
          %mul3A_695 = arith.mulf %bitcast3A_693, %bitcast3A_694 : vector<32xbf16>
          %bitcast3A_696 = vector.bitcast %mul3A_695 : vector<32xbf16> to vector<16xi32>
          %shift_left3A_697 = arith.constant 16 : i32
          %shift_left3A_698 = vector.broadcast %shift_left3A_697 : i32 to vector<16xi32>
          %shift_left3A_699 = arith.shli %bitcast3A_696, %shift_left3A_698 : vector<16xi32>
          %bitcast3A_700 = vector.bitcast %shift_left3A_699 : vector<16xi32> to vector<16xf32>
          %and3A_701 = arith.constant -65536 : i32
          %and3A_702 = vector.broadcast %and3A_701 : i32 to vector<16xi32>
          %and3A_703 = arith.andi %bitcast3A_696, %and3A_702 : vector<16xi32>
          %bitcast3A_704 = vector.bitcast %and3A_703 : vector<16xi32> to vector<16xf32>
          %add3A_705 = arith.addf %add3A_635, %bitcast3A_700 : vector<16xf32>
          %add3A_706 = arith.addf %add3A_636, %bitcast3A_704 : vector<16xf32>
          %mul3A_707 = arith.constant 16 : i32
          %mul3A_708 = arith.muli %scan3A_251, %mul3A_707 : i32
          %add3A_709 = arith.constant 13 : i32
          %add3A_710 = arith.addi %mul3A_708, %add3A_709 : i32
          %add3A_711 = vector.broadcast %add3A_710 : i32 to vector<16xi32>
          %add3A_712 = arith.addi %iota3A_232, %add3A_711 : vector<16xi32>
          %and3A_713 = arith.constant 63 : i32
          %and3A_714 = vector.broadcast %and3A_713 : i32 to vector<16xi32>
          %and3A_715 = arith.andi %add3A_712, %and3A_714 : vector<16xi32>
          %gather3A_716 = arith.constant 1 : i32
          %gather3A_717 = arith.constant 0 : i32
          %gather3A_718 = arith.constant 0 : i32
          %gather3A_719 = tpu.memref_slice %arg8[%gather3A_716, %gather3A_717, %gather3A_718] : memref<2x128x64xi32, #tpu.memory_space<vmem>> -> memref<1x128x64xi32, #tpu.memory_space<vmem>>
          %gather3A_720 = tpu.memref_squeeze %gather3A_719 : memref<1x128x64xi32, #tpu.memory_space<vmem>> -> memref<128x64xi32, #tpu.memory_space<vmem>>
          %gather3A_721 = tpu.vector_load_idx %gather3A_720[%add3A_231, %and3A_715] : memref<128x64xi32, #tpu.memory_space<vmem>>[vector<16xi32>, vector<16xi32>], vector<16xi32>,
          %gather3A_722 = arith.constant 1 : i32
          %gather3A_723 = arith.constant 0 : i32
          %gather3A_724 = arith.constant 0 : i32
          %gather3A_725 = tpu.memref_slice %arg9[%gather3A_722, %gather3A_723, %gather3A_724] : memref<2x128x64xi32, #tpu.memory_space<vmem>> -> memref<1x128x64xi32, #tpu.memory_space<vmem>>
          %gather3A_726 = tpu.memref_squeeze %gather3A_725 : memref<1x128x64xi32, #tpu.memory_space<vmem>> -> memref<128x64xi32, #tpu.memory_space<vmem>>
          %gather3A_727 = tpu.vector_load_idx %gather3A_726[%add3A_231, %and3A_715] : memref<128x64xi32, #tpu.memory_space<vmem>>[vector<16xi32>, vector<16xi32>], vector<16xi32>,
          %bitcast3A_728 = vector.bitcast %gather3A_721 : vector<16xi32> to vector<32xbf16>
          %bitcast3A_729 = vector.bitcast %gather3A_727 : vector<16xi32> to vector<32xbf16>
          %mul3A_730 = arith.mulf %bitcast3A_728, %bitcast3A_729 : vector<32xbf16>
          %bitcast3A_731 = vector.bitcast %mul3A_730 : vector<32xbf16> to vector<16xi32>
          %shift_left3A_732 = arith.constant 16 : i32
          %shift_left3A_733 = vector.broadcast %shift_left3A_732 : i32 to vector<16xi32>
          %shift_left3A_734 = arith.shli %bitcast3A_731, %shift_left3A_733 : vector<16xi32>
          %bitcast3A_735 = vector.bitcast %shift_left3A_734 : vector<16xi32> to vector<16xf32>
          %and3A_736 = arith.constant -65536 : i32
          %and3A_737 = vector.broadcast %and3A_736 : i32 to vector<16xi32>
          %and3A_738 = arith.andi %bitcast3A_731, %and3A_737 : vector<16xi32>
          %bitcast3A_739 = vector.bitcast %and3A_738 : vector<16xi32> to vector<16xf32>
          %add3A_740 = arith.addf %add3A_670, %bitcast3A_735 : vector<16xf32>
          %add3A_741 = arith.addf %add3A_671, %bitcast3A_739 : vector<16xf32>
          %mul3A_742 = arith.constant 16 : i32
          %mul3A_743 = arith.muli %scan3A_251, %mul3A_742 : i32
          %add3A_744 = arith.constant 14 : i32
          %add3A_745 = arith.addi %mul3A_743, %add3A_744 : i32
          %add3A_746 = vector.broadcast %add3A_745 : i32 to vector<16xi32>
          %add3A_747 = arith.addi %iota3A_232, %add3A_746 : vector<16xi32>
          %and3A_748 = arith.constant 63 : i32
          %and3A_749 = vector.broadcast %and3A_748 : i32 to vector<16xi32>
          %and3A_750 = arith.andi %add3A_747, %and3A_749 : vector<16xi32>
          %gather3A_751 = arith.constant 1 : i32
          %gather3A_752 = arith.constant 0 : i32
          %gather3A_753 = arith.constant 0 : i32
          %gather3A_754 = tpu.memref_slice %arg8[%gather3A_751, %gather3A_752, %gather3A_753] : memref<2x128x64xi32, #tpu.memory_space<vmem>> -> memref<1x128x64xi32, #tpu.memory_space<vmem>>
          %gather3A_755 = tpu.memref_squeeze %gather3A_754 : memref<1x128x64xi32, #tpu.memory_space<vmem>> -> memref<128x64xi32, #tpu.memory_space<vmem>>
          %gather3A_756 = tpu.vector_load_idx %gather3A_755[%add3A_231, %and3A_750] : memref<128x64xi32, #tpu.memory_space<vmem>>[vector<16xi32>, vector<16xi32>], vector<16xi32>,
          %gather3A_757 = arith.constant 1 : i32
          %gather3A_758 = arith.constant 0 : i32
          %gather3A_759 = arith.constant 0 : i32
          %gather3A_760 = tpu.memref_slice %arg9[%gather3A_757, %gather3A_758, %gather3A_759] : memref<2x128x64xi32, #tpu.memory_space<vmem>> -> memref<1x128x64xi32, #tpu.memory_space<vmem>>
          %gather3A_761 = tpu.memref_squeeze %gather3A_760 : memref<1x128x64xi32, #tpu.memory_space<vmem>> -> memref<128x64xi32, #tpu.memory_space<vmem>>
          %gather3A_762 = tpu.vector_load_idx %gather3A_761[%add3A_231, %and3A_750] : memref<128x64xi32, #tpu.memory_space<vmem>>[vector<16xi32>, vector<16xi32>], vector<16xi32>,
          %bitcast3A_763 = vector.bitcast %gather3A_756 : vector<16xi32> to vector<32xbf16>
          %bitcast3A_764 = vector.bitcast %gather3A_762 : vector<16xi32> to vector<32xbf16>
          %mul3A_765 = arith.mulf %bitcast3A_763, %bitcast3A_764 : vector<32xbf16>
          %bitcast3A_766 = vector.bitcast %mul3A_765 : vector<32xbf16> to vector<16xi32>
          %shift_left3A_767 = arith.constant 16 : i32
          %shift_left3A_768 = vector.broadcast %shift_left3A_767 : i32 to vector<16xi32>
          %shift_left3A_769 = arith.shli %bitcast3A_766, %shift_left3A_768 : vector<16xi32>
          %bitcast3A_770 = vector.bitcast %shift_left3A_769 : vector<16xi32> to vector<16xf32>
          %and3A_771 = arith.constant -65536 : i32
          %and3A_772 = vector.broadcast %and3A_771 : i32 to vector<16xi32>
          %and3A_773 = arith.andi %bitcast3A_766, %and3A_772 : vector<16xi32>
          %bitcast3A_774 = vector.bitcast %and3A_773 : vector<16xi32> to vector<16xf32>
          %add3A_775 = arith.addf %add3A_705, %bitcast3A_770 : vector<16xf32>
          %add3A_776 = arith.addf %add3A_706, %bitcast3A_774 : vector<16xf32>
          %mul3A_777 = arith.constant 16 : i32
          %mul3A_778 = arith.muli %scan3A_251, %mul3A_777 : i32
          %add3A_779 = arith.constant 15 : i32
          %add3A_780 = arith.addi %mul3A_778, %add3A_779 : i32
          %add3A_781 = vector.broadcast %add3A_780 : i32 to vector<16xi32>
          %add3A_782 = arith.addi %iota3A_232, %add3A_781 : vector<16xi32>
          %and3A_783 = arith.constant 63 : i32
          %and3A_784 = vector.broadcast %and3A_783 : i32 to vector<16xi32>
          %and3A_785 = arith.andi %add3A_782, %and3A_784 : vector<16xi32>
          %gather3A_786 = arith.constant 1 : i32
          %gather3A_787 = arith.constant 0 : i32
          %gather3A_788 = arith.constant 0 : i32
          %gather3A_789 = tpu.memref_slice %arg8[%gather3A_786, %gather3A_787, %gather3A_788] : memref<2x128x64xi32, #tpu.memory_space<vmem>> -> memref<1x128x64xi32, #tpu.memory_space<vmem>>
          %gather3A_790 = tpu.memref_squeeze %gather3A_789 : memref<1x128x64xi32, #tpu.memory_space<vmem>> -> memref<128x64xi32, #tpu.memory_space<vmem>>
          %gather3A_791 = tpu.vector_load_idx %gather3A_790[%add3A_231, %and3A_785] : memref<128x64xi32, #tpu.memory_space<vmem>>[vector<16xi32>, vector<16xi32>], vector<16xi32>,
          %gather3A_792 = arith.constant 1 : i32
          %gather3A_793 = arith.constant 0 : i32
          %gather3A_794 = arith.constant 0 : i32
          %gather3A_795 = tpu.memref_slice %arg9[%gather3A_792, %gather3A_793, %gather3A_794] : memref<2x128x64xi32, #tpu.memory_space<vmem>> -> memref<1x128x64xi32, #tpu.memory_space<vmem>>
          %gather3A_796 = tpu.memref_squeeze %gather3A_795 : memref<1x128x64xi32, #tpu.memory_space<vmem>> -> memref<128x64xi32, #tpu.memory_space<vmem>>
          %gather3A_797 = tpu.vector_load_idx %gather3A_796[%add3A_231, %and3A_785] : memref<128x64xi32, #tpu.memory_space<vmem>>[vector<16xi32>, vector<16xi32>], vector<16xi32>,
          %bitcast3A_798 = vector.bitcast %gather3A_791 : vector<16xi32> to vector<32xbf16>
          %bitcast3A_799 = vector.bitcast %gather3A_797 : vector<16xi32> to vector<32xbf16>
          %mul3A_800 = arith.mulf %bitcast3A_798, %bitcast3A_799 : vector<32xbf16>
          %bitcast3A_801 = vector.bitcast %mul3A_800 : vector<32xbf16> to vector<16xi32>
          %shift_left3A_802 = arith.constant 16 : i32
          %shift_left3A_803 = vector.broadcast %shift_left3A_802 : i32 to vector<16xi32>
          %shift_left3A_804 = arith.shli %bitcast3A_801, %shift_left3A_803 : vector<16xi32>
          %bitcast3A_805 = vector.bitcast %shift_left3A_804 : vector<16xi32> to vector<16xf32>
          %and3A_806 = arith.constant -65536 : i32
          %and3A_807 = vector.broadcast %and3A_806 : i32 to vector<16xi32>
          %and3A_808 = arith.andi %bitcast3A_801, %and3A_807 : vector<16xi32>
          %bitcast3A_809 = vector.bitcast %and3A_808 : vector<16xi32> to vector<16xf32>
          %add3A_810 = arith.addf %add3A_740, %bitcast3A_805 : vector<16xf32>
          %add3A_811 = arith.addf %add3A_741, %bitcast3A_809 : vector<16xf32>
          scf.yield %add3A_775, %add3A_776, %add3A_810, %add3A_811 : vector<16xf32>, vector<16xf32>, vector<16xf32>, vector<16xf32>
        }
        %scan3A_240 = arith.constant 4 : i32
        %add3A_241 = arith.addf %scan3A_239#0, %scan3A_239#1 : vector<16xf32>
        %add3A_242 = arith.addf %scan3A_239#2, %scan3A_239#3 : vector<16xf32>
        %add3A_243 = arith.addf %add3A_241, %add3A_242 : vector<16xf32>
        %mul3A_244 = arith.constant 128 : i32
        %mul3A_245 = arith.muli %add3A_177, %mul3A_244 : i32
        %mul3A_246 = arith.constant 16 : i32
        %mul3A_247 = arith.muli %scan3A_226, %mul3A_246 : i32
        %add3A_248 = arith.addi %mul3A_245, %mul3A_247 : i32
        %swap3A_249 = arith.index_cast %add3A_248 : i32 to index
        %swap3A_250 = tpu.vector_load %arg10[%swap3A_249] {strides = array<i32>} : memref<10000xf32, #tpu.memory_space<vmem>>, vector<16xf32>,
        tpu.vector_store %arg10[%swap3A_249], %add3A_243 {strides = array<i32>} : memref<10000xf32, #tpu.memory_space<vmem>>, vector<16xf32>,
      }
      %scan3A_211 = arith.constant 8 : i32
      %add3A_212 = arith.constant 2 : i32
      %add3A_213 = arith.addi %add3A_177, %add3A_212 : i32
      %lt3A_214 = arith.constant 78 : i32
      %lt3A_215 = arith.cmpi slt, %add3A_213, %lt3A_214 : i32
      %convert_element_type3A_216 = arith.extui %lt3A_215 : i1 to i32
      %cond3A_217 = arith.constant 0 : i32
      %cond3A_218 = arith.cmpi ne, %convert_element_type3A_216, %cond3A_217 : i32
      scf.if %cond3A_218 {
        %add3A_226 = arith.constant 2 : i32
        %add3A_227 = arith.addi %add3A_177, %add3A_226 : i32
        %mul3A_228 = arith.constant 128 : i32
        %mul3A_229 = arith.muli %add3A_227, %mul3A_228 : i32
        %dma_start3A_230 = arith.constant 1 : i32
        %dma_start3A_231 = arith.constant 1 : i32
        %dma_start3A_232 = arith.constant 0 : i32
        %dma_start3A_233 = arith.constant 0 : i32
        %dma_start3A_234 = tpu.memref_slice %arg8[%dma_start3A_230, %dma_start3A_232, %dma_start3A_233] : memref<2x128x64xi32, #tpu.memory_space<vmem>> -> memref<1x128x64xi32, #tpu.memory_space<vmem>>
        %dma_start3A_235 = tpu.memref_squeeze %dma_start3A_234 : memref<1x128x64xi32, #tpu.memory_space<vmem>> -> memref<128x64xi32, #tpu.memory_space<vmem>>
        %dma_start3A_236 = tpu.memref_slice %arg6[%mul3A_229] : memref<10000xi32, #tpu.memory_space<vmem>> -> memref<128xi32, #tpu.memory_space<vmem>>
        %dma_start3A_237 = arith.constant 0 : i32
        %dma_start3A_238 = arith.constant 0 : i32
        %dma_start3A_239 = tpu.memref_slice %arg11[%dma_start3A_237, %dma_start3A_238] : memref<10000x64xi32, #tpu.memory_space<vmem_shared>> -> memref<10000x64xi32, #tpu.memory_space<vmem_shared>>
        %dma_start3A_240 = tpu.memref_slice %arg12[%dma_start3A_231] : memref<2x!tpu.dma_semaphore, #tpu.memory_space<semaphore_mem>> -> memref<1x!tpu.dma_semaphore, #tpu.memory_space<semaphore_mem>>
        %dma_start3A_241 = tpu.memref_squeeze %dma_start3A_240 : memref<1x!tpu.dma_semaphore, #tpu.memory_space<semaphore_mem>> -> memref<!tpu.dma_semaphore, #tpu.memory_space<semaphore_mem>>
        tpu.enqueue_indirect_dma source(%dma_start3A_239 : memref<10000x64xi32, #tpu.memory_space<vmem_shared>>) target(%dma_start3A_235 : memref<128x64xi32, #tpu.memory_space<vmem>>) offsets(%dma_start3A_236 : memref<128xi32, #tpu.memory_space<vmem>>) semaphore(%dma_start3A_241 : memref<!tpu.dma_semaphore, #tpu.memory_space<semaphore_mem>>)
        %mul3A_242 = arith.constant 128 : i32
        %mul3A_243 = arith.muli %add3A_227, %mul3A_242 : i32
        %dma_start3A_244 = arith.constant 1 : i32
        %dma_start3A_245 = arith.constant 1 : i32
        %dma_start3A_246 = arith.constant 0 : i32
        %dma_start3A_247 = arith.constant 0 : i32
        %dma_start3A_248 = tpu.memref_slice %arg9[%dma_start3A_244, %dma_start3A_246, %dma_start3A_247] : memref<2x128x64xi32, #tpu.memory_space<vmem>> -> memref<1x128x64xi32, #tpu.memory_space<vmem>>
        %dma_start3A_249 = tpu.memref_squeeze %dma_start3A_248 : memref<1x128x64xi32, #tpu.memory_space<vmem>> -> memref<128x64xi32, #tpu.memory_space<vmem>>
        %dma_start3A_250 = tpu.memref_slice %arg7[%mul3A_243] : memref<10000xi32, #tpu.memory_space<vmem>> -> memref<128xi32, #tpu.memory_space<vmem>>
        %dma_start3A_251 = arith.constant 0 : i32
        %dma_start3A_252 = arith.constant 0 : i32
        %dma_start3A_253 = tpu.memref_slice %arg11[%dma_start3A_251, %dma_start3A_252] : memref<10000x64xi32, #tpu.memory_space<vmem_shared>> -> memref<10000x64xi32, #tpu.memory_space<vmem_shared>>
        %dma_start3A_254 = tpu.memref_slice %arg12[%dma_start3A_245] : memref<2x!tpu.dma_semaphore, #tpu.memory_space<semaphore_mem>> -> memref<1x!tpu.dma_semaphore, #tpu.memory_space<semaphore_mem>>
        %dma_start3A_255 = tpu.memref_squeeze %dma_start3A_254 : memref<1x!tpu.dma_semaphore, #tpu.memory_space<semaphore_mem>> -> memref<!tpu.dma_semaphore, #tpu.memory_space<semaphore_mem>>
        tpu.enqueue_indirect_dma source(%dma_start3A_253 : memref<10000x64xi32, #tpu.memory_space<vmem_shared>>) target(%dma_start3A_249 : memref<128x64xi32, #tpu.memory_space<vmem>>) offsets(%dma_start3A_250 : memref<128xi32, #tpu.memory_space<vmem>>) semaphore(%dma_start3A_255 : memref<!tpu.dma_semaphore, #tpu.memory_space<semaphore_mem>>)
      } else {
      }
      %add3A_219 = arith.constant 2 : i32
      %add3A_220 = arith.addi %add3A_177, %add3A_219 : i32
      %eq3A_221 = arith.constant 78 : i32
      %eq3A_222 = arith.cmpi eq, %add3A_220, %eq3A_221 : i32
      %convert_element_type3A_223 = arith.extui %eq3A_222 : i1 to i32
      %cond3A_224 = arith.constant 0 : i32
      %cond3A_225 = arith.cmpi ne, %convert_element_type3A_223, %cond3A_224 : i32
      scf.if %cond3A_225 {
        %add3A_226 = arith.constant 2 : i32
        %add3A_227 = arith.addi %add3A_177, %add3A_226 : i32
        %mul3A_228 = arith.constant 128 : i32
        %mul3A_229 = arith.muli %add3A_227, %mul3A_228 : i32
        %dma_start3A_230 = arith.constant 1 : i32
        %dma_start3A_231 = arith.constant 1 : i32
        %dma_start3A_232 = arith.constant 0 : i32
        %dma_start3A_233 = arith.constant 0 : i32
        %dma_start3A_234 = tpu.memref_slice %arg8[%dma_start3A_230, %dma_start3A_232, %dma_start3A_233] : memref<2x128x64xi32, #tpu.memory_space<vmem>> -> memref<1x16x64xi32, #tpu.memory_space<vmem>>
        %dma_start3A_235 = tpu.memref_squeeze %dma_start3A_234 : memref<1x16x64xi32, #tpu.memory_space<vmem>> -> memref<16x64xi32, #tpu.memory_space<vmem>>
        %dma_start3A_236 = tpu.memref_slice %arg6[%mul3A_229] : memref<10000xi32, #tpu.memory_space<vmem>> -> memref<16xi32, #tpu.memory_space<vmem>>
        %dma_start3A_237 = arith.constant 0 : i32
        %dma_start3A_238 = arith.constant 0 : i32
        %dma_start3A_239 = tpu.memref_slice %arg11[%dma_start3A_237, %dma_start3A_238] : memref<10000x64xi32, #tpu.memory_space<vmem_shared>> -> memref<10000x64xi32, #tpu.memory_space<vmem_shared>>
        %dma_start3A_240 = tpu.memref_slice %arg12[%dma_start3A_231] : memref<2x!tpu.dma_semaphore, #tpu.memory_space<semaphore_mem>> -> memref<1x!tpu.dma_semaphore, #tpu.memory_space<semaphore_mem>>
        %dma_start3A_241 = tpu.memref_squeeze %dma_start3A_240 : memref<1x!tpu.dma_semaphore, #tpu.memory_space<semaphore_mem>> -> memref<!tpu.dma_semaphore, #tpu.memory_space<semaphore_mem>>
        tpu.enqueue_indirect_dma source(%dma_start3A_239 : memref<10000x64xi32, #tpu.memory_space<vmem_shared>>) target(%dma_start3A_235 : memref<16x64xi32, #tpu.memory_space<vmem>>) offsets(%dma_start3A_236 : memref<16xi32, #tpu.memory_space<vmem>>) semaphore(%dma_start3A_241 : memref<!tpu.dma_semaphore, #tpu.memory_space<semaphore_mem>>)
        %mul3A_242 = arith.constant 128 : i32
        %mul3A_243 = arith.muli %add3A_227, %mul3A_242 : i32
        %dma_start3A_244 = arith.constant 1 : i32
        %dma_start3A_245 = arith.constant 1 : i32
        %dma_start3A_246 = arith.constant 0 : i32
        %dma_start3A_247 = arith.constant 0 : i32
        %dma_start3A_248 = tpu.memref_slice %arg9[%dma_start3A_244, %dma_start3A_246, %dma_start3A_247] : memref<2x128x64xi32, #tpu.memory_space<vmem>> -> memref<1x16x64xi32, #tpu.memory_space<vmem>>
        %dma_start3A_249 = tpu.memref_squeeze %dma_start3A_248 : memref<1x16x64xi32, #tpu.memory_space<vmem>> -> memref<16x64xi32, #tpu.memory_space<vmem>>
        %dma_start3A_250 = tpu.memref_slice %arg7[%mul3A_243] : memref<10000xi32, #tpu.memory_space<vmem>> -> memref<16xi32, #tpu.memory_space<vmem>>
        %dma_start3A_251 = arith.constant 0 : i32
        %dma_start3A_252 = arith.constant 0 : i32
        %dma_start3A_253 = tpu.memref_slice %arg11[%dma_start3A_251, %dma_start3A_252] : memref<10000x64xi32, #tpu.memory_space<vmem_shared>> -> memref<10000x64xi32, #tpu.memory_space<vmem_shared>>
        %dma_start3A_254 = tpu.memref_slice %arg12[%dma_start3A_245] : memref<2x!tpu.dma_semaphore, #tpu.memory_space<semaphore_mem>> -> memref<1x!tpu.dma_semaphore, #tpu.memory_space<semaphore_mem>>
        %dma_start3A_255 = tpu.memref_squeeze %dma_start3A_254 : memref<1x!tpu.dma_semaphore, #tpu.memory_space<semaphore_mem>> -> memref<!tpu.dma_semaphore, #tpu.memory_space<semaphore_mem>>
        tpu.enqueue_indirect_dma source(%dma_start3A_253 : memref<10000x64xi32, #tpu.memory_space<vmem_shared>>) target(%dma_start3A_249 : memref<16x64xi32, #tpu.memory_space<vmem>>) offsets(%dma_start3A_250 : memref<16xi32, #tpu.memory_space<vmem>>) semaphore(%dma_start3A_255 : memref<!tpu.dma_semaphore, #tpu.memory_space<semaphore_mem>>)
      } else {
      }
    }
    %scan3A_71 = arith.constant 39 : i32
    %dma_wait3A_72 = arith.constant 0 : i32
    %dma_wait3A_73 = arith.constant 0 : i32
    %dma_wait3A_74 = arith.constant 0 : i32
    %dma_wait3A_75 = arith.constant 0 : i32
    %dma_wait3A_76 = tpu.memref_slice %arg8[%dma_wait3A_72, %dma_wait3A_74, %dma_wait3A_75] : memref<2x128x64xi32, #tpu.memory_space<vmem>> -> memref<1x16x64xi32, #tpu.memory_space<vmem>>
    %dma_wait3A_77 = tpu.memref_squeeze %dma_wait3A_76 : memref<1x16x64xi32, #tpu.memory_space<vmem>> -> memref<16x64xi32, #tpu.memory_space<vmem>>
    %dma_wait3A_78 = arith.constant 9984 : i32
    %dma_wait3A_79 = tpu.memref_slice %arg6[%dma_wait3A_78] : memref<10000xi32, #tpu.memory_space<vmem>> -> memref<16xi32, #tpu.memory_space<vmem>>
    %dma_wait3A_80 = arith.constant 0 : i32
    %dma_wait3A_81 = arith.constant 0 : i32
    %dma_wait3A_82 = tpu.memref_slice %arg11[%dma_wait3A_80, %dma_wait3A_81] : memref<10000x64xi32, #tpu.memory_space<vmem_shared>> -> memref<10000x64xi32, #tpu.memory_space<vmem_shared>>
    %dma_wait3A_83 = tpu.memref_slice %arg12[%dma_wait3A_73] : memref<2x!tpu.dma_semaphore, #tpu.memory_space<semaphore_mem>> -> memref<1x!tpu.dma_semaphore, #tpu.memory_space<semaphore_mem>>
    %dma_wait3A_84 = tpu.memref_squeeze %dma_wait3A_83 : memref<1x!tpu.dma_semaphore, #tpu.memory_space<semaphore_mem>> -> memref<!tpu.dma_semaphore, #tpu.memory_space<semaphore_mem>>
    tpu.wait_indirect_dma semaphore(%dma_wait3A_84 : memref<!tpu.dma_semaphore, #tpu.memory_space<semaphore_mem>>) src(%dma_wait3A_82 : memref<10000x64xi32, #tpu.memory_space<vmem_shared>>) dst(%dma_wait3A_77 : memref<16x64xi32, #tpu.memory_space<vmem>>)
    %dma_wait3A_85 = arith.constant 0 : i32
    %dma_wait3A_86 = arith.constant 0 : i32
    %dma_wait3A_87 = arith.constant 0 : i32
    %dma_wait3A_88 = arith.constant 0 : i32
    %dma_wait3A_89 = tpu.memref_slice %arg9[%dma_wait3A_85, %dma_wait3A_87, %dma_wait3A_88] : memref<2x128x64xi32, #tpu.memory_space<vmem>> -> memref<1x16x64xi32, #tpu.memory_space<vmem>>
    %dma_wait3A_90 = tpu.memref_squeeze %dma_wait3A_89 : memref<1x16x64xi32, #tpu.memory_space<vmem>> -> memref<16x64xi32, #tpu.memory_space<vmem>>
    %dma_wait3A_91 = arith.constant 9984 : i32
    %dma_wait3A_92 = tpu.memref_slice %arg7[%dma_wait3A_91] : memref<10000xi32, #tpu.memory_space<vmem>> -> memref<16xi32, #tpu.memory_space<vmem>>
    %dma_wait3A_93 = arith.constant 0 : i32
    %dma_wait3A_94 = arith.constant 0 : i32
    %dma_wait3A_95 = tpu.memref_slice %arg11[%dma_wait3A_93, %dma_wait3A_94] : memref<10000x64xi32, #tpu.memory_space<vmem_shared>> -> memref<10000x64xi32, #tpu.memory_space<vmem_shared>>
    %dma_wait3A_96 = tpu.memref_slice %arg12[%dma_wait3A_86] : memref<2x!tpu.dma_semaphore, #tpu.memory_space<semaphore_mem>> -> memref<1x!tpu.dma_semaphore, #tpu.memory_space<semaphore_mem>>
    %dma_wait3A_97 = tpu.memref_squeeze %dma_wait3A_96 : memref<1x!tpu.dma_semaphore, #tpu.memory_space<semaphore_mem>> -> memref<!tpu.dma_semaphore, #tpu.memory_space<semaphore_mem>>
    tpu.wait_indirect_dma semaphore(%dma_wait3A_97 : memref<!tpu.dma_semaphore, #tpu.memory_space<semaphore_mem>>) src(%dma_wait3A_95 : memref<10000x64xi32, #tpu.memory_space<vmem_shared>>) dst(%dma_wait3A_90 : memref<16x64xi32, #tpu.memory_space<vmem>>)
    %scan3A_98 = arith.constant 0 : i32
    %scan3A_99 = arith.constant 0 : i32
    %iota3A = tpu.iota {dimensions = array<i32: 0>} : vector<16xi32>
    %mul3A_100 = arith.constant 16 : i32
    %mul3A_101 = arith.muli %scan3A_99, %mul3A_100 : i32
    %add3A_102 = vector.broadcast %mul3A_101 : i32 to vector<16xi32>
    %add3A_103 = arith.addi %iota3A, %add3A_102 : vector<16xi32>
    %iota3A_104 = tpu.iota {dimensions = array<i32: 0>} : vector<16xi32>
    %broadcast_in_dim3A = arith.constant 0.000000e+00 : f32
    %broadcast_in_dim3A_105 = vector.broadcast %broadcast_in_dim3A : f32 to vector<16xf32>
    %scan3A_106 = arith.constant 0 : i32
    %scan3A_107 = arith.constant 4 : i32
    %scan3A_108 = arith.addi %scan3A_106, %scan3A_107 : i32
    %scan3A_109 = arith.constant 1 : i32
    %scan3A_110:4 = scf.for %scan3A_121 = %scan3A_106 to %scan3A_108 step %scan3A_109 iter_args(%scan3A_122 = %broadcast_in_dim3A_105, %scan3A_123 = %broadcast_in_dim3A_105, %scan3A_124 = %broadcast_in_dim3A_105, %scan3A_125 = %broadcast_in_dim3A_105) -> (vector<16xf32>, vector<16xf32>, vector<16xf32>, vector<16xf32>)  : i32 {
      %mul3A_126 = arith.constant 16 : i32
      %mul3A_127 = arith.muli %scan3A_121, %mul3A_126 : i32
      %add3A_128 = arith.constant 0 : i32
      %add3A_129 = arith.addi %mul3A_127, %add3A_128 : i32
      %add3A_130 = vector.broadcast %add3A_129 : i32 to vector<16xi32>
      %add3A_131 = arith.addi %iota3A_104, %add3A_130 : vector<16xi32>
      %and3A = arith.constant 63 : i32
      %and3A_132 = vector.broadcast %and3A : i32 to vector<16xi32>
      %and3A_133 = arith.andi %add3A_131, %and3A_132 : vector<16xi32>
      %gather3A = arith.constant 0 : i32
      %gather3A_134 = arith.constant 0 : i32
      %gather3A_135 = arith.constant 0 : i32
      %gather3A_136 = tpu.memref_slice %arg8[%gather3A, %gather3A_134, %gather3A_135] : memref<2x128x64xi32, #tpu.memory_space<vmem>> -> memref<1x128x64xi32, #tpu.memory_space<vmem>>
      %gather3A_137 = tpu.memref_squeeze %gather3A_136 : memref<1x128x64xi32, #tpu.memory_space<vmem>> -> memref<128x64xi32, #tpu.memory_space<vmem>>
      %gather3A_138 = tpu.vector_load_idx %gather3A_137[%add3A_103, %and3A_133] : memref<128x64xi32, #tpu.memory_space<vmem>>[vector<16xi32>, vector<16xi32>], vector<16xi32>,
      %gather3A_139 = arith.constant 0 : i32
      %gather3A_140 = arith.constant 0 : i32
      %gather3A_141 = arith.constant 0 : i32
      %gather3A_142 = tpu.memref_slice %arg9[%gather3A_139, %gather3A_140, %gather3A_141] : memref<2x128x64xi32, #tpu.memory_space<vmem>> -> memref<1x128x64xi32, #tpu.memory_space<vmem>>
      %gather3A_143 = tpu.memref_squeeze %gather3A_142 : memref<1x128x64xi32, #tpu.memory_space<vmem>> -> memref<128x64xi32, #tpu.memory_space<vmem>>
      %gather3A_144 = tpu.vector_load_idx %gather3A_143[%add3A_103, %and3A_133] : memref<128x64xi32, #tpu.memory_space<vmem>>[vector<16xi32>, vector<16xi32>], vector<16xi32>,
      %bitcast3A = vector.bitcast %gather3A_138 : vector<16xi32> to vector<32xbf16>
      %bitcast3A_145 = vector.bitcast %gather3A_144 : vector<16xi32> to vector<32xbf16>
      %mul3A_146 = arith.mulf %bitcast3A, %bitcast3A_145 : vector<32xbf16>
      %bitcast3A_147 = vector.bitcast %mul3A_146 : vector<32xbf16> to vector<16xi32>
      %shift_left3A = arith.constant 16 : i32
      %shift_left3A_148 = vector.broadcast %shift_left3A : i32 to vector<16xi32>
      %shift_left3A_149 = arith.shli %bitcast3A_147, %shift_left3A_148 : vector<16xi32>
      %bitcast3A_150 = vector.bitcast %shift_left3A_149 : vector<16xi32> to vector<16xf32>
      %and3A_151 = arith.constant -65536 : i32
      %and3A_152 = vector.broadcast %and3A_151 : i32 to vector<16xi32>
      %and3A_153 = arith.andi %bitcast3A_147, %and3A_152 : vector<16xi32>
      %bitcast3A_154 = vector.bitcast %and3A_153 : vector<16xi32> to vector<16xf32>
      %add3A_155 = arith.addf %scan3A_122, %bitcast3A_150 : vector<16xf32>
      %add3A_156 = arith.addf %scan3A_123, %bitcast3A_154 : vector<16xf32>
      %mul3A_157 = arith.constant 16 : i32
      %mul3A_158 = arith.muli %scan3A_121, %mul3A_157 : i32
      %add3A_159 = arith.constant 1 : i32
      %add3A_160 = arith.addi %mul3A_158, %add3A_159 : i32
      %add3A_161 = vector.broadcast %add3A_160 : i32 to vector<16xi32>
      %add3A_162 = arith.addi %iota3A_104, %add3A_161 : vector<16xi32>
      %and3A_163 = arith.constant 63 : i32
      %and3A_164 = vector.broadcast %and3A_163 : i32 to vector<16xi32>
      %and3A_165 = arith.andi %add3A_162, %and3A_164 : vector<16xi32>
      %gather3A_166 = arith.constant 0 : i32
      %gather3A_167 = arith.constant 0 : i32
      %gather3A_168 = arith.constant 0 : i32
      %gather3A_169 = tpu.memref_slice %arg8[%gather3A_166, %gather3A_167, %gather3A_168] : memref<2x128x64xi32, #tpu.memory_space<vmem>> -> memref<1x128x64xi32, #tpu.memory_space<vmem>>
      %gather3A_170 = tpu.memref_squeeze %gather3A_169 : memref<1x128x64xi32, #tpu.memory_space<vmem>> -> memref<128x64xi32, #tpu.memory_space<vmem>>
      %gather3A_171 = tpu.vector_load_idx %gather3A_170[%add3A_103, %and3A_165] : memref<128x64xi32, #tpu.memory_space<vmem>>[vector<16xi32>, vector<16xi32>], vector<16xi32>,
      %gather3A_172 = arith.constant 0 : i32
      %gather3A_173 = arith.constant 0 : i32
      %gather3A_174 = arith.constant 0 : i32
      %gather3A_175 = tpu.memref_slice %arg9[%gather3A_172, %gather3A_173, %gather3A_174] : memref<2x128x64xi32, #tpu.memory_space<vmem>> -> memref<1x128x64xi32, #tpu.memory_space<vmem>>
      %gather3A_176 = tpu.memref_squeeze %gather3A_175 : memref<1x128x64xi32, #tpu.memory_space<vmem>> -> memref<128x64xi32, #tpu.memory_space<vmem>>
      %gather3A_177 = tpu.vector_load_idx %gather3A_176[%add3A_103, %and3A_165] : memref<128x64xi32, #tpu.memory_space<vmem>>[vector<16xi32>, vector<16xi32>], vector<16xi32>,
      %bitcast3A_178 = vector.bitcast %gather3A_171 : vector<16xi32> to vector<32xbf16>
      %bitcast3A_179 = vector.bitcast %gather3A_177 : vector<16xi32> to vector<32xbf16>
      %mul3A_180 = arith.mulf %bitcast3A_178, %bitcast3A_179 : vector<32xbf16>
      %bitcast3A_181 = vector.bitcast %mul3A_180 : vector<32xbf16> to vector<16xi32>
      %shift_left3A_182 = arith.constant 16 : i32
      %shift_left3A_183 = vector.broadcast %shift_left3A_182 : i32 to vector<16xi32>
      %shift_left3A_184 = arith.shli %bitcast3A_181, %shift_left3A_183 : vector<16xi32>
      %bitcast3A_185 = vector.bitcast %shift_left3A_184 : vector<16xi32> to vector<16xf32>
      %and3A_186 = arith.constant -65536 : i32
      %and3A_187 = vector.broadcast %and3A_186 : i32 to vector<16xi32>
      %and3A_188 = arith.andi %bitcast3A_181, %and3A_187 : vector<16xi32>
      %bitcast3A_189 = vector.bitcast %and3A_188 : vector<16xi32> to vector<16xf32>
      %add3A_190 = arith.addf %scan3A_124, %bitcast3A_185 : vector<16xf32>
      %add3A_191 = arith.addf %scan3A_125, %bitcast3A_189 : vector<16xf32>
      %mul3A_192 = arith.constant 16 : i32
      %mul3A_193 = arith.muli %scan3A_121, %mul3A_192 : i32
      %add3A_194 = arith.constant 2 : i32
      %add3A_195 = arith.addi %mul3A_193, %add3A_194 : i32
      %add3A_196 = vector.broadcast %add3A_195 : i32 to vector<16xi32>
      %add3A_197 = arith.addi %iota3A_104, %add3A_196 : vector<16xi32>
      %and3A_198 = arith.constant 63 : i32
      %and3A_199 = vector.broadcast %and3A_198 : i32 to vector<16xi32>
      %and3A_200 = arith.andi %add3A_197, %and3A_199 : vector<16xi32>
      %gather3A_201 = arith.constant 0 : i32
      %gather3A_202 = arith.constant 0 : i32
      %gather3A_203 = arith.constant 0 : i32
      %gather3A_204 = tpu.memref_slice %arg8[%gather3A_201, %gather3A_202, %gather3A_203] : memref<2x128x64xi32, #tpu.memory_space<vmem>> -> memref<1x128x64xi32, #tpu.memory_space<vmem>>
      %gather3A_205 = tpu.memref_squeeze %gather3A_204 : memref<1x128x64xi32, #tpu.memory_space<vmem>> -> memref<128x64xi32, #tpu.memory_space<vmem>>
      %gather3A_206 = tpu.vector_load_idx %gather3A_205[%add3A_103, %and3A_200] : memref<128x64xi32, #tpu.memory_space<vmem>>[vector<16xi32>, vector<16xi32>], vector<16xi32>,
      %gather3A_207 = arith.constant 0 : i32
      %gather3A_208 = arith.constant 0 : i32
      %gather3A_209 = arith.constant 0 : i32
      %gather3A_210 = tpu.memref_slice %arg9[%gather3A_207, %gather3A_208, %gather3A_209] : memref<2x128x64xi32, #tpu.memory_space<vmem>> -> memref<1x128x64xi32, #tpu.memory_space<vmem>>
      %gather3A_211 = tpu.memref_squeeze %gather3A_210 : memref<1x128x64xi32, #tpu.memory_space<vmem>> -> memref<128x64xi32, #tpu.memory_space<vmem>>
      %gather3A_212 = tpu.vector_load_idx %gather3A_211[%add3A_103, %and3A_200] : memref<128x64xi32, #tpu.memory_space<vmem>>[vector<16xi32>, vector<16xi32>], vector<16xi32>,
      %bitcast3A_213 = vector.bitcast %gather3A_206 : vector<16xi32> to vector<32xbf16>
      %bitcast3A_214 = vector.bitcast %gather3A_212 : vector<16xi32> to vector<32xbf16>
      %mul3A_215 = arith.mulf %bitcast3A_213, %bitcast3A_214 : vector<32xbf16>
      %bitcast3A_216 = vector.bitcast %mul3A_215 : vector<32xbf16> to vector<16xi32>
      %shift_left3A_217 = arith.constant 16 : i32
      %shift_left3A_218 = vector.broadcast %shift_left3A_217 : i32 to vector<16xi32>
      %shift_left3A_219 = arith.shli %bitcast3A_216, %shift_left3A_218 : vector<16xi32>
      %bitcast3A_220 = vector.bitcast %shift_left3A_219 : vector<16xi32> to vector<16xf32>
      %and3A_221 = arith.constant -65536 : i32
      %and3A_222 = vector.broadcast %and3A_221 : i32 to vector<16xi32>
      %and3A_223 = arith.andi %bitcast3A_216, %and3A_222 : vector<16xi32>
      %bitcast3A_224 = vector.bitcast %and3A_223 : vector<16xi32> to vector<16xf32>
      %add3A_225 = arith.addf %add3A_155, %bitcast3A_220 : vector<16xf32>
      %add3A_226 = arith.addf %add3A_156, %bitcast3A_224 : vector<16xf32>
      %mul3A_227 = arith.constant 16 : i32
      %mul3A_228 = arith.muli %scan3A_121, %mul3A_227 : i32
      %add3A_229 = arith.constant 3 : i32
      %add3A_230 = arith.addi %mul3A_228, %add3A_229 : i32
      %add3A_231 = vector.broadcast %add3A_230 : i32 to vector<16xi32>
      %add3A_232 = arith.addi %iota3A_104, %add3A_231 : vector<16xi32>
      %and3A_233 = arith.constant 63 : i32
      %and3A_234 = vector.broadcast %and3A_233 : i32 to vector<16xi32>
      %and3A_235 = arith.andi %add3A_232, %and3A_234 : vector<16xi32>
      %gather3A_236 = arith.constant 0 : i32
      %gather3A_237 = arith.constant 0 : i32
      %gather3A_238 = arith.constant 0 : i32
      %gather3A_239 = tpu.memref_slice %arg8[%gather3A_236, %gather3A_237, %gather3A_238] : memref<2x128x64xi32, #tpu.memory_space<vmem>> -> memref<1x128x64xi32, #tpu.memory_space<vmem>>
      %gather3A_240 = tpu.memref_squeeze %gather3A_239 : memref<1x128x64xi32, #tpu.memory_space<vmem>> -> memref<128x64xi32, #tpu.memory_space<vmem>>
      %gather3A_241 = tpu.vector_load_idx %gather3A_240[%add3A_103, %and3A_235] : memref<128x64xi32, #tpu.memory_space<vmem>>[vector<16xi32>, vector<16xi32>], vector<16xi32>,
      %gather3A_242 = arith.constant 0 : i32
      %gather3A_243 = arith.constant 0 : i32
      %gather3A_244 = arith.constant 0 : i32
      %gather3A_245 = tpu.memref_slice %arg9[%gather3A_242, %gather3A_243, %gather3A_244] : memref<2x128x64xi32, #tpu.memory_space<vmem>> -> memref<1x128x64xi32, #tpu.memory_space<vmem>>
      %gather3A_246 = tpu.memref_squeeze %gather3A_245 : memref<1x128x64xi32, #tpu.memory_space<vmem>> -> memref<128x64xi32, #tpu.memory_space<vmem>>
      %gather3A_247 = tpu.vector_load_idx %gather3A_246[%add3A_103, %and3A_235] : memref<128x64xi32, #tpu.memory_space<vmem>>[vector<16xi32>, vector<16xi32>], vector<16xi32>,
      %bitcast3A_248 = vector.bitcast %gather3A_241 : vector<16xi32> to vector<32xbf16>
      %bitcast3A_249 = vector.bitcast %gather3A_247 : vector<16xi32> to vector<32xbf16>
      %mul3A_250 = arith.mulf %bitcast3A_248, %bitcast3A_249 : vector<32xbf16>
      %bitcast3A_251 = vector.bitcast %mul3A_250 : vector<32xbf16> to vector<16xi32>
      %shift_left3A_252 = arith.constant 16 : i32
      %shift_left3A_253 = vector.broadcast %shift_left3A_252 : i32 to vector<16xi32>
      %shift_left3A_254 = arith.shli %bitcast3A_251, %shift_left3A_253 : vector<16xi32>
      %bitcast3A_255 = vector.bitcast %shift_left3A_254 : vector<16xi32> to vector<16xf32>
      %and3A_256 = arith.constant -65536 : i32
      %and3A_257 = vector.broadcast %and3A_256 : i32 to vector<16xi32>
      %and3A_258 = arith.andi %bitcast3A_251, %and3A_257 : vector<16xi32>
      %bitcast3A_259 = vector.bitcast %and3A_258 : vector<16xi32> to vector<16xf32>
      %add3A_260 = arith.addf %add3A_190, %bitcast3A_255 : vector<16xf32>
      %add3A_261 = arith.addf %add3A_191, %bitcast3A_259 : vector<16xf32>
      %mul3A_262 = arith.constant 16 : i32
      %mul3A_263 = arith.muli %scan3A_121, %mul3A_262 : i32
      %add3A_264 = arith.constant 4 : i32
      %add3A_265 = arith.addi %mul3A_263, %add3A_264 : i32
      %add3A_266 = vector.broadcast %add3A_265 : i32 to vector<16xi32>
      %add3A_267 = arith.addi %iota3A_104, %add3A_266 : vector<16xi32>
      %and3A_268 = arith.constant 63 : i32
      %and3A_269 = vector.broadcast %and3A_268 : i32 to vector<16xi32>
      %and3A_270 = arith.andi %add3A_267, %and3A_269 : vector<16xi32>
      %gather3A_271 = arith.constant 0 : i32
      %gather3A_272 = arith.constant 0 : i32
      %gather3A_273 = arith.constant 0 : i32
      %gather3A_274 = tpu.memref_slice %arg8[%gather3A_271, %gather3A_272, %gather3A_273] : memref<2x128x64xi32, #tpu.memory_space<vmem>> -> memref<1x128x64xi32, #tpu.memory_space<vmem>>
      %gather3A_275 = tpu.memref_squeeze %gather3A_274 : memref<1x128x64xi32, #tpu.memory_space<vmem>> -> memref<128x64xi32, #tpu.memory_space<vmem>>
      %gather3A_276 = tpu.vector_load_idx %gather3A_275[%add3A_103, %and3A_270] : memref<128x64xi32, #tpu.memory_space<vmem>>[vector<16xi32>, vector<16xi32>], vector<16xi32>,
      %gather3A_277 = arith.constant 0 : i32
      %gather3A_278 = arith.constant 0 : i32
      %gather3A_279 = arith.constant 0 : i32
      %gather3A_280 = tpu.memref_slice %arg9[%gather3A_277, %gather3A_278, %gather3A_279] : memref<2x128x64xi32, #tpu.memory_space<vmem>> -> memref<1x128x64xi32, #tpu.memory_space<vmem>>
      %gather3A_281 = tpu.memref_squeeze %gather3A_280 : memref<1x128x64xi32, #tpu.memory_space<vmem>> -> memref<128x64xi32, #tpu.memory_space<vmem>>
      %gather3A_282 = tpu.vector_load_idx %gather3A_281[%add3A_103, %and3A_270] : memref<128x64xi32, #tpu.memory_space<vmem>>[vector<16xi32>, vector<16xi32>], vector<16xi32>,
      %bitcast3A_283 = vector.bitcast %gather3A_276 : vector<16xi32> to vector<32xbf16>
      %bitcast3A_284 = vector.bitcast %gather3A_282 : vector<16xi32> to vector<32xbf16>
      %mul3A_285 = arith.mulf %bitcast3A_283, %bitcast3A_284 : vector<32xbf16>
      %bitcast3A_286 = vector.bitcast %mul3A_285 : vector<32xbf16> to vector<16xi32>
      %shift_left3A_287 = arith.constant 16 : i32
      %shift_left3A_288 = vector.broadcast %shift_left3A_287 : i32 to vector<16xi32>
      %shift_left3A_289 = arith.shli %bitcast3A_286, %shift_left3A_288 : vector<16xi32>
      %bitcast3A_290 = vector.bitcast %shift_left3A_289 : vector<16xi32> to vector<16xf32>
      %and3A_291 = arith.constant -65536 : i32
      %and3A_292 = vector.broadcast %and3A_291 : i32 to vector<16xi32>
      %and3A_293 = arith.andi %bitcast3A_286, %and3A_292 : vector<16xi32>
      %bitcast3A_294 = vector.bitcast %and3A_293 : vector<16xi32> to vector<16xf32>
      %add3A_295 = arith.addf %add3A_225, %bitcast3A_290 : vector<16xf32>
      %add3A_296 = arith.addf %add3A_226, %bitcast3A_294 : vector<16xf32>
      %mul3A_297 = arith.constant 16 : i32
      %mul3A_298 = arith.muli %scan3A_121, %mul3A_297 : i32
      %add3A_299 = arith.constant 5 : i32
      %add3A_300 = arith.addi %mul3A_298, %add3A_299 : i32
      %add3A_301 = vector.broadcast %add3A_300 : i32 to vector<16xi32>
      %add3A_302 = arith.addi %iota3A_104, %add3A_301 : vector<16xi32>
      %and3A_303 = arith.constant 63 : i32
      %and3A_304 = vector.broadcast %and3A_303 : i32 to vector<16xi32>
      %and3A_305 = arith.andi %add3A_302, %and3A_304 : vector<16xi32>
      %gather3A_306 = arith.constant 0 : i32
      %gather3A_307 = arith.constant 0 : i32
      %gather3A_308 = arith.constant 0 : i32
      %gather3A_309 = tpu.memref_slice %arg8[%gather3A_306, %gather3A_307, %gather3A_308] : memref<2x128x64xi32, #tpu.memory_space<vmem>> -> memref<1x128x64xi32, #tpu.memory_space<vmem>>
      %gather3A_310 = tpu.memref_squeeze %gather3A_309 : memref<1x128x64xi32, #tpu.memory_space<vmem>> -> memref<128x64xi32, #tpu.memory_space<vmem>>
      %gather3A_311 = tpu.vector_load_idx %gather3A_310[%add3A_103, %and3A_305] : memref<128x64xi32, #tpu.memory_space<vmem>>[vector<16xi32>, vector<16xi32>], vector<16xi32>,
      %gather3A_312 = arith.constant 0 : i32
      %gather3A_313 = arith.constant 0 : i32
      %gather3A_314 = arith.constant 0 : i32
      %gather3A_315 = tpu.memref_slice %arg9[%gather3A_312, %gather3A_313, %gather3A_314] : memref<2x128x64xi32, #tpu.memory_space<vmem>> -> memref<1x128x64xi32, #tpu.memory_space<vmem>>
      %gather3A_316 = tpu.memref_squeeze %gather3A_315 : memref<1x128x64xi32, #tpu.memory_space<vmem>> -> memref<128x64xi32, #tpu.memory_space<vmem>>
      %gather3A_317 = tpu.vector_load_idx %gather3A_316[%add3A_103, %and3A_305] : memref<128x64xi32, #tpu.memory_space<vmem>>[vector<16xi32>, vector<16xi32>], vector<16xi32>,
      %bitcast3A_318 = vector.bitcast %gather3A_311 : vector<16xi32> to vector<32xbf16>
      %bitcast3A_319 = vector.bitcast %gather3A_317 : vector<16xi32> to vector<32xbf16>
      %mul3A_320 = arith.mulf %bitcast3A_318, %bitcast3A_319 : vector<32xbf16>
      %bitcast3A_321 = vector.bitcast %mul3A_320 : vector<32xbf16> to vector<16xi32>
      %shift_left3A_322 = arith.constant 16 : i32
      %shift_left3A_323 = vector.broadcast %shift_left3A_322 : i32 to vector<16xi32>
      %shift_left3A_324 = arith.shli %bitcast3A_321, %shift_left3A_323 : vector<16xi32>
      %bitcast3A_325 = vector.bitcast %shift_left3A_324 : vector<16xi32> to vector<16xf32>
      %and3A_326 = arith.constant -65536 : i32
      %and3A_327 = vector.broadcast %and3A_326 : i32 to vector<16xi32>
      %and3A_328 = arith.andi %bitcast3A_321, %and3A_327 : vector<16xi32>
      %bitcast3A_329 = vector.bitcast %and3A_328 : vector<16xi32> to vector<16xf32>
      %add3A_330 = arith.addf %add3A_260, %bitcast3A_325 : vector<16xf32>
      %add3A_331 = arith.addf %add3A_261, %bitcast3A_329 : vector<16xf32>
      %mul3A_332 = arith.constant 16 : i32
      %mul3A_333 = arith.muli %scan3A_121, %mul3A_332 : i32
      %add3A_334 = arith.constant 6 : i32
      %add3A_335 = arith.addi %mul3A_333, %add3A_334 : i32
      %add3A_336 = vector.broadcast %add3A_335 : i32 to vector<16xi32>
      %add3A_337 = arith.addi %iota3A_104, %add3A_336 : vector<16xi32>
      %and3A_338 = arith.constant 63 : i32
      %and3A_339 = vector.broadcast %and3A_338 : i32 to vector<16xi32>
      %and3A_340 = arith.andi %add3A_337, %and3A_339 : vector<16xi32>
      %gather3A_341 = arith.constant 0 : i32
      %gather3A_342 = arith.constant 0 : i32
      %gather3A_343 = arith.constant 0 : i32
      %gather3A_344 = tpu.memref_slice %arg8[%gather3A_341, %gather3A_342, %gather3A_343] : memref<2x128x64xi32, #tpu.memory_space<vmem>> -> memref<1x128x64xi32, #tpu.memory_space<vmem>>
      %gather3A_345 = tpu.memref_squeeze %gather3A_344 : memref<1x128x64xi32, #tpu.memory_space<vmem>> -> memref<128x64xi32, #tpu.memory_space<vmem>>
      %gather3A_346 = tpu.vector_load_idx %gather3A_345[%add3A_103, %and3A_340] : memref<128x64xi32, #tpu.memory_space<vmem>>[vector<16xi32>, vector<16xi32>], vector<16xi32>,
      %gather3A_347 = arith.constant 0 : i32
      %gather3A_348 = arith.constant 0 : i32
      %gather3A_349 = arith.constant 0 : i32
      %gather3A_350 = tpu.memref_slice %arg9[%gather3A_347, %gather3A_348, %gather3A_349] : memref<2x128x64xi32, #tpu.memory_space<vmem>> -> memref<1x128x64xi32, #tpu.memory_space<vmem>>
      %gather3A_351 = tpu.memref_squeeze %gather3A_350 : memref<1x128x64xi32, #tpu.memory_space<vmem>> -> memref<128x64xi32, #tpu.memory_space<vmem>>
      %gather3A_352 = tpu.vector_load_idx %gather3A_351[%add3A_103, %and3A_340] : memref<128x64xi32, #tpu.memory_space<vmem>>[vector<16xi32>, vector<16xi32>], vector<16xi32>,
      %bitcast3A_353 = vector.bitcast %gather3A_346 : vector<16xi32> to vector<32xbf16>
      %bitcast3A_354 = vector.bitcast %gather3A_352 : vector<16xi32> to vector<32xbf16>
      %mul3A_355 = arith.mulf %bitcast3A_353, %bitcast3A_354 : vector<32xbf16>
      %bitcast3A_356 = vector.bitcast %mul3A_355 : vector<32xbf16> to vector<16xi32>
      %shift_left3A_357 = arith.constant 16 : i32
      %shift_left3A_358 = vector.broadcast %shift_left3A_357 : i32 to vector<16xi32>
      %shift_left3A_359 = arith.shli %bitcast3A_356, %shift_left3A_358 : vector<16xi32>
      %bitcast3A_360 = vector.bitcast %shift_left3A_359 : vector<16xi32> to vector<16xf32>
      %and3A_361 = arith.constant -65536 : i32
      %and3A_362 = vector.broadcast %and3A_361 : i32 to vector<16xi32>
      %and3A_363 = arith.andi %bitcast3A_356, %and3A_362 : vector<16xi32>
      %bitcast3A_364 = vector.bitcast %and3A_363 : vector<16xi32> to vector<16xf32>
      %add3A_365 = arith.addf %add3A_295, %bitcast3A_360 : vector<16xf32>
      %add3A_366 = arith.addf %add3A_296, %bitcast3A_364 : vector<16xf32>
      %mul3A_367 = arith.constant 16 : i32
      %mul3A_368 = arith.muli %scan3A_121, %mul3A_367 : i32
      %add3A_369 = arith.constant 7 : i32
      %add3A_370 = arith.addi %mul3A_368, %add3A_369 : i32
      %add3A_371 = vector.broadcast %add3A_370 : i32 to vector<16xi32>
      %add3A_372 = arith.addi %iota3A_104, %add3A_371 : vector<16xi32>
      %and3A_373 = arith.constant 63 : i32
      %and3A_374 = vector.broadcast %and3A_373 : i32 to vector<16xi32>
      %and3A_375 = arith.andi %add3A_372, %and3A_374 : vector<16xi32>
      %gather3A_376 = arith.constant 0 : i32
      %gather3A_377 = arith.constant 0 : i32
      %gather3A_378 = arith.constant 0 : i32
      %gather3A_379 = tpu.memref_slice %arg8[%gather3A_376, %gather3A_377, %gather3A_378] : memref<2x128x64xi32, #tpu.memory_space<vmem>> -> memref<1x128x64xi32, #tpu.memory_space<vmem>>
      %gather3A_380 = tpu.memref_squeeze %gather3A_379 : memref<1x128x64xi32, #tpu.memory_space<vmem>> -> memref<128x64xi32, #tpu.memory_space<vmem>>
      %gather3A_381 = tpu.vector_load_idx %gather3A_380[%add3A_103, %and3A_375] : memref<128x64xi32, #tpu.memory_space<vmem>>[vector<16xi32>, vector<16xi32>], vector<16xi32>,
      %gather3A_382 = arith.constant 0 : i32
      %gather3A_383 = arith.constant 0 : i32
      %gather3A_384 = arith.constant 0 : i32
      %gather3A_385 = tpu.memref_slice %arg9[%gather3A_382, %gather3A_383, %gather3A_384] : memref<2x128x64xi32, #tpu.memory_space<vmem>> -> memref<1x128x64xi32, #tpu.memory_space<vmem>>
      %gather3A_386 = tpu.memref_squeeze %gather3A_385 : memref<1x128x64xi32, #tpu.memory_space<vmem>> -> memref<128x64xi32, #tpu.memory_space<vmem>>
      %gather3A_387 = tpu.vector_load_idx %gather3A_386[%add3A_103, %and3A_375] : memref<128x64xi32, #tpu.memory_space<vmem>>[vector<16xi32>, vector<16xi32>], vector<16xi32>,
      %bitcast3A_388 = vector.bitcast %gather3A_381 : vector<16xi32> to vector<32xbf16>
      %bitcast3A_389 = vector.bitcast %gather3A_387 : vector<16xi32> to vector<32xbf16>
      %mul3A_390 = arith.mulf %bitcast3A_388, %bitcast3A_389 : vector<32xbf16>
      %bitcast3A_391 = vector.bitcast %mul3A_390 : vector<32xbf16> to vector<16xi32>
      %shift_left3A_392 = arith.constant 16 : i32
      %shift_left3A_393 = vector.broadcast %shift_left3A_392 : i32 to vector<16xi32>
      %shift_left3A_394 = arith.shli %bitcast3A_391, %shift_left3A_393 : vector<16xi32>
      %bitcast3A_395 = vector.bitcast %shift_left3A_394 : vector<16xi32> to vector<16xf32>
      %and3A_396 = arith.constant -65536 : i32
      %and3A_397 = vector.broadcast %and3A_396 : i32 to vector<16xi32>
      %and3A_398 = arith.andi %bitcast3A_391, %and3A_397 : vector<16xi32>
      %bitcast3A_399 = vector.bitcast %and3A_398 : vector<16xi32> to vector<16xf32>
      %add3A_400 = arith.addf %add3A_330, %bitcast3A_395 : vector<16xf32>
      %add3A_401 = arith.addf %add3A_331, %bitcast3A_399 : vector<16xf32>
      %mul3A_402 = arith.constant 16 : i32
      %mul3A_403 = arith.muli %scan3A_121, %mul3A_402 : i32
      %add3A_404 = arith.constant 8 : i32
      %add3A_405 = arith.addi %mul3A_403, %add3A_404 : i32
      %add3A_406 = vector.broadcast %add3A_405 : i32 to vector<16xi32>
      %add3A_407 = arith.addi %iota3A_104, %add3A_406 : vector<16xi32>
      %and3A_408 = arith.constant 63 : i32
      %and3A_409 = vector.broadcast %and3A_408 : i32 to vector<16xi32>
      %and3A_410 = arith.andi %add3A_407, %and3A_409 : vector<16xi32>
      %gather3A_411 = arith.constant 0 : i32
      %gather3A_412 = arith.constant 0 : i32
      %gather3A_413 = arith.constant 0 : i32
      %gather3A_414 = tpu.memref_slice %arg8[%gather3A_411, %gather3A_412, %gather3A_413] : memref<2x128x64xi32, #tpu.memory_space<vmem>> -> memref<1x128x64xi32, #tpu.memory_space<vmem>>
      %gather3A_415 = tpu.memref_squeeze %gather3A_414 : memref<1x128x64xi32, #tpu.memory_space<vmem>> -> memref<128x64xi32, #tpu.memory_space<vmem>>
      %gather3A_416 = tpu.vector_load_idx %gather3A_415[%add3A_103, %and3A_410] : memref<128x64xi32, #tpu.memory_space<vmem>>[vector<16xi32>, vector<16xi32>], vector<16xi32>,
      %gather3A_417 = arith.constant 0 : i32
      %gather3A_418 = arith.constant 0 : i32
      %gather3A_419 = arith.constant 0 : i32
      %gather3A_420 = tpu.memref_slice %arg9[%gather3A_417, %gather3A_418, %gather3A_419] : memref<2x128x64xi32, #tpu.memory_space<vmem>> -> memref<1x128x64xi32, #tpu.memory_space<vmem>>
      %gather3A_421 = tpu.memref_squeeze %gather3A_420 : memref<1x128x64xi32, #tpu.memory_space<vmem>> -> memref<128x64xi32, #tpu.memory_space<vmem>>
      %gather3A_422 = tpu.vector_load_idx %gather3A_421[%add3A_103, %and3A_410] : memref<128x64xi32, #tpu.memory_space<vmem>>[vector<16xi32>, vector<16xi32>], vector<16xi32>,
      %bitcast3A_423 = vector.bitcast %gather3A_416 : vector<16xi32> to vector<32xbf16>
      %bitcast3A_424 = vector.bitcast %gather3A_422 : vector<16xi32> to vector<32xbf16>
      %mul3A_425 = arith.mulf %bitcast3A_423, %bitcast3A_424 : vector<32xbf16>
      %bitcast3A_426 = vector.bitcast %mul3A_425 : vector<32xbf16> to vector<16xi32>
      %shift_left3A_427 = arith.constant 16 : i32
      %shift_left3A_428 = vector.broadcast %shift_left3A_427 : i32 to vector<16xi32>
      %shift_left3A_429 = arith.shli %bitcast3A_426, %shift_left3A_428 : vector<16xi32>
      %bitcast3A_430 = vector.bitcast %shift_left3A_429 : vector<16xi32> to vector<16xf32>
      %and3A_431 = arith.constant -65536 : i32
      %and3A_432 = vector.broadcast %and3A_431 : i32 to vector<16xi32>
      %and3A_433 = arith.andi %bitcast3A_426, %and3A_432 : vector<16xi32>
      %bitcast3A_434 = vector.bitcast %and3A_433 : vector<16xi32> to vector<16xf32>
      %add3A_435 = arith.addf %add3A_365, %bitcast3A_430 : vector<16xf32>
      %add3A_436 = arith.addf %add3A_366, %bitcast3A_434 : vector<16xf32>
      %mul3A_437 = arith.constant 16 : i32
      %mul3A_438 = arith.muli %scan3A_121, %mul3A_437 : i32
      %add3A_439 = arith.constant 9 : i32
      %add3A_440 = arith.addi %mul3A_438, %add3A_439 : i32
      %add3A_441 = vector.broadcast %add3A_440 : i32 to vector<16xi32>
      %add3A_442 = arith.addi %iota3A_104, %add3A_441 : vector<16xi32>
      %and3A_443 = arith.constant 63 : i32
      %and3A_444 = vector.broadcast %and3A_443 : i32 to vector<16xi32>
      %and3A_445 = arith.andi %add3A_442, %and3A_444 : vector<16xi32>
      %gather3A_446 = arith.constant 0 : i32
      %gather3A_447 = arith.constant 0 : i32
      %gather3A_448 = arith.constant 0 : i32
      %gather3A_449 = tpu.memref_slice %arg8[%gather3A_446, %gather3A_447, %gather3A_448] : memref<2x128x64xi32, #tpu.memory_space<vmem>> -> memref<1x128x64xi32, #tpu.memory_space<vmem>>
      %gather3A_450 = tpu.memref_squeeze %gather3A_449 : memref<1x128x64xi32, #tpu.memory_space<vmem>> -> memref<128x64xi32, #tpu.memory_space<vmem>>
      %gather3A_451 = tpu.vector_load_idx %gather3A_450[%add3A_103, %and3A_445] : memref<128x64xi32, #tpu.memory_space<vmem>>[vector<16xi32>, vector<16xi32>], vector<16xi32>,
      %gather3A_452 = arith.constant 0 : i32
      %gather3A_453 = arith.constant 0 : i32
      %gather3A_454 = arith.constant 0 : i32
      %gather3A_455 = tpu.memref_slice %arg9[%gather3A_452, %gather3A_453, %gather3A_454] : memref<2x128x64xi32, #tpu.memory_space<vmem>> -> memref<1x128x64xi32, #tpu.memory_space<vmem>>
      %gather3A_456 = tpu.memref_squeeze %gather3A_455 : memref<1x128x64xi32, #tpu.memory_space<vmem>> -> memref<128x64xi32, #tpu.memory_space<vmem>>
      %gather3A_457 = tpu.vector_load_idx %gather3A_456[%add3A_103, %and3A_445] : memref<128x64xi32, #tpu.memory_space<vmem>>[vector<16xi32>, vector<16xi32>], vector<16xi32>,
      %bitcast3A_458 = vector.bitcast %gather3A_451 : vector<16xi32> to vector<32xbf16>
      %bitcast3A_459 = vector.bitcast %gather3A_457 : vector<16xi32> to vector<32xbf16>
      %mul3A_460 = arith.mulf %bitcast3A_458, %bitcast3A_459 : vector<32xbf16>
      %bitcast3A_461 = vector.bitcast %mul3A_460 : vector<32xbf16> to vector<16xi32>
      %shift_left3A_462 = arith.constant 16 : i32
      %shift_left3A_463 = vector.broadcast %shift_left3A_462 : i32 to vector<16xi32>
      %shift_left3A_464 = arith.shli %bitcast3A_461, %shift_left3A_463 : vector<16xi32>
      %bitcast3A_465 = vector.bitcast %shift_left3A_464 : vector<16xi32> to vector<16xf32>
      %and3A_466 = arith.constant -65536 : i32
      %and3A_467 = vector.broadcast %and3A_466 : i32 to vector<16xi32>
      %and3A_468 = arith.andi %bitcast3A_461, %and3A_467 : vector<16xi32>
      %bitcast3A_469 = vector.bitcast %and3A_468 : vector<16xi32> to vector<16xf32>
      %add3A_470 = arith.addf %add3A_400, %bitcast3A_465 : vector<16xf32>
      %add3A_471 = arith.addf %add3A_401, %bitcast3A_469 : vector<16xf32>
      %mul3A_472 = arith.constant 16 : i32
      %mul3A_473 = arith.muli %scan3A_121, %mul3A_472 : i32
      %add3A_474 = arith.constant 10 : i32
      %add3A_475 = arith.addi %mul3A_473, %add3A_474 : i32
      %add3A_476 = vector.broadcast %add3A_475 : i32 to vector<16xi32>
      %add3A_477 = arith.addi %iota3A_104, %add3A_476 : vector<16xi32>
      %and3A_478 = arith.constant 63 : i32
      %and3A_479 = vector.broadcast %and3A_478 : i32 to vector<16xi32>
      %and3A_480 = arith.andi %add3A_477, %and3A_479 : vector<16xi32>
      %gather3A_481 = arith.constant 0 : i32
      %gather3A_482 = arith.constant 0 : i32
      %gather3A_483 = arith.constant 0 : i32
      %gather3A_484 = tpu.memref_slice %arg8[%gather3A_481, %gather3A_482, %gather3A_483] : memref<2x128x64xi32, #tpu.memory_space<vmem>> -> memref<1x128x64xi32, #tpu.memory_space<vmem>>
      %gather3A_485 = tpu.memref_squeeze %gather3A_484 : memref<1x128x64xi32, #tpu.memory_space<vmem>> -> memref<128x64xi32, #tpu.memory_space<vmem>>
      %gather3A_486 = tpu.vector_load_idx %gather3A_485[%add3A_103, %and3A_480] : memref<128x64xi32, #tpu.memory_space<vmem>>[vector<16xi32>, vector<16xi32>], vector<16xi32>,
      %gather3A_487 = arith.constant 0 : i32
      %gather3A_488 = arith.constant 0 : i32
      %gather3A_489 = arith.constant 0 : i32
      %gather3A_490 = tpu.memref_slice %arg9[%gather3A_487, %gather3A_488, %gather3A_489] : memref<2x128x64xi32, #tpu.memory_space<vmem>> -> memref<1x128x64xi32, #tpu.memory_space<vmem>>
      %gather3A_491 = tpu.memref_squeeze %gather3A_490 : memref<1x128x64xi32, #tpu.memory_space<vmem>> -> memref<128x64xi32, #tpu.memory_space<vmem>>
      %gather3A_492 = tpu.vector_load_idx %gather3A_491[%add3A_103, %and3A_480] : memref<128x64xi32, #tpu.memory_space<vmem>>[vector<16xi32>, vector<16xi32>], vector<16xi32>,
      %bitcast3A_493 = vector.bitcast %gather3A_486 : vector<16xi32> to vector<32xbf16>
      %bitcast3A_494 = vector.bitcast %gather3A_492 : vector<16xi32> to vector<32xbf16>
      %mul3A_495 = arith.mulf %bitcast3A_493, %bitcast3A_494 : vector<32xbf16>
      %bitcast3A_496 = vector.bitcast %mul3A_495 : vector<32xbf16> to vector<16xi32>
      %shift_left3A_497 = arith.constant 16 : i32
      %shift_left3A_498 = vector.broadcast %shift_left3A_497 : i32 to vector<16xi32>
      %shift_left3A_499 = arith.shli %bitcast3A_496, %shift_left3A_498 : vector<16xi32>
      %bitcast3A_500 = vector.bitcast %shift_left3A_499 : vector<16xi32> to vector<16xf32>
      %and3A_501 = arith.constant -65536 : i32
      %and3A_502 = vector.broadcast %and3A_501 : i32 to vector<16xi32>
      %and3A_503 = arith.andi %bitcast3A_496, %and3A_502 : vector<16xi32>
      %bitcast3A_504 = vector.bitcast %and3A_503 : vector<16xi32> to vector<16xf32>
      %add3A_505 = arith.addf %add3A_435, %bitcast3A_500 : vector<16xf32>
      %add3A_506 = arith.addf %add3A_436, %bitcast3A_504 : vector<16xf32>
      %mul3A_507 = arith.constant 16 : i32
      %mul3A_508 = arith.muli %scan3A_121, %mul3A_507 : i32
      %add3A_509 = arith.constant 11 : i32
      %add3A_510 = arith.addi %mul3A_508, %add3A_509 : i32
      %add3A_511 = vector.broadcast %add3A_510 : i32 to vector<16xi32>
      %add3A_512 = arith.addi %iota3A_104, %add3A_511 : vector<16xi32>
      %and3A_513 = arith.constant 63 : i32
      %and3A_514 = vector.broadcast %and3A_513 : i32 to vector<16xi32>
      %and3A_515 = arith.andi %add3A_512, %and3A_514 : vector<16xi32>
      %gather3A_516 = arith.constant 0 : i32
      %gather3A_517 = arith.constant 0 : i32
      %gather3A_518 = arith.constant 0 : i32
      %gather3A_519 = tpu.memref_slice %arg8[%gather3A_516, %gather3A_517, %gather3A_518] : memref<2x128x64xi32, #tpu.memory_space<vmem>> -> memref<1x128x64xi32, #tpu.memory_space<vmem>>
      %gather3A_520 = tpu.memref_squeeze %gather3A_519 : memref<1x128x64xi32, #tpu.memory_space<vmem>> -> memref<128x64xi32, #tpu.memory_space<vmem>>
      %gather3A_521 = tpu.vector_load_idx %gather3A_520[%add3A_103, %and3A_515] : memref<128x64xi32, #tpu.memory_space<vmem>>[vector<16xi32>, vector<16xi32>], vector<16xi32>,
      %gather3A_522 = arith.constant 0 : i32
      %gather3A_523 = arith.constant 0 : i32
      %gather3A_524 = arith.constant 0 : i32
      %gather3A_525 = tpu.memref_slice %arg9[%gather3A_522, %gather3A_523, %gather3A_524] : memref<2x128x64xi32, #tpu.memory_space<vmem>> -> memref<1x128x64xi32, #tpu.memory_space<vmem>>
      %gather3A_526 = tpu.memref_squeeze %gather3A_525 : memref<1x128x64xi32, #tpu.memory_space<vmem>> -> memref<128x64xi32, #tpu.memory_space<vmem>>
      %gather3A_527 = tpu.vector_load_idx %gather3A_526[%add3A_103, %and3A_515] : memref<128x64xi32, #tpu.memory_space<vmem>>[vector<16xi32>, vector<16xi32>], vector<16xi32>,
      %bitcast3A_528 = vector.bitcast %gather3A_521 : vector<16xi32> to vector<32xbf16>
      %bitcast3A_529 = vector.bitcast %gather3A_527 : vector<16xi32> to vector<32xbf16>
      %mul3A_530 = arith.mulf %bitcast3A_528, %bitcast3A_529 : vector<32xbf16>
      %bitcast3A_531 = vector.bitcast %mul3A_530 : vector<32xbf16> to vector<16xi32>
      %shift_left3A_532 = arith.constant 16 : i32
      %shift_left3A_533 = vector.broadcast %shift_left3A_532 : i32 to vector<16xi32>
      %shift_left3A_534 = arith.shli %bitcast3A_531, %shift_left3A_533 : vector<16xi32>
      %bitcast3A_535 = vector.bitcast %shift_left3A_534 : vector<16xi32> to vector<16xf32>
      %and3A_536 = arith.constant -65536 : i32
      %and3A_537 = vector.broadcast %and3A_536 : i32 to vector<16xi32>
      %and3A_538 = arith.andi %bitcast3A_531, %and3A_537 : vector<16xi32>
      %bitcast3A_539 = vector.bitcast %and3A_538 : vector<16xi32> to vector<16xf32>
      %add3A_540 = arith.addf %add3A_470, %bitcast3A_535 : vector<16xf32>
      %add3A_541 = arith.addf %add3A_471, %bitcast3A_539 : vector<16xf32>
      %mul3A_542 = arith.constant 16 : i32
      %mul3A_543 = arith.muli %scan3A_121, %mul3A_542 : i32
      %add3A_544 = arith.constant 12 : i32
      %add3A_545 = arith.addi %mul3A_543, %add3A_544 : i32
      %add3A_546 = vector.broadcast %add3A_545 : i32 to vector<16xi32>
      %add3A_547 = arith.addi %iota3A_104, %add3A_546 : vector<16xi32>
      %and3A_548 = arith.constant 63 : i32
      %and3A_549 = vector.broadcast %and3A_548 : i32 to vector<16xi32>
      %and3A_550 = arith.andi %add3A_547, %and3A_549 : vector<16xi32>
      %gather3A_551 = arith.constant 0 : i32
      %gather3A_552 = arith.constant 0 : i32
      %gather3A_553 = arith.constant 0 : i32
      %gather3A_554 = tpu.memref_slice %arg8[%gather3A_551, %gather3A_552, %gather3A_553] : memref<2x128x64xi32, #tpu.memory_space<vmem>> -> memref<1x128x64xi32, #tpu.memory_space<vmem>>
      %gather3A_555 = tpu.memref_squeeze %gather3A_554 : memref<1x128x64xi32, #tpu.memory_space<vmem>> -> memref<128x64xi32, #tpu.memory_space<vmem>>
      %gather3A_556 = tpu.vector_load_idx %gather3A_555[%add3A_103, %and3A_550] : memref<128x64xi32, #tpu.memory_space<vmem>>[vector<16xi32>, vector<16xi32>], vector<16xi32>,
      %gather3A_557 = arith.constant 0 : i32
      %gather3A_558 = arith.constant 0 : i32
      %gather3A_559 = arith.constant 0 : i32
      %gather3A_560 = tpu.memref_slice %arg9[%gather3A_557, %gather3A_558, %gather3A_559] : memref<2x128x64xi32, #tpu.memory_space<vmem>> -> memref<1x128x64xi32, #tpu.memory_space<vmem>>
      %gather3A_561 = tpu.memref_squeeze %gather3A_560 : memref<1x128x64xi32, #tpu.memory_space<vmem>> -> memref<128x64xi32, #tpu.memory_space<vmem>>
      %gather3A_562 = tpu.vector_load_idx %gather3A_561[%add3A_103, %and3A_550] : memref<128x64xi32, #tpu.memory_space<vmem>>[vector<16xi32>, vector<16xi32>], vector<16xi32>,
      %bitcast3A_563 = vector.bitcast %gather3A_556 : vector<16xi32> to vector<32xbf16>
      %bitcast3A_564 = vector.bitcast %gather3A_562 : vector<16xi32> to vector<32xbf16>
      %mul3A_565 = arith.mulf %bitcast3A_563, %bitcast3A_564 : vector<32xbf16>
      %bitcast3A_566 = vector.bitcast %mul3A_565 : vector<32xbf16> to vector<16xi32>
      %shift_left3A_567 = arith.constant 16 : i32
      %shift_left3A_568 = vector.broadcast %shift_left3A_567 : i32 to vector<16xi32>
      %shift_left3A_569 = arith.shli %bitcast3A_566, %shift_left3A_568 : vector<16xi32>
      %bitcast3A_570 = vector.bitcast %shift_left3A_569 : vector<16xi32> to vector<16xf32>
      %and3A_571 = arith.constant -65536 : i32
      %and3A_572 = vector.broadcast %and3A_571 : i32 to vector<16xi32>
      %and3A_573 = arith.andi %bitcast3A_566, %and3A_572 : vector<16xi32>
      %bitcast3A_574 = vector.bitcast %and3A_573 : vector<16xi32> to vector<16xf32>
      %add3A_575 = arith.addf %add3A_505, %bitcast3A_570 : vector<16xf32>
      %add3A_576 = arith.addf %add3A_506, %bitcast3A_574 : vector<16xf32>
      %mul3A_577 = arith.constant 16 : i32
      %mul3A_578 = arith.muli %scan3A_121, %mul3A_577 : i32
      %add3A_579 = arith.constant 13 : i32
      %add3A_580 = arith.addi %mul3A_578, %add3A_579 : i32
      %add3A_581 = vector.broadcast %add3A_580 : i32 to vector<16xi32>
      %add3A_582 = arith.addi %iota3A_104, %add3A_581 : vector<16xi32>
      %and3A_583 = arith.constant 63 : i32
      %and3A_584 = vector.broadcast %and3A_583 : i32 to vector<16xi32>
      %and3A_585 = arith.andi %add3A_582, %and3A_584 : vector<16xi32>
      %gather3A_586 = arith.constant 0 : i32
      %gather3A_587 = arith.constant 0 : i32
      %gather3A_588 = arith.constant 0 : i32
      %gather3A_589 = tpu.memref_slice %arg8[%gather3A_586, %gather3A_587, %gather3A_588] : memref<2x128x64xi32, #tpu.memory_space<vmem>> -> memref<1x128x64xi32, #tpu.memory_space<vmem>>
      %gather3A_590 = tpu.memref_squeeze %gather3A_589 : memref<1x128x64xi32, #tpu.memory_space<vmem>> -> memref<128x64xi32, #tpu.memory_space<vmem>>
      %gather3A_591 = tpu.vector_load_idx %gather3A_590[%add3A_103, %and3A_585] : memref<128x64xi32, #tpu.memory_space<vmem>>[vector<16xi32>, vector<16xi32>], vector<16xi32>,
      %gather3A_592 = arith.constant 0 : i32
      %gather3A_593 = arith.constant 0 : i32
      %gather3A_594 = arith.constant 0 : i32
      %gather3A_595 = tpu.memref_slice %arg9[%gather3A_592, %gather3A_593, %gather3A_594] : memref<2x128x64xi32, #tpu.memory_space<vmem>> -> memref<1x128x64xi32, #tpu.memory_space<vmem>>
      %gather3A_596 = tpu.memref_squeeze %gather3A_595 : memref<1x128x64xi32, #tpu.memory_space<vmem>> -> memref<128x64xi32, #tpu.memory_space<vmem>>
      %gather3A_597 = tpu.vector_load_idx %gather3A_596[%add3A_103, %and3A_585] : memref<128x64xi32, #tpu.memory_space<vmem>>[vector<16xi32>, vector<16xi32>], vector<16xi32>,
      %bitcast3A_598 = vector.bitcast %gather3A_591 : vector<16xi32> to vector<32xbf16>
      %bitcast3A_599 = vector.bitcast %gather3A_597 : vector<16xi32> to vector<32xbf16>
      %mul3A_600 = arith.mulf %bitcast3A_598, %bitcast3A_599 : vector<32xbf16>
      %bitcast3A_601 = vector.bitcast %mul3A_600 : vector<32xbf16> to vector<16xi32>
      %shift_left3A_602 = arith.constant 16 : i32
      %shift_left3A_603 = vector.broadcast %shift_left3A_602 : i32 to vector<16xi32>
      %shift_left3A_604 = arith.shli %bitcast3A_601, %shift_left3A_603 : vector<16xi32>
      %bitcast3A_605 = vector.bitcast %shift_left3A_604 : vector<16xi32> to vector<16xf32>
      %and3A_606 = arith.constant -65536 : i32
      %and3A_607 = vector.broadcast %and3A_606 : i32 to vector<16xi32>
      %and3A_608 = arith.andi %bitcast3A_601, %and3A_607 : vector<16xi32>
      %bitcast3A_609 = vector.bitcast %and3A_608 : vector<16xi32> to vector<16xf32>
      %add3A_610 = arith.addf %add3A_540, %bitcast3A_605 : vector<16xf32>
      %add3A_611 = arith.addf %add3A_541, %bitcast3A_609 : vector<16xf32>
      %mul3A_612 = arith.constant 16 : i32
      %mul3A_613 = arith.muli %scan3A_121, %mul3A_612 : i32
      %add3A_614 = arith.constant 14 : i32
      %add3A_615 = arith.addi %mul3A_613, %add3A_614 : i32
      %add3A_616 = vector.broadcast %add3A_615 : i32 to vector<16xi32>
      %add3A_617 = arith.addi %iota3A_104, %add3A_616 : vector<16xi32>
      %and3A_618 = arith.constant 63 : i32
      %and3A_619 = vector.broadcast %and3A_618 : i32 to vector<16xi32>
      %and3A_620 = arith.andi %add3A_617, %and3A_619 : vector<16xi32>
      %gather3A_621 = arith.constant 0 : i32
      %gather3A_622 = arith.constant 0 : i32
      %gather3A_623 = arith.constant 0 : i32
      %gather3A_624 = tpu.memref_slice %arg8[%gather3A_621, %gather3A_622, %gather3A_623] : memref<2x128x64xi32, #tpu.memory_space<vmem>> -> memref<1x128x64xi32, #tpu.memory_space<vmem>>
      %gather3A_625 = tpu.memref_squeeze %gather3A_624 : memref<1x128x64xi32, #tpu.memory_space<vmem>> -> memref<128x64xi32, #tpu.memory_space<vmem>>
      %gather3A_626 = tpu.vector_load_idx %gather3A_625[%add3A_103, %and3A_620] : memref<128x64xi32, #tpu.memory_space<vmem>>[vector<16xi32>, vector<16xi32>], vector<16xi32>,
      %gather3A_627 = arith.constant 0 : i32
      %gather3A_628 = arith.constant 0 : i32
      %gather3A_629 = arith.constant 0 : i32
      %gather3A_630 = tpu.memref_slice %arg9[%gather3A_627, %gather3A_628, %gather3A_629] : memref<2x128x64xi32, #tpu.memory_space<vmem>> -> memref<1x128x64xi32, #tpu.memory_space<vmem>>
      %gather3A_631 = tpu.memref_squeeze %gather3A_630 : memref<1x128x64xi32, #tpu.memory_space<vmem>> -> memref<128x64xi32, #tpu.memory_space<vmem>>
      %gather3A_632 = tpu.vector_load_idx %gather3A_631[%add3A_103, %and3A_620] : memref<128x64xi32, #tpu.memory_space<vmem>>[vector<16xi32>, vector<16xi32>], vector<16xi32>,
      %bitcast3A_633 = vector.bitcast %gather3A_626 : vector<16xi32> to vector<32xbf16>
      %bitcast3A_634 = vector.bitcast %gather3A_632 : vector<16xi32> to vector<32xbf16>
      %mul3A_635 = arith.mulf %bitcast3A_633, %bitcast3A_634 : vector<32xbf16>
      %bitcast3A_636 = vector.bitcast %mul3A_635 : vector<32xbf16> to vector<16xi32>
      %shift_left3A_637 = arith.constant 16 : i32
      %shift_left3A_638 = vector.broadcast %shift_left3A_637 : i32 to vector<16xi32>
      %shift_left3A_639 = arith.shli %bitcast3A_636, %shift_left3A_638 : vector<16xi32>
      %bitcast3A_640 = vector.bitcast %shift_left3A_639 : vector<16xi32> to vector<16xf32>
      %and3A_641 = arith.constant -65536 : i32
      %and3A_642 = vector.broadcast %and3A_641 : i32 to vector<16xi32>
      %and3A_643 = arith.andi %bitcast3A_636, %and3A_642 : vector<16xi32>
      %bitcast3A_644 = vector.bitcast %and3A_643 : vector<16xi32> to vector<16xf32>
      %add3A_645 = arith.addf %add3A_575, %bitcast3A_640 : vector<16xf32>
      %add3A_646 = arith.addf %add3A_576, %bitcast3A_644 : vector<16xf32>
      %mul3A_647 = arith.constant 16 : i32
      %mul3A_648 = arith.muli %scan3A_121, %mul3A_647 : i32
      %add3A_649 = arith.constant 15 : i32
      %add3A_650 = arith.addi %mul3A_648, %add3A_649 : i32
      %add3A_651 = vector.broadcast %add3A_650 : i32 to vector<16xi32>
      %add3A_652 = arith.addi %iota3A_104, %add3A_651 : vector<16xi32>
      %and3A_653 = arith.constant 63 : i32
      %and3A_654 = vector.broadcast %and3A_653 : i32 to vector<16xi32>
      %and3A_655 = arith.andi %add3A_652, %and3A_654 : vector<16xi32>
      %gather3A_656 = arith.constant 0 : i32
      %gather3A_657 = arith.constant 0 : i32
      %gather3A_658 = arith.constant 0 : i32
      %gather3A_659 = tpu.memref_slice %arg8[%gather3A_656, %gather3A_657, %gather3A_658] : memref<2x128x64xi32, #tpu.memory_space<vmem>> -> memref<1x128x64xi32, #tpu.memory_space<vmem>>
      %gather3A_660 = tpu.memref_squeeze %gather3A_659 : memref<1x128x64xi32, #tpu.memory_space<vmem>> -> memref<128x64xi32, #tpu.memory_space<vmem>>
      %gather3A_661 = tpu.vector_load_idx %gather3A_660[%add3A_103, %and3A_655] : memref<128x64xi32, #tpu.memory_space<vmem>>[vector<16xi32>, vector<16xi32>], vector<16xi32>,
      %gather3A_662 = arith.constant 0 : i32
      %gather3A_663 = arith.constant 0 : i32
      %gather3A_664 = arith.constant 0 : i32
      %gather3A_665 = tpu.memref_slice %arg9[%gather3A_662, %gather3A_663, %gather3A_664] : memref<2x128x64xi32, #tpu.memory_space<vmem>> -> memref<1x128x64xi32, #tpu.memory_space<vmem>>
      %gather3A_666 = tpu.memref_squeeze %gather3A_665 : memref<1x128x64xi32, #tpu.memory_space<vmem>> -> memref<128x64xi32, #tpu.memory_space<vmem>>
      %gather3A_667 = tpu.vector_load_idx %gather3A_666[%add3A_103, %and3A_655] : memref<128x64xi32, #tpu.memory_space<vmem>>[vector<16xi32>, vector<16xi32>], vector<16xi32>,
      %bitcast3A_668 = vector.bitcast %gather3A_661 : vector<16xi32> to vector<32xbf16>
      %bitcast3A_669 = vector.bitcast %gather3A_667 : vector<16xi32> to vector<32xbf16>
      %mul3A_670 = arith.mulf %bitcast3A_668, %bitcast3A_669 : vector<32xbf16>
      %bitcast3A_671 = vector.bitcast %mul3A_670 : vector<32xbf16> to vector<16xi32>
      %shift_left3A_672 = arith.constant 16 : i32
      %shift_left3A_673 = vector.broadcast %shift_left3A_672 : i32 to vector<16xi32>
      %shift_left3A_674 = arith.shli %bitcast3A_671, %shift_left3A_673 : vector<16xi32>
      %bitcast3A_675 = vector.bitcast %shift_left3A_674 : vector<16xi32> to vector<16xf32>
      %and3A_676 = arith.constant -65536 : i32
      %and3A_677 = vector.broadcast %and3A_676 : i32 to vector<16xi32>
      %and3A_678 = arith.andi %bitcast3A_671, %and3A_677 : vector<16xi32>
      %bitcast3A_679 = vector.bitcast %and3A_678 : vector<16xi32> to vector<16xf32>
      %add3A_680 = arith.addf %add3A_610, %bitcast3A_675 : vector<16xf32>
      %add3A_681 = arith.addf %add3A_611, %bitcast3A_679 : vector<16xf32>
      scf.yield %add3A_645, %add3A_646, %add3A_680, %add3A_681 : vector<16xf32>, vector<16xf32>, vector<16xf32>, vector<16xf32>
    }
    %scan3A_111 = arith.constant 4 : i32
    %add3A_112 = arith.addf %scan3A_110#0, %scan3A_110#1 : vector<16xf32>
    %add3A_113 = arith.addf %scan3A_110#2, %scan3A_110#3 : vector<16xf32>
    %add3A_114 = arith.addf %add3A_112, %add3A_113 : vector<16xf32>
    %mul3A_115 = arith.constant 16 : i32
    %mul3A_116 = arith.muli %scan3A_99, %mul3A_115 : i32
    %add3A_117 = arith.constant 9984 : i32
    %add3A_118 = arith.addi %add3A_117, %mul3A_116 : i32
    %swap3A = arith.index_cast %add3A_118 : i32 to index
    %swap3A_119 = tpu.vector_load %arg10[%swap3A] {strides = array<i32>} : memref<10000xf32, #tpu.memory_space<vmem>>, vector<16xf32>,
    tpu.vector_store %arg10[%swap3A], %add3A_114 {strides = array<i32>} : memref<10000xf32, #tpu.memory_space<vmem>>, vector<16xf32>,
    %scan3A_120 = arith.constant 1 : i32
    "tpu.region"() ({
      %run_scoped3A = tpu.sem_alloc : memref<!tpu.dma_semaphore, #tpu.memory_space<semaphore_mem>>
      %dma_start3A_121 = tpu.memref_slice %arg5[%mul3A_2] : memref<320000xf32, #tpu.memory_space<hbm>> -> memref<10000xf32, #tpu.memory_space<hbm>>
      %dma_start3A_122 = tpu.memref_slice %arg5[%mul3A_2] : memref<320000xf32, #tpu.memory_space<hbm>> -> memref<10000xf32, #tpu.memory_space<hbm>>
      tpu.enqueue_dma source(%arg10 : memref<10000xf32, #tpu.memory_space<vmem>>) target(%dma_start3A_122 : memref<10000xf32, #tpu.memory_space<hbm>>) target_semaphore(%run_scoped3A : memref<!tpu.dma_semaphore, #tpu.memory_space<semaphore_mem>>)
      %dma_wait3A_123 = tpu.memref_slice %arg5[%mul3A_2] : memref<320000xf32, #tpu.memory_space<hbm>> -> memref<10000xf32, #tpu.memory_space<hbm>>
      %dma_wait3A_124 = tpu.memref_slice %arg5[%mul3A_2] : memref<320000xf32, #tpu.memory_space<hbm>> -> memref<10000xf32, #tpu.memory_space<hbm>>
      tpu.wait_dma2 semaphore(%run_scoped3A : memref<!tpu.dma_semaphore, #tpu.memory_space<semaphore_mem>>) src(%arg10 : memref<10000xf32, #tpu.memory_space<vmem>>) dst(%dma_wait3A_124 : memref<10000xf32, #tpu.memory_space<hbm>>)
      tpu.yield
    }) : () -> ()
    return
  }
}

</mosaic_0001>

<sc_bundles>
// kernel: kernel.3.cloned.1.call-start
scs
__scs_entry_jumppad:
0x0: {  	(pc) =	sbr.rel $0x88, $3  }
0x1: {  	(tag) =	ssettag $0x0;
	lr =	simm.s32 $0x1  }
0x2: {  	[smem:$0x3F9F] =	sst lr;
	_ =	strace $0xD0000000  }
0x3: {  	_ = 	snop  }
0x4: {  	_ = 	snop  }
0x5: {  	_ = 	snop  }
0x6: {  	_ = 	snop  }
0x7: {  	_ = 	snop  }
__scs_overlays_trampoline_lowered:
0x8: {  	[smem:$0x3FAE] =	sst s0  }
0x9: {  	[smem:$0x3FAF] =	sst s1  }
0xa: {  	[smem:$0x3FB0] =	sst s2  }
0xb: {  	[smem:$0x3FB1] =	sst s3  }
0xc: {  	[smem:$0x3FB2] =	sst s4  }
0xd: {  	[smem:$0x3FB3] =	sst s5  }
0xe: {  	[smem:$0x3FB4] =	sst s6  }
0xf: {  	[smem:$0x3FB5] =	sst s7  }
0x10: {  	[smem:$0x3FB6] =	sst s8  }
0x11: {  	[smem:$0x3FB7] =	sst s9;
	s0 =	simm.s32 @!p0 $0x0  }
0x12: {  	s1 =	sld [smem:$0x3F9D];
	s0 =	simm.s32 @p0 $0x1  }
0x13: {  	[smem:$0x3FB8] =	sst s0;
	s0 =	simm.s32 @!p1 $0x0  }
0x14: {  	s2 =	sld [smem:$0x3F9C];
	s0 =	simm.s32 @p1 $0x1  }
0x15: {  	[smem:$0x3FB9] =	sst s0;
	s0 =	simm.s32 @!p2 $0x0  }
0x16: {  	s3 =	sld [smem:$0x3FDB];
	s0 =	simm.s32 @p2 $0x1  }
0x17: {  	s4 =	simm.s32 $0x1BF5;
	[smem:$0x3FBB] =	sst s0  }
0x18: {  	s0 =	sld [smem:$0x3F9E];
	_ =	swait.ge [sflag:s4], $0x0  }
0x19: {  	s7 =	sld [smem:$0x3F9F]  }
0x1a: {  	s8 =	sadd.s32 $0xFFFFE003, lr  }
0x1b: {  	s9 =	sadd.s32 $0xFFFFFEF7, lr;
	s5 =	simm.s32 $0xFFFFFFFF;
	p2 =	slt.u32 s8, $0xFFFFF086  }
0x1c: {  	p1 =	slt.u32 s9, $0xF7A;
	s5 =	simm.s32 @!p2 $0x0  }
0x1d: {  	s5 =	simm.s32 @p1 $0x1;
	p0 =	seq.s32 s7, s2  }
0x1e: {  	s7 =	smul.u32 @!p0 $0xF7A, s2;
	p2 =	seq.s32 @!p0 s5, $0x0  }
0x1f: {  	s9 =	smul.u32 $0xF7A, s1;
	s8 =	simm.s32 @!p0 $0x1BF5;
	p2 =	por !p2, p0  }
0x20: {  	[sflag:s8] =	ssyncset.s32 @!p0 $0xFFFFF086;
	s6 =	sadd.s32 @!p0 s3, s7;
	s7 =	simm.s32 @!p0 $0x108  }
0x21: {  	s3 =	sadd.s32 s3, s9;
	s6 =	sadd.s32 @!p0 $0x88, s6;
	s7 =	simm.s32 @p2 $0x1082  }
0x22: {  	[simem:s7], [sflag:s8] =	dma.local @!p0 [hbm:s6], $0xF7A  }
0x23: {  	s9 =	sor.u32 $0xD0000000, s2;
	s6 =	simm.s32 $0x108;
	_ =	swait.ge @!p0 [sflag:s8], $0x0  }
0x24: {  	s3 =	sadd.s32 $0x88, s3;
	s6 =	simm.s32 @!p1 $0x1082;
	[sflag:s4] =	ssyncset.s32 $0xFFFFF086  }
0x25: {  	[simem:s6], [sflag:s4] =	dma.local [hbm:s3], $0xF7A  }
0x26: {  	[smem:$0x3F9F] =	sst s1;
	(tag) =	ssettag s2;
	_ =	strace s9  }
0x27: {  	s1 =	sld [smem:$0x3FAF]  }
0x28: {  	s2 =	sld [smem:$0x3FB0]  }
0x29: {  	s4 =	sld [smem:$0x3FB2]  }
0x2a: {  	p0 =	seq.s32 s5, $0x0;
	s5 =	sld [smem:$0x3FB3]  }
0x2b: {  	s6 =	sld [smem:$0x3FB4]  }
0x2c: {  	s7 =	sld [smem:$0x3FB5]  }
0x2d: {  	s3 =	simm.s32 $0x108;
	s8 =	sld [smem:$0x3FB6]  }
0x2e: {  	s3 =	simm.s32 @!p0 $0x1082;
	s9 =	sld [smem:$0x3FB7]  }
0x2f: {  	lr =	sadd.s32 s0, s3;
	s0 =	sld [smem:$0x3FAE]  }
0x30: {  	s3 =	sld [smem:$0x3FB1]  }
0x31: {  	[smem:$0x3FBA] =	sst s10  }
0x32: {  	s10 =	sld [smem:$0x3FB8];
	_ =	sdelay $0x3  }
0x33: {  	p0 =	seq.s32 s10, $0x1;
	s10 =	sld [smem:$0x3FBA];
	_ =	sdelay $0x3  }
0x34: {  	[smem:$0x3FBA] =	sst s10  }
0x35: {  	s10 =	sld [smem:$0x3FB9];
	_ =	sdelay $0x3  }
0x36: {  	p1 =	seq.s32 s10, $0x1;
	s10 =	sld [smem:$0x3FBA];
	_ =	sdelay $0x3  }
0x37: {  	[smem:$0x3FBA] =	sst s10  }
0x38: {  	s10 =	sld [smem:$0x3FBB]  }
0x39: {  	_ = 	snop;
	(pc) =	sbr.ind lr, $3  }
0x3a: {  	_ = 	snop  }
0x3b: {  	_ = 	snop  }
0x3c: {  	p2 =	seq.s32 s10, $0x1;
	s10 =	sld [smem:$0x3FBA]  }
0x3d: {  	_ =	shalt  }
0x3e: {  	_ =	shalt  }
0x3f: {  	_ =	shalt  }
0x40: {  	_ =	shalt  }
0x41: {  	_ =	shalt  }
0x42: {  	_ =	shalt  }
0x43: {  	_ =	shalt  }
0x44: {  	_ =	shalt  }
0x45: {  	_ =	shalt  }
0x46: {  	_ =	shalt  }
0x47: {  	_ =	shalt  }
0x48: {  	_ =	shalt  }
0x49: {  	_ =	shalt  }
0x4a: {  	_ =	shalt  }
0x4b: {  	_ =	shalt  }
0x4c: {  	_ =	shalt  }
0x4d: {  	_ =	shalt  }
0x4e: {  	_ =	shalt  }
0x4f: {  	_ =	shalt  }
0x50: {  	_ =	shalt  }
0x51: {  	_ =	shalt  }
0x52: {  	_ =	shalt  }
0x53: {  	_ =	shalt  }
0x54: {  	_ =	shalt  }
0x55: {  	_ =	shalt  }
0x56: {  	_ =	shalt  }
0x57: {  	_ =	shalt  }
0x58: {  	_ =	shalt  }
0x59: {  	_ =	shalt  }
0x5a: {  	_ =	shalt  }
0x5b: {  	_ =	shalt  }
0x5c: {  	_ =	shalt  }
0x5d: {  	_ =	shalt  }
0x5e: {  	_ =	shalt  }
0x5f: {  	_ =	shalt  }
0x60: {  	_ =	shalt  }
0x61: {  	_ =	shalt  }
0x62: {  	_ =	shalt  }
0x63: {  	_ =	shalt  }
0x64: {  	_ =	shalt  }
0x65: {  	_ =	shalt  }
0x66: {  	_ =	shalt  }
0x67: {  	_ =	shalt  }
0x68: {  	_ =	shalt  }
0x69: {  	_ =	shalt  }
0x6a: {  	_ =	shalt  }
0x6b: {  	_ =	shalt  }
0x6c: {  	_ =	shalt  }
0x6d: {  	_ =	shalt  }
0x6e: {  	_ =	shalt  }
0x6f: {  	_ =	shalt  }
0x70: {  	_ =	shalt  }
0x71: {  	_ =	shalt  }
0x72: {  	_ =	shalt  }
0x73: {  	_ =	shalt  }
0x74: {  	_ =	shalt  }
0x75: {  	_ =	shalt  }
0x76: {  	_ =	shalt  }
0x77: {  	_ =	shalt  }
0x78: {  	_ =	shalt  }
0x79: {  	_ =	shalt  }
0x7a: {  	_ =	shalt  }
0x7b: {  	_ =	shalt  }
0x7c: {  	_ =	shalt  }
0x7d: {  	_ =	shalt  }
0x7e: {  	_ =	shalt  }
0x7f: {  	_ =	shalt  }
0x80: {  	_ =	shalt  }
0x81: {  	_ =	shalt  }
0x82: {  	_ =	shalt  }
0x83: {  	_ =	shalt  }
0x84: {  	_ =	shalt  }
0x85: {  	_ =	shalt  }
0x86: {  	_ =	shalt  }
0x87: {  	_ =	shalt  }
.Lfunc_end0:
.L_simem_size_0:
called_computation_lowered:
.L_overlay_start_0:
0x88: {  	s2 =	sld [smem:$0x3FD9]  }
0x89: {  	s3 =	sld [smem:$0x3FFE];
	_ =	sdelay $0x1  }
0x8a: {  	s1 =	srdreg.scid  }
0x8b: {  	s0 =	sand.u32 $0x1, s1  }
0x8c: {  	s17 =	sshll.u32 s0, $0xA;
	s2 =	sadd.s32 s3, s2  }
0x8d: {  	s2 =	sadd.s32 s2, s17  }
0x8e: {  	[smem:$0x3FC6] =	sst s2  }
0x8f: {  	_ = 	snop  }
0x90: {  	s2 =	sld [smem:$0x3FD0];
	(tm) =	ssettm $0x1  }
0x91: {  	s18 =	sld [smem:$0x3FFB];
	_ =	sdelay $0x3  }
0x92: {  	_ =	strace s18  }
0x93: {  	s3 =	sld [smem:$0x3FFC];
	_ =	sdelay $0x3  }
0x94: {  	_ =	strace s3  }
0x95: {  	s3 =	sld [smem:$0x3FFD];
	_ =	sdelay $0x3  }
0x96: {  	_ =	strace s3  }
0x97: {  	_ =	strace $0x8FFFFFFF  }
0x98: {  	s19 =	sld [smem:$0x3FDB];
	_ =	sdelay $0x1  }
0x99: {  	s4 =	simm.s32 $_scs_section_size  }
0x9a: {  	s5 =	simm.s32 $_size__tile_overlayer_lowered;
	s6 =	simm.s32 $_tile_overlayer_lowered  }
0x9b: {  	s22 =	simm.s32 $0x1BFF;
	s21 =	sshll.u32 s6, $0x1;
	s3 =	sadd.s32 s4, s19  }
0x9c: {  	s7 =	simm.s32 $0x0;
	s20 =	sshll.u32 s5, $0x1;
	s5 =	sadd.s32 s21, s3  }
0x9d: {  	[timem:s7], [sflag:s22] =	dma.local [hbm:s5], s20  }
0x9e: {  	_ =	swait.ge [sflag:s22], s20  }
0x9f: {  	s4 =	ssub.s32 $0x0, s20;
	[sflag:s22] =	ssyncset.done $0x0  }
0xa0: {  	[sflag:s22] =	ssyncadd.s32 s4;
	_ =	sdelay $0x1  }
0xa1: {  	s23 =	simm.s32 $0x1B8B  }
0xa2: {  	_ =	swait.ge [sflag:s23], $0x1  }
0xa3: {  	[sflag:s23] =	ssyncset.done $0x0  }
0xa4: {  	s25 =	simm.s32 $0x1B8E;
	s24 =	sld [smem:$0x3FFE];
	[sflag:s23] =	ssyncadd.s32 $0xFFFFFFFF  }
0xa5: {  	s26 =	simm.s32 $execute0_lowered;
	[smem:$0x3FD2] =	sst s25  }
0xa6: {  	s5 =	sshll.u32 s26, $0x1;
	_ =	strace $0x80000046;
	[dreg:$0x1] =	wrdreg $0xFFFFFFFF  }
0xa7: {  	s28 =	simm.s32 $_size_execute0_lowered;
	s3 =	sadd.s32 s3, s5;
	[dreg:$0x0] =	wrdreg $0x0  }
0xa8: {  	s5 =	sshll.u32 s28, $0x1;
	[dreg:$0x2] =	wrdreg s3  }
0xa9: {  	[dreg:$0x3] =	wrdreg s5  }
0xaa: {  	[dreg:$0x4] =	wrdreg $0xC0  }
0xab: {  	_ =	task [dreg:s7], $0x5FFFF  }
0xac: {  	[dreg:$0x1] =	wrdreg $0xFFFFFFFF  }
0xad: {  	[dreg:$0x0] =	wrdreg $0x60  }
0xae: {  	[dreg:$0x2] =	wrdreg s24  }
0xaf: {  	[dreg:$0x3] =	wrdreg s2  }
0xb0: {  	[dreg:$0x4] =	wrdreg $0xF5300  }
0xb1: {  	[dreg:$0x5] =	wrdreg $0x9  }
0xb2: {  	_ =	task.clear_ibuf [dreg:s7], $0x6FFFF;
	_ =	strace $0x90000046  }
0xb3: {  	s29 =	simm.s32 $0x9;
	_ =	strace $0x80000048  }
0xb4: {  	_ =	swait.ge [sflag:s29], $0x1  }
0xb5: {  	[sflag:s29] =	ssyncadd.s32 $0xFFFFFFFF  }
0xb6: {  	_ =	strace $0x90000048  }
0xb7: {  	_ =	sfence  }
0xb8: {  	s30 =	sld [smem:$0x0];
	_ =	sdelay $0x2  }
0xb9: {  	s31 =	sshll.u32 s1, $0xD;
	s1 =	sshrl.u32 s1, $0x2  }
0xba: {  	s3 =	sand.u32 $0x4000, s31;
	s1 =	sadd.s32 s1, s30  }
0xbb: {  	s0 =	sor.u32 s3, s0;
	s1 =	sshll.u32 s1, $0x11  }
0xbc: {  	s0 =	sor.u32 s1, s0  }
0xbd: {  	s0 =	sadd.s32 $0x8F2B, s0  }
0xbe: {  	[sflag:s0] =	ssyncadd.remote.s32 $0x1  }
0xbf: {  	_ =	sfence.sel $0xFFFF  }
0xc0: {  	[dreg:$0x0] =	wrdreg $0xFFFFFFFF;
	(pc) =	sbr.abs _section_cstart, $3  }
0xc1: {  	[dreg:$0x1] =	wrdreg $0xFFFFFFFF  }
0xc2: {  	_ =	task.clear_ibuf [dreg:s7], $0x2FFFF;
	_ =	strace $0x9FFFFFFF  }
0xc3: {  	(tm) =	ssettm $0x7FFFFFFF  }
tec
execute0_lowered:
.L_overlay_start_1:
0x0: {  	(tag) =	ssettag $0x1  }
0x1: {  	s0 =	rddreg [dreg:$0x0];
	v0 =	vimm.s32 $0xC3824100  }
0x2: {  	s8 =	rddreg [dreg:$0x1];
	v0 =	vunpack.c.0.s8.s32 v0  }
0x3: {  	s1 =	srdreg.scid;
	s2 =	rddreg [dreg:$0x2]  }
0x4: {  	s10 =	stileid.u32;
	vm0 =	vcmask $0xF00;
	s14 =	simm.s32 $0x3;
	s15 =	simm.s32 $0x80;
	v0 =	vand.u32 $0xFF, v0  }
0x5: {  	vm5 =	vcmask $0x1310;
	s16 =	simm.s32 $0x4E20;
	s17 =	simm.s32 $0x8E20;
	s18 =	simm.s32 $0x6E20;
	v0 =	vnsel vm0, $0x3C7, v0  }
0x6: {  	vm6 =	vcmask $0x1714;
	s20 =	simm.s32 $0xAE20;
	s21 =	simm.s32 $0x1;
	s22 =	simm.s32 $0x2;
	v0 =	vsel vm5, $0x104, v0  }
0x7: {  	vm7 =	vcmask $0x1B18;
	s24 =	simm.s32 $0x4;
	s25 =	simm.s32 $0x0;
	s1 =	sand.u32 $0x1, s1;
	v0 =	vsel vm6, $0x145, v0  }
0x8: {  	vm8 =	vcmask $0x1F1C;
	s6 =	smul.u32 $0xA000, s10;
	s11 =	sadd.s32 $0x96000, s2;
	p0 =	seq.s32 s10, $0xF;
	v0 =	vsel vm7, $0x186, v0  }
0x9: {  	vm9 =	vcmask $0x2320;
	s3 =	sshll.u32 s1, $0x4;
	s1 =	ssub.s32 $0x2, s1;
	s11 =	sshrl.u32 @p0 s11, $0x3;
	v0 =	vsel vm8, $0x1C7, v0  }
0xa: {  	vm10 =	vcmask $0x2724;
	s4 =	sor.u32 s10, s3;
	s3 =	simm.s32 $0x0;
	s29 =	sshrl.u32 s1, $0x1;
	v0 =	vsel vm9, $0x200, v0  }
0xb: {  	vm11 =	vcmask $0x2B28;
	s7 =	sshrl.u32 s6, $0x3;
	s13 =	sadd.s32 s6, s2;
	s9 =	smul.u32 $0x4E2, s4;
	v0 =	vsel vm10, $0x241, v0  }
0xc: {  	vm12 =	vcmask $0x2F2C;
	[smem:$0x7FF] =	sst s3;
	s1 =	ssub.s32 s1, s29;
	s6 =	sadd.s32 s0, s7;
	v0 =	vsel vm11, $0x282, v0  }
0xd: {  	vm13 =	vcmask $0x3330;
	s7 =	sadd.s32 $0x12C00, s0;
	s13 =	sshrl.u32 @!p0 s13, $0x3;
	s5 =	sadd.s32 s9, s0;
	v0 =	vsel vm12, $0x2C3, v0  }
0xe: {  	vm14 =	vcmask $0x3734;
	_ =	strace $0x80000047;
	s8 =	sadd.s32 s8, s9;
	s30 =	sadd.s32 $0x1D800, s5;
	v1 =	vsel vm13, $0x304, v0  }
0xf: {  	vm15 =	vcmask $0x3B38;
	s0 =	sshll.u32 @!p0 s10, $0x6;
	s31 =	sadd.s32 $0x13A00, s5;
	[dreg:$0x4] =	wrdreg s30;
	v0 =	vlaneseq.u32;
	v3 =	vsel vm14, $0x345, v1  }
0x10: {  	s9 =	smax.u32 s1, $0x1;
	s12 =	sor.u32 @!p0 $0x1C04, s0;
	[dreg:$0x5] =	wrdreg s31;
	v1 =	vmul.u32 $0x40, v0;
	v2 =	vand.u32 $0x7, v0;
	v3 =	vsel vm15, $0x386, v3  }
.LBB2_1:
0x11: {  	s0 =	rddreg [dreg:$0x4]  }
0x12: {  	[tilespmem:s3], [sflag:$0x3] =	stream.linear.gather [hbm4b:s0+s3], $0x2710, $0x38;
	[tilespmem:$0x19170] =	vst v63  }
0x13: {  	s30 =	rddreg [dreg:$0x5];
	s1 =	simm.s32 $0x2710;
	s0 =	simm.s32 @p0 $0x1FC4  }
0x14: {  	[tilespmem:s1], [sflag:$0x3] =	stream.linear.gather [hbm4b:s30+s3], $0x2710, $0x38;
	[tilespmem:$0x19170] =	vst v63  }
0x15: {  	[spmem:s11], [sflag:s0] =	dma.local @p0 [hbm:s7], $0xC80  }
0x16: {  	s0 =	simm.s32 @p0 $0x4  }
0x17: {  	_ =	swait.ge @p0 [sflag:s0], $0xC80  }
0x18: {  	[sflag:s0] =	ssyncset.done @p0 $0x0  }
0x19: {  	[sflag:s0] =	ssyncadd.s32 @p0 $0xFFFFF380;
	s0 =	simm.s32 @!p0 $0x4  }
0x1a: {  	[spmem:s13], [sflag:s12] =	dma.local @!p0 [hbm:s6], $0x1400  }
0x1b: {  	_ =	swait.ge @!p0 [sflag:s0], $0x1400  }
0x1c: {  	[sflag:s0] =	ssyncset.done @!p0 $0x0  }
0x1d: {  	[sflag:s0] =	ssyncadd.s32 @!p0 $0xFFFFEC00  }
0x1e: {  	[bflag:$0x0] =	sbarrier.arrive $0xFFFF  }
0x1f: {  	_ =	swait.ge [sflag:s14], $0x2710  }
0x20: {  	[sflag:s14] =	ssyncset.done $0x0  }
0x21: {  	[sflag:s14] =	ssyncadd.s32 $0xFFFFD8F0  }
0x22: {  	_ =	swait.ge [sflag:s14], $0x2710  }
0x23: {  	[sflag:s14] =	ssyncset.done $0x0  }
0x24: {  	[sflag:s14] =	ssyncadd.s32 $0xFFFFD8F0  }
0x25: {  	[tilespmem:s16], [sflag:$0x1] =	stream.indirect.gather [spmem:s2], $0x40, s3, s15, $0xb8;
	[tilespmem:$0x19170] =	vst v63  }
0x26: {  	_ = 	snop  }
0x27: {  	[tilespmem:s17], [sflag:$0x1] =	stream.indirect.gather [spmem:s2], $0x40, s1, s15, $0xb8;
	[tilespmem:$0x19170] =	vst v63  }
0x28: {  	_ = 	snop  }
0x29: {  	[tilespmem:s18], [sflag:$0x2] =	stream.indirect.gather [spmem:s2], $0x40, s15, s15, $0xb8;
	[tilespmem:$0x19170] =	vst v63  }
0x2a: {  	s31 =	simm.s32 $0x2790;
	s26 =	simm.s32 $0x0  }
0x2b: {  	[tilespmem:s20], [sflag:$0x2] =	stream.indirect.gather [spmem:s2], $0x40, s31, s15, $0xb8;
	[tilespmem:$0x19170] =	vst v63  }
.LBB2_2:
0x2c: {  	_ =	swait.ge [sflag:s21], $0x2000  }
0x2d: {  	[sflag:s21] =	ssyncset.done $0x0  }
0x2e: {  	s28 =	sshll.u32 s26, $0x8;
	[sflag:s21] =	ssyncadd.s32 $0xFFFFE000  }
0x2f: {  	s29 =	sand.u32 $0x3FFFFF00, s28;
	_ =	swait.ge [sflag:s21], $0x2000  }
0x30: {  	s0 =	sadd.s32 $0xCE20, s29;
	[sflag:s21] =	ssyncset.done $0x0  }
0x31: {  	s30 =	simm.s32 $0x0;
	v4 =	vmov s0;
	[sflag:s21] =	ssyncadd.s32 $0xFFFFE000  }
.LBB2_3:
0x32: {  	s31 =	sshll.u32 s30, $0x4  }
0x33: {  	s0 =	simm.s32 $0x1;
	v5 =	vmov s31  }
0x34: {  	v6 =	vadd.s32 s0, v0;
	v5 =	vshll.u32 v5, $0x6  }
0x35: {  	s1 =	simm.s32 $0x5;
	v6 =	vand.u32 $0x3F, v6;
	v5 =	vor.u32 v1, v5  }
0x36: {  	s19 =	simm.s32 $0x6;
	v9 =	vadd.s32 s1, v0;
	v7 =	vor.u32 v5, v6  }
0x37: {  	s23 =	simm.s32 $0x9;
	v10 =	vadd.s32 s19, v0;
	v9 =	vand.u32 $0x3F, v9  }
0x38: {  	v11 =	vadd.s32 s23, v0;
	v10 =	vand.u32 $0x3F, v10;
	v9 =	vor.u32 v5, v9  }
0x39: {  	v11 =	vand.u32 $0x3F, v11;
	v10 =	vor.u32 v5, v10  }
0x3a: {  	s4 =	simm.s32 $0x2;
	v11 =	vor.u32 v5, v11  }
0x3b: {  	s5 =	simm.s32 $0x4;
	v15 =	vadd.s32 s4, v0;
	v12 =	vld.idx.msk [tilespmem:v7+s17+$0x0], $0xffff  }
0x3c: {  	v16 =	vadd.s32 s5, v0;
	v15 =	vand.u32 $0x3F, v15;
	v13 =	vld.idx.msk [tilespmem:v7+s16+$0x0], $0xffff  }
0x3d: {  	s19 =	simm.s32 $0xA;
	v16 =	vand.u32 $0x3F, v16;
	v15 =	vor.u32 v5, v15;
	v18 =	vld.idx.msk [tilespmem:v9+s16+$0x0], $0xffff  }
0x3e: {  	s23 =	simm.s32 $0xB;
	v20 =	vadd.s32 s19, v0;
	v16 =	vor.u32 v5, v16;
	v21 =	vld.idx.msk [tilespmem:v10+s16+$0x0], $0xffff  }
0x3f: {  	s4 =	simm.s32 $0x3;
	v22 =	vadd.s32 s23, v0;
	v20 =	vand.u32 $0x3F, v20;
	v23 =	vld.idx.msk [tilespmem:v11+s17+$0x0], $0xffff  }
0x40: {  	v24 =	vadd.s32 s4, v0;
	v22 =	vand.u32 $0x3F, v22;
	v20 =	vor.u32 v5, v20;
	v10 =	vld.idx.msk [tilespmem:v10+s17+$0x0], $0xffff  }
0x41: {  	v24 =	vand.u32 $0x3F, v24;
	v22 =	vor.u32 v5, v22;
	v9 =	vld.idx.msk [tilespmem:v9+s17+$0x0], $0xffff  }
0x42: {  	v24 =	vor.u32 v5, v24;
	v27 =	vld.idx.msk [tilespmem:v15+s16+$0x0], $0xffff  }
0x43: {  	s10 =	simm.s32 $0x0;
	v6 =	vor.u32 v0, v5;
	v31 =	vld.idx.msk [tilespmem:v16+s17+$0x0], $0xffff  }
0x44: {  	s5 =	simm.s32 $0xC;
	v8 =	vor.u32 s10, v6;
	v11 =	vld.idx.msk [tilespmem:v11+s16+$0x0], $0xffff  }
0x45: {  	v26 =	vadd.s32 s5, v0;
	v29 =	vld.idx.msk [tilespmem:v20+s17+$0x0], $0xffff  }
0x46: {  	v26 =	vand.u32 $0x3F, v26;
	v34 =	vld.idx.msk [tilespmem:v22+s17+$0x0], $0xffff  }
0x47: {  	v26 =	vor.u32 v5, v26;
	v33 =	vld.idx.msk [tilespmem:v24+s17+$0x0], $0xffff  }
0x48: {  	s1 =	simm.s32 $0x7;
	v24 =	vld.idx.msk [tilespmem:v24+s16+$0x0], $0xffff  }
0x49: {  	v7 =	vadd.s32 s1, v0;
	v14 =	vld.idx.msk [tilespmem:v8+s16+$0x0], $0xffff  }
0x4a: {  	s10 =	simm.s32 $0x8;
	v7 =	vand.u32 $0x3F, v7;
	v8 =	vld.idx.msk [tilespmem:v8+s17+$0x0], $0xffff  }
0x4b: {  	v19 =	vadd.s32 s10, v0;
	v63 =	vld.idx.msk [tilespmem:v16+s16+$0x0], $0xffff;
	v17 =	vor.u32 v5, v7  }
0x4c: {  	v19 =	vand.u32 $0x38, v19;
	v32 =	vld.idx.msk [tilespmem:v26+s16+$0x0], $0xffff;
	v7 =	vor.u32 v2, v5  }
0x4d: {  	v38 =	vld.idx.msk [tilespmem:v26+s17+$0x0], $0xffff;
	v19 =	vor.u32 v19, v7;
	v12 =	vmul.bf16 v12, v13  }
0x4e: {  	v35 =	vimm.f32 $0.0e+00;
	s10 =	simm.s32 $0xD;
	v15 =	vld.idx.msk [tilespmem:v15+s17+$0x0], $0xffff;
	v9 =	vmul.bf16 v9, v18;
	v18 =	vmul.bf16 v10, v21  }
0x4f: {  	v13 =	vadd.s32 s10, v0;
	v11 =	vmul.bf16 v23, v11;
	v8 =	vmul.bf16 v8, v14;
	v14 =	vld.idx.msk [tilespmem:v20+s16+$0x0], $0xffff  }
0x50: {  	s19 =	simm.s32 $0xE;
	v33 =	vmul.bf16 v33, v24;
	v31 =	vmul.bf16 v31, v63;
	v25 =	vld.idx.msk [tilespmem:v17+s17+$0x0], $0xffff;
	v30 =	vshll.u32 v12, $0x10  }
0x51: {  	v36 =	vand.u32 $0xFFFF0000, v12;
	v12 =	vand.u32 $0x3F, v13;
	v13 =	vadd.s32 s19, v0;
	v17 =	vld.idx.msk [tilespmem:v17+s16+$0x0], $0xffff  }
0x52: {  	v10 =	vand.u32 $0xFFFF0000, v18;
	v28 =	vld.idx.msk [tilespmem:v19+s17+$0x0], $0xffff;
	v20 =	vor.u32 v5, v12;
	v12 =	vand.u32 $0x3F, v13  }
0x53: {  	v37 =	vand.u32 $0xFFFF0000, v8;
	v19 =	vld.idx.msk [tilespmem:v19+s16+$0x0], $0xffff;
	v8 =	vshll.u32 v8, $0x10;
	v39 =	vor.u32 v5, v12  }
0x54: {  	s23 =	simm.s32 $0xF;
	v13 =	vshll.u32 v9, $0x10;
	v30 =	vadd.f32 v30, v35;
	v12 =	vshll.u32 v18, $0x10;
	v18 =	vld.idx.msk [tilespmem:v22+s16+$0x0], $0xffff  }
0x55: {  	v26 =	vadd.f32 v37, v35;
	v21 =	vmul.bf16 v29, v14;
	v29 =	vadd.s32 s23, v0  }
0x56: {  	v22 =	vadd.f32 v8, v35;
	v14 =	vand.u32 $0xFFFF0000, v9;
	v16 =	vand.u32 $0x3F, v29  }
0x57: {  	v8 =	vshll.u32 v21, $0x10;
	v9 =	vand.u32 $0xFFFF0000, v21;
	v21 =	vmul.bf16 v38, v32  }
0x58: {  	v23 =	vor.u32 v5, v16;
	v32 =	vmul.bf16 v15, v27;
	v27 =	vmul.bf16 v25, v17;
	v25 =	vld.idx.msk [tilespmem:v39+s17+$0x0], $0xffff  }
0x59: {  	v29 =	vand.u32 $0xFFFF0000, v33;
	v40 =	vmul.bf16 v28, v19;
	v17 =	vmul.bf16 v34, v18;
	v34 =	vld.idx.msk [tilespmem:v39+s16+$0x0], $0xffff  }
0x5a: {  	v19 =	vshll.u32 v11, $0x10;
	v15 =	vand.u32 $0xFFFF0000, v11;
	v28 =	vadd.f32 v36, v35  }
0x5b: {  	s0 =	simm.s32 $0x1F;
	v16 =	vand.u32 $0xFFFF0000, v40;
	v11 =	vand.u32 $0xFFFF0000, v21;
	v18 =	vshll.u32 v40, $0x10  }
.LBB2_4:
0x5c: {  	s19 =	sadd.s32 $0xFFFFFFF2, s0  }
0x5d: {  	s10 =	sadd.s32 $0xFFFFFFF4, s0;
	s23 =	sadd.s32 $0xFFFFFFF8, s0;
	v35 =	vand.u32 $0xFFFF0000, v32;
	v24 =	vshll.u32 v17, $0x10;
	v21 =	vshll.u32 v21, $0x10;
	v36 =	vld.idx.msk [tilespmem:v23+s16+$0x0], $0xffff;
	s1 =	smov.u32 s0  }
0x5e: {  	v34 =	vmul.bf16 v25, v34;
	v37 =	vadd.s32 s19, v0;
	s4 =	sadd.s32 $0xFFFFFFF5, s1;
	v38 =	vadd.s32 s23, v0;
	s19 =	sadd.s32 $0xFFFFFFFC, s1;
	s23 =	sadd.s32 $0x10, s0;
	v39 =	vld.idx.msk [tilespmem:v23+s17+$0x0], $0xffff  }
0x5f: {  	p1 =	sne.s32 s0, $0x3F;
	v33 =	vshll.u32 v33, $0x10;
	v23 =	vand.u32 $0x3F, v37;
	v37 =	vadd.s32 s10, v0  }
0x60: {  	s0 =	sadd.s32 $0xFFFFFFF1, s1;
	s5 =	sadd.s32 $0xFFFFFFF6, s1;
	s10 =	sadd.s32 $0xFFFFFFF3, s1;
	v38 =	vand.u32 $0x3F, v38;
	v25 =	vand.u32 $0xFFFF0000, v34;
	v40 =	vor.u32 v5, v23  }
0x61: {  	v41 =	vor.u32 s0, v6;
	v42 =	vadd.s32 s5, v0;
	v23 =	vshll.u32 v34, $0x10  }
0x62: {  	v32 =	vshll.u32 v32, $0x10;
	v34 =	vadd.s32 s10, v0;
	v42 =	vand.u32 $0x3F, v42;
	v43 =	vld.idx.msk [tilespmem:v20+s17+$0x0], $0xffff  }
0x63: {  	v30 =	vadd.f32 v33, v30;
	v44 =	vadd.s32 s4, v0;
	s0 =	sadd.s32 $0xFFFFFFF7, s1;
	v42 =	vor.u32 v5, v42;
	v20 =	vld.idx.msk [tilespmem:v20+s16+$0x0], $0xffff  }
0x64: {  	v45 =	vshll.u32 v27, $0x10;
	v33 =	vand.u32 $0x3F, v34;
	v34 =	vadd.s32 s0, v0;
	s0 =	sadd.s32 $0xFFFFFFFA, s1  }
0x65: {  	s4 =	sadd.s32 $0xFFFFFFF9, s1;
	v34 =	vand.u32 $0x3F, v34;
	v47 =	vadd.s32 s0, v0;
	v36 =	vmul.bf16 v39, v36;
	v46 =	vld.idx.msk [tilespmem:v40+s17+$0x0], $0xffff  }
0x66: {  	v26 =	vadd.f32 v35, v26;
	v34 =	vor.u32 v5, v34;
	v39 =	vld.idx.msk [tilespmem:v40+s16+$0x0], $0xffff;
	v40 =	vand.u32 $0x3F, v47  }
0x67: {  	v48 =	vshll.u32 v31, $0x10;
	v47 =	vadd.s32 s4, v0;
	v35 =	vld.idx.msk [tilespmem:v41+s16+$0x0], $0xffff;
	v40 =	vor.u32 v5, v40  }
0x68: {  	v37 =	vand.u32 $0x3F, v37;
	v38 =	vor.u32 v5, v38;
	v49 =	vshll.u32 v36, $0x10;
	v41 =	vld.idx.msk [tilespmem:v41+s17+$0x0], $0xffff  }
0x69: {  	v22 =	vadd.f32 v32, v22;
	v44 =	vand.u32 $0x3F, v44;
	v37 =	vor.u32 v5, v37;
	v50 =	vld.idx.msk [tilespmem:v42+s16+$0x0], $0xffff  }
0x6a: {  	v31 =	vand.u32 $0xFFFF0000, v31;
	v32 =	vor.u32 v5, v44;
	v44 =	vand.u32 $0x38, v47  }
0x6b: {  	v27 =	vand.u32 $0xFFFF0000, v27;
	v33 =	vor.u32 v5, v33;
	s0 =	sadd.s32 $0xFFFFFFFB, s1;
	v44 =	vor.u32 v44, v7;
	v47 =	vld.idx.msk [tilespmem:v34+s16+$0x0], $0xffff  }
0x6c: {  	v28 =	vadd.f32 v29, v28;
	v52 =	vadd.s32 s0, v0;
	v20 =	vmul.bf16 v43, v20;
	v51 =	vld.idx.msk [tilespmem:v40+s17+$0x0], $0xffff  }
0x6d: {  	v22 =	vadd.f32 v48, v22;
	v43 =	vadd.s32 s19, v0;
	v29 =	vld.idx.msk [tilespmem:v34+s17+$0x0], $0xffff;
	v34 =	vand.u32 $0x3F, v52  }
0x6e: {  	s0 =	sadd.s32 $0xFFFFFFFD, s1;
	v43 =	vand.u32 $0x3F, v43;
	v48 =	vand.u32 $0xFFFF0000, v20;
	v42 =	vld.idx.msk [tilespmem:v42+s17+$0x0], $0xffff;
	v34 =	vor.u32 v5, v34  }
0x6f: {  	v13 =	vadd.f32 v13, v30;
	v53 =	vadd.s32 s0, v0;
	v43 =	vor.u32 v5, v43;
	v52 =	vld.idx.msk [tilespmem:v38+s17+$0x0], $0xffff  }
0x70: {  	v14 =	vadd.f32 v14, v28;
	v26 =	vadd.f32 v31, v26;
	v30 =	vand.u32 $0x3F, v53;
	v54 =	vld.idx.msk [tilespmem:v33+s16+$0x0], $0xffff  }
0x71: {  	v13 =	vadd.f32 v45, v13;
	s0 =	sadd.s32 $0xFFFFFFFE, s1;
	v30 =	vor.u32 v5, v30;
	v28 =	vmul.bf16 v46, v39;
	v31 =	vld.idx.msk [tilespmem:v32+s17+$0x0], $0xffff  }
0x72: {  	v12 =	vadd.f32 v12, v22;
	v10 =	vadd.f32 v10, v26;
	v45 =	vadd.s32 s0, v0;
	v39 =	vld.idx.msk [tilespmem:v44+s17+$0x0], $0xffff  }
0x73: {  	v13 =	vadd.f32 v19, v13;
	v19 =	vshll.u32 v20, $0x10;
	v46 =	vshll.u32 v28, $0x10;
	v40 =	vld.idx.msk [tilespmem:v40+s16+$0x0], $0xffff  }
0x74: {  	v14 =	vadd.f32 v27, v14;
	v22 =	vmul.bf16 v41, v35;
	v28 =	vand.u32 $0xFFFF0000, v28;
	v26 =	vld.idx.msk [tilespmem:v34+s17+$0x0], $0xffff  }
0x75: {  	v10 =	vadd.f32 v16, v10;
	v16 =	vand.u32 $0xFFFF0000, v17;
	v20 =	vand.u32 $0x3F, v45;
	v35 =	vld.idx.msk [tilespmem:v43+s17+$0x0], $0xffff  }
0x76: {  	v14 =	vadd.f32 v15, v14;
	v20 =	vor.u32 v5, v20;
	v17 =	vand.u32 $0xFFFF0000, v22;
	v27 =	vld.idx.msk [tilespmem:v37+s17+$0x0], $0xffff  }
0x77: {  	v12 =	vadd.f32 v18, v12;
	s0 =	sadd.s32 $0xFFFFFFFF, s1;
	v13 =	vadd.f32 v24, v13;
	v15 =	vshll.u32 v22, $0x10;
	v41 =	vld.idx.msk [tilespmem:v30+s16+$0x0], $0xffff  }
0x78: {  	v9 =	vadd.f32 v9, v10;
	v10 =	vadd.f32 v16, v14;
	v22 =	vadd.s32 s0, v0;
	v18 =	vld.idx.msk [tilespmem:v34+s16+$0x0], $0xffff  }
0x79: {  	v8 =	vadd.f32 v8, v12;
	v12 =	vadd.f32 v19, v13;
	v14 =	vand.u32 $0x3F, v22;
	v24 =	vld.idx.msk [tilespmem:v43+s16+$0x0], $0xffff  }
0x7a: {  	v9 =	vadd.f32 v11, v9;
	v16 =	vmul.bf16 v29, v47;
	v29 =	vor.u32 v5, v14;
	v19 =	vld.idx.msk [tilespmem:v30+s17+$0x0], $0xffff  }
0x7b: {  	v8 =	vadd.f32 v21, v8;
	v10 =	vadd.f32 v48, v10;
	v11 =	vmul.bf16 v42, v50;
	v42 =	vld.idx.msk [tilespmem:v44+s16+$0x0], $0xffff  }
0x7c: {  	v9 =	vadd.f32 v25, v9;
	v21 =	vadd.f32 v49, v12;
	v14 =	vand.u32 $0xFFFF0000, v36;
	v33 =	vld.idx.msk [tilespmem:v33+s17+$0x0], $0xffff  }
0x7d: {  	v8 =	vadd.f32 v23, v8;
	v13 =	vshll.u32 v11, $0x10;
	v36 =	vld.idx.msk [tilespmem:v37+s16+$0x0], $0xffff;
	v37 =	vadd.f32 v14, v10  }
0x7e: {  	v23 =	vadd.s32 s1, v0;
	v10 =	vand.u32 $0xFFFF0000, v16;
	v18 =	vmul.bf16 v26, v18;
	v38 =	vld.idx.msk [tilespmem:v38+s16+$0x0], $0xffff  }
0x7f: {  	v12 =	vshll.u32 v16, $0x10;
	v26 =	vadd.f32 v17, v9;
	v14 =	vand.u32 $0xFFFF0000, v11;
	v25 =	vld.idx.msk [tilespmem:v29+s17+$0x0], $0xffff  }
0x80: {  	v22 =	vadd.f32 v15, v8;
	v30 =	vadd.f32 v46, v21;
	v8 =	vshll.u32 v18, $0x10;
	v43 =	vld.idx.msk [tilespmem:v32+s16+$0x0], $0xffff  }
0x81: {  	v15 =	vand.u32 $0x3F, v23;
	v11 =	vmul.bf16 v51, v40;
	v9 =	vand.u32 $0xFFFF0000, v18;
	v34 =	vld.idx.msk [tilespmem:v29+s16+$0x0], $0xffff  }
.Ltmp0:
0x82: {  	v23 =	vor.u32 v5, v15;
	v21 =	vmul.bf16 v19, v41;
	v18 =	vmul.bf16 v39, v42;
	(pc) =	sbr.rel @p1 .LBB2_4-.Ltmp0, $4  }
0x83: {  	v19 =	vshll.u32 v11, $0x10;
	v32 =	vmul.bf16 v33, v54;
	v33 =	vmul.bf16 v27, v36  }
0x84: {  	v15 =	vand.u32 $0xFFFF0000, v11;
	v16 =	vand.u32 $0xFFFF0000, v18;
	v27 =	vmul.bf16 v52, v38  }
0x85: {  	v17 =	vmul.bf16 v35, v24;
	v28 =	vadd.f32 v28, v37;
	v11 =	vand.u32 $0xFFFF0000, v21  }
0x86: {  	s0 =	smov.u32 s23;
	v18 =	vshll.u32 v18, $0x10;
	v29 =	vand.u32 $0xFFFF0000, v33;
	v31 =	vmul.bf16 v31, v43  }
0x87: {  	_ =	sdelay $0x1  }
0x88: {  	v5 =	vmul.bf16 v25, v34;
	v6 =	vand.u32 $0xFFFF0000, v32;
	v7 =	vshll.u32 v17, $0x10  }
0x89: {  	v21 =	vshll.u32 v21, $0x10;
	v44 =	vshll.u32 v33, $0x10;
	v47 =	vshll.u32 v32, $0x10  }
0x8a: {  	v24 =	vld.idx.msk [tilespmem:v23+s16+$0x0], $0xffff;
	v28 =	vadd.f32 v29, v28;
	v52 =	vshll.u32 v27, $0x10;
	v6 =	vadd.f32 v6, v26  }
0x8b: {  	v48 =	vld.idx.msk [tilespmem:v20+s17+$0x0], $0xffff;
	v25 =	vadd.f32 v44, v30;
	v22 =	vadd.f32 v47, v22;
	v49 =	vand.u32 $0xFFFF0000, v31  }
0x8c: {  	v50 =	vld.idx.msk [tilespmem:v20+s16+$0x0], $0xffff;
	v51 =	vshll.u32 v31, $0x10;
	v14 =	vadd.f32 v14, v28;
	v6 =	vadd.f32 v49, v6  }
0x8d: {  	v46 =	vld.idx.msk [tilespmem:v23+s17+$0x0], $0xffff;
	v53 =	vand.u32 $0xFFFF0000, v27;
	v13 =	vadd.f32 v13, v25;
	v22 =	vadd.f32 v51, v22  }
0x8e: {  	v58 =	vand.u32 $0xFFFF0000, v17;
	v55 =	vadd.f32 v53, v14;
	v6 =	vadd.f32 v10, v6  }
0x8f: {  	v45 =	vand.u32 $0xFFFF0000, v5;
	v13 =	vadd.f32 v52, v13;
	v54 =	vadd.f32 v12, v22  }
0x90: {  	v5 =	vshll.u32 v5, $0x10;
	v12 =	vadd.f32 v15, v55;
	v6 =	vadd.f32 v16, v6  }
0x91: {  	v57 =	vmul.bf16 v48, v50;
	v13 =	vadd.f32 v19, v13;
	v10 =	vadd.f32 v18, v54  }
0x92: {  	v56 =	vmul.bf16 v46, v24;
	v12 =	vadd.f32 v58, v12;
	v6 =	vadd.f32 v9, v6  }
0x93: {  	v60 =	vand.u32 $0xFFFF0000, v57;
	v7 =	vadd.f32 v7, v13;
	v8 =	vadd.f32 v8, v10  }
0x94: {  	v59 =	vshll.u32 v57, $0x10;
	v10 =	vadd.f32 v60, v12;
	v6 =	vadd.f32 v11, v6  }
0x95: {  	v62 =	vand.u32 $0xFFFF0000, v56;
	v7 =	vadd.f32 v59, v7;
	v8 =	vadd.f32 v21, v8  }
0x96: {  	v61 =	vshll.u32 v56, $0x10;
	v63 =	vadd.f32 v62, v10;
	v6 =	vadd.f32 v45, v6  }
0x97: {  	s30 =	sadd.s32 $0x1, s30;
	v7 =	vadd.f32 v61, v7;
	v5 =	vadd.f32 v5, v8  }
0x98: {  	p1 =	sne.s32 s30, $0x8  }
.Ltmp1:
0x99: {  	v5 =	vadd.f32 v6, v5;
	v6 =	vadd.f32 v63, v7;
	(pc) =	sbr.rel @p1 .LBB2_3-.Ltmp1, $3  }
0x9a: {  	_ = 	snop  }
0x9b: {  	v5 =	vadd.f32 v6, v5;
	_ =	sdelay $0x1  }
0x9c: {  	[tilespmem:v4+s31+$0x0 ss:$0x1] =	vst.idx.msk $0xffff, v5  }
0x9d: {  	s0 =	sshll.u32 s26, $0x1  }
0x9e: {  	p1 =	seq.s32 s26, $0x26;
	s0 =	sadd.s32 $0x2, s0  }
0x9f: {  	s4 =	simm.s32 @!p1 $0x80;
	s5 =	simm.s32 @!p1 $0x4E20;
	s1 =	sshll.u32 @!p1 s0, $0x7  }
0xa0: {  	[tilespmem:s5], [sflag:$0x1] =	stream.indirect.gather @!p1 [spmem:s2], $0x40, s1, s4, $0xb8;
	[tilespmem:$0x19170] =	vst v63  }
0xa1: {  	p2 =	sne.s32 s0, $0x4E;
	s1 =	sadd.s32 @!p1 $0x2710, s1;
	s5 =	simm.s32 @!p1 $0x8E20  }
0xa2: {  	[tilespmem:s5], [sflag:$0x1] =	stream.indirect.gather @!p1 [spmem:s2], $0x40, s1, s4, $0xb8;
	[tilespmem:$0x19170] =	vst v63  }
0xa3: {  	s0 =	simm.s32 @!p2 $0x10;
	s1 =	simm.s32 @!p2 $0x2700;
	s4 =	simm.s32 @!p2 $0x4E20  }
0xa4: {  	[tilespmem:s4], [sflag:$0x1] =	stream.indirect.gather @!p2 [spmem:s2], $0x40, s1, s0, $0xb8;
	[tilespmem:$0x19170] =	vst v63  }
0xa5: {  	s1 =	simm.s32 @!p2 $0x4E10;
	s4 =	simm.s32 @!p2 $0x8E20  }
0xa6: {  	[tilespmem:s4], [sflag:$0x1] =	stream.indirect.gather @!p2 [spmem:s2], $0x40, s1, s0, $0xb8;
	[tilespmem:$0x19170] =	vst v63  }
0xa7: {  	_ =	swait.ge [sflag:s22], $0x2000  }
0xa8: {  	[sflag:s22] =	ssyncset.done $0x0  }
0xa9: {  	[sflag:s22] =	ssyncadd.s32 $0xFFFFE000  }
0xaa: {  	_ =	swait.ge [sflag:s22], $0x2000  }
0xab: {  	s31 =	sadd.s32 $0xCEA0, s29;
	[sflag:s22] =	ssyncset.done $0x0  }
0xac: {  	s29 =	simm.s32 $0x0;
	v4 =	vmov s31;
	[sflag:s22] =	ssyncadd.s32 $0xFFFFE000  }
.LBB2_7:
0xad: {  	s30 =	sshll.u32 s29, $0x4  }
0xae: {  	s0 =	simm.s32 $0x1;
	v5 =	vmov s30  }
0xaf: {  	v6 =	vadd.s32 s0, v0;
	v5 =	vshll.u32 v5, $0x6  }
0xb0: {  	s1 =	simm.s32 $0x5;
	v6 =	vand.u32 $0x3F, v6;
	v5 =	vor.u32 v1, v5  }
0xb1: {  	s4 =	simm.s32 $0x6;
	v9 =	vadd.s32 s1, v0;
	v7 =	vor.u32 v5, v6  }
0xb2: {  	s5 =	simm.s32 $0x9;
	v10 =	vadd.s32 s4, v0;
	v9 =	vand.u32 $0x3F, v9  }
0xb3: {  	v11 =	vadd.s32 s5, v0;
	v10 =	vand.u32 $0x3F, v10;
	v9 =	vor.u32 v5, v9  }
0xb4: {  	v11 =	vand.u32 $0x3F, v11;
	v10 =	vor.u32 v5, v10  }
0xb5: {  	s19 =	simm.s32 $0x2;
	v11 =	vor.u32 v5, v11  }
0xb6: {  	s23 =	simm.s32 $0x4;
	v15 =	vadd.s32 s19, v0;
	v12 =	vld.idx.msk [tilespmem:v7+s20+$0x0], $0xffff  }
0xb7: {  	v16 =	vadd.s32 s23, v0;
	v15 =	vand.u32 $0x3F, v15;
	v13 =	vld.idx.msk [tilespmem:v7+s18+$0x0], $0xffff  }
0xb8: {  	s1 =	simm.s32 $0xA;
	v16 =	vand.u32 $0x3F, v16;
	v15 =	vor.u32 v5, v15;
	v18 =	vld.idx.msk [tilespmem:v9+s18+$0x0], $0xffff  }
0xb9: {  	s4 =	simm.s32 $0xB;
	v20 =	vadd.s32 s1, v0;
	v16 =	vor.u32 v5, v16;
	v21 =	vld.idx.msk [tilespmem:v10+s18+$0x0], $0xffff  }
0xba: {  	v22 =	vadd.s32 s4, v0;
	v20 =	vand.u32 $0x3F, v20;
	v23 =	vld.idx.msk [tilespmem:v11+s20+$0x0], $0xffff  }
0xbb: {  	v22 =	vand.u32 $0x3F, v22;
	v20 =	vor.u32 v5, v20;
	v10 =	vld.idx.msk [tilespmem:v10+s20+$0x0], $0xffff  }
0xbc: {  	s31 =	simm.s32 $0x0;
	s5 =	simm.s32 $0x3;
	v6 =	vor.u32 v0, v5;
	v22 =	vor.u32 v5, v22;
	v9 =	vld.idx.msk [tilespmem:v9+s20+$0x0], $0xffff  }
0xbd: {  	v24 =	vadd.s32 s5, v0;
	v8 =	vor.u32 s31, v6;
	v27 =	vld.idx.msk [tilespmem:v15+s18+$0x0], $0xffff  }
0xbe: {  	v24 =	vand.u32 $0x3F, v24;
	v31 =	vld.idx.msk [tilespmem:v16+s20+$0x0], $0xffff  }
0xbf: {  	v24 =	vor.u32 v5, v24;
	v11 =	vld.idx.msk [tilespmem:v11+s18+$0x0], $0xffff  }
0xc0: {  	v29 =	vld.idx.msk [tilespmem:v20+s20+$0x0], $0xffff  }
0xc1: {  	s10 =	simm.s32 $0x7;
	v34 =	vld.idx.msk [tilespmem:v22+s20+$0x0], $0xffff  }
0xc2: {  	v7 =	vadd.s32 s10, v0;
	v14 =	vld.idx.msk [tilespmem:v8+s18+$0x0], $0xffff  }
0xc3: {  	s31 =	simm.s32 $0x8;
	v7 =	vand.u32 $0x3F, v7;
	v8 =	vld.idx.msk [tilespmem:v8+s20+$0x0], $0xffff  }
0xc4: {  	v19 =	vadd.s32 s31, v0;
	s10 =	simm.s32 $0xC;
	v33 =	vld.idx.msk [tilespmem:v24+s20+$0x0], $0xffff;
	v17 =	vor.u32 v5, v7  }
0xc5: {  	v19 =	vand.u32 $0x38, v19;
	v24 =	vld.idx.msk [tilespmem:v24+s18+$0x0], $0xffff;
	v26 =	vadd.s32 s10, v0;
	v7 =	vor.u32 v2, v5  }
0xc6: {  	v63 =	vld.idx.msk [tilespmem:v16+s18+$0x0], $0xffff;
	v26 =	vand.u32 $0x3F, v26;
	v19 =	vor.u32 v19, v7  }
0xc7: {  	v15 =	vld.idx.msk [tilespmem:v15+s20+$0x0], $0xffff;
	v26 =	vor.u32 v5, v26  }
0xc8: {  	v8 =	vmul.bf16 v8, v14;
	v14 =	vld.idx.msk [tilespmem:v20+s18+$0x0], $0xffff  }
0xc9: {  	v35 =	vimm.f32 $0.0e+00;
	s19 =	simm.s32 $0xD;
	v12 =	vmul.bf16 v12, v13;
	v9 =	vmul.bf16 v9, v18;
	v25 =	vld.idx.msk [tilespmem:v17+s20+$0x0], $0xffff  }
0xca: {  	v13 =	vadd.s32 s19, v0;
	v18 =	vmul.bf16 v10, v21;
	v11 =	vmul.bf16 v23, v11;
	v17 =	vld.idx.msk [tilespmem:v17+s18+$0x0], $0xffff  }
0xcb: {  	s23 =	simm.s32 $0xE;
	v33 =	vmul.bf16 v33, v24;
	v31 =	vmul.bf16 v31, v63;
	v30 =	vshll.u32 v12, $0x10;
	v28 =	vld.idx.msk [tilespmem:v19+s20+$0x0], $0xffff  }
0xcc: {  	v36 =	vand.u32 $0xFFFF0000, v12;
	v12 =	vand.u32 $0x3F, v13;
	v13 =	vadd.s32 s23, v0;
	v32 =	vld.idx.msk [tilespmem:v26+s18+$0x0], $0xffff  }
0xcd: {  	v10 =	vand.u32 $0xFFFF0000, v18;
	v38 =	vld.idx.msk [tilespmem:v26+s20+$0x0], $0xffff;
	v20 =	vor.u32 v5, v12;
	v12 =	vand.u32 $0x3F, v13  }
0xce: {  	v37 =	vand.u32 $0xFFFF0000, v8;
	v19 =	vld.idx.msk [tilespmem:v19+s18+$0x0], $0xffff;
	v8 =	vshll.u32 v8, $0x10;
	v39 =	vor.u32 v5, v12  }
0xcf: {  	s31 =	simm.s32 $0xF;
	v13 =	vshll.u32 v9, $0x10;
	v30 =	vadd.f32 v30, v35;
	v12 =	vshll.u32 v18, $0x10;
	v18 =	vld.idx.msk [tilespmem:v22+s18+$0x0], $0xffff  }
0xd0: {  	v26 =	vadd.f32 v37, v35;
	v21 =	vmul.bf16 v29, v14;
	v29 =	vadd.s32 s31, v0  }
0xd1: {  	v22 =	vadd.f32 v8, v35;
	v14 =	vand.u32 $0xFFFF0000, v9;
	v16 =	vand.u32 $0x3F, v29  }
0xd2: {  	v8 =	vshll.u32 v21, $0x10;
	v9 =	vand.u32 $0xFFFF0000, v21;
	v21 =	vmul.bf16 v38, v32  }
0xd3: {  	v23 =	vor.u32 v5, v16;
	v32 =	vmul.bf16 v15, v27;
	v27 =	vmul.bf16 v25, v17;
	v25 =	vld.idx.msk [tilespmem:v39+s20+$0x0], $0xffff  }
0xd4: {  	v29 =	vand.u32 $0xFFFF0000, v33;
	v40 =	vmul.bf16 v28, v19;
	v17 =	vmul.bf16 v34, v18;
	v34 =	vld.idx.msk [tilespmem:v39+s18+$0x0], $0xffff  }
0xd5: {  	v19 =	vshll.u32 v11, $0x10;
	v15 =	vand.u32 $0xFFFF0000, v11;
	v28 =	vadd.f32 v36, v35  }
0xd6: {  	s23 =	simm.s32 $0x1F;
	v16 =	vand.u32 $0xFFFF0000, v40;
	v11 =	vand.u32 $0xFFFF0000, v21;
	v18 =	vshll.u32 v40, $0x10  }
.LBB2_8:
0xd7: {  	s0 =	sadd.s32 $0xFFFFFFF2, s23  }
0xd8: {  	s4 =	sadd.s32 $0xFFFFFFF4, s23;
	s5 =	sadd.s32 $0xFFFFFFF8, s23;
	v35 =	vand.u32 $0xFFFF0000, v32;
	v24 =	vshll.u32 v17, $0x10;
	v21 =	vshll.u32 v21, $0x10;
	v36 =	vld.idx.msk [tilespmem:v23+s18+$0x0], $0xffff;
	s1 =	smov.u32 s23  }
0xd9: {  	v34 =	vmul.bf16 v25, v34;
	v37 =	vadd.s32 s0, v0;
	s10 =	sadd.s32 $0xFFFFFFF5, s1;
	v38 =	vadd.s32 s5, v0;
	s19 =	sadd.s32 $0xFFFFFFFC, s1;
	s0 =	sadd.s32 $0x10, s23;
	v39 =	vld.idx.msk [tilespmem:v23+s20+$0x0], $0xffff  }
0xda: {  	p2 =	sne.s32 s23, $0x3F;
	v33 =	vshll.u32 v33, $0x10;
	v23 =	vand.u32 $0x3F, v37;
	v37 =	vadd.s32 s4, v0  }
0xdb: {  	s5 =	sadd.s32 $0xFFFFFFF3, s1;
	s23 =	sadd.s32 $0xFFFFFFF6, s1;
	s4 =	sadd.s32 $0xFFFFFFF1, s1;
	v38 =	vand.u32 $0x3F, v38;
	v25 =	vand.u32 $0xFFFF0000, v34;
	v40 =	vor.u32 v5, v23  }
0xdc: {  	v42 =	vadd.s32 s23, v0;
	v41 =	vor.u32 s4, v6;
	v23 =	vshll.u32 v34, $0x10  }
0xdd: {  	v32 =	vshll.u32 v32, $0x10;
	v34 =	vadd.s32 s5, v0;
	v42 =	vand.u32 $0x3F, v42;
	v43 =	vld.idx.msk [tilespmem:v20+s20+$0x0], $0xffff  }
0xde: {  	v30 =	vadd.f32 v33, v30;
	v44 =	vadd.s32 s10, v0;
	s4 =	sadd.s32 $0xFFFFFFF7, s1;
	v42 =	vor.u32 v5, v42;
	v20 =	vld.idx.msk [tilespmem:v20+s18+$0x0], $0xffff  }
0xdf: {  	v45 =	vshll.u32 v27, $0x10;
	v33 =	vand.u32 $0x3F, v34;
	v34 =	vadd.s32 s4, v0;
	s4 =	sadd.s32 $0xFFFFFFFA, s1  }
0xe0: {  	s5 =	sadd.s32 $0xFFFFFFF9, s1;
	v34 =	vand.u32 $0x3F, v34;
	v47 =	vadd.s32 s4, v0;
	v36 =	vmul.bf16 v39, v36;
	v46 =	vld.idx.msk [tilespmem:v40+s20+$0x0], $0xffff  }
0xe1: {  	v26 =	vadd.f32 v35, v26;
	v34 =	vor.u32 v5, v34;
	v39 =	vld.idx.msk [tilespmem:v40+s18+$0x0], $0xffff;
	v40 =	vand.u32 $0x3F, v47  }
0xe2: {  	v48 =	vshll.u32 v31, $0x10;
	v47 =	vadd.s32 s5, v0;
	v35 =	vld.idx.msk [tilespmem:v41+s18+$0x0], $0xffff;
	v40 =	vor.u32 v5, v40  }
0xe3: {  	v37 =	vand.u32 $0x3F, v37;
	v38 =	vor.u32 v5, v38;
	v49 =	vshll.u32 v36, $0x10;
	v41 =	vld.idx.msk [tilespmem:v41+s20+$0x0], $0xffff  }
0xe4: {  	v22 =	vadd.f32 v32, v22;
	v44 =	vand.u32 $0x3F, v44;
	v37 =	vor.u32 v5, v37;
	v50 =	vld.idx.msk [tilespmem:v42+s18+$0x0], $0xffff  }
0xe5: {  	v31 =	vand.u32 $0xFFFF0000, v31;
	v32 =	vor.u32 v5, v44;
	v44 =	vand.u32 $0x38, v47  }
0xe6: {  	v27 =	vand.u32 $0xFFFF0000, v27;
	v33 =	vor.u32 v5, v33;
	s4 =	sadd.s32 $0xFFFFFFFB, s1;
	v44 =	vor.u32 v44, v7;
	v47 =	vld.idx.msk [tilespmem:v34+s18+$0x0], $0xffff  }
0xe7: {  	v28 =	vadd.f32 v29, v28;
	v52 =	vadd.s32 s4, v0;
	v20 =	vmul.bf16 v43, v20;
	v51 =	vld.idx.msk [tilespmem:v40+s20+$0x0], $0xffff  }
0xe8: {  	v22 =	vadd.f32 v48, v22;
	v43 =	vadd.s32 s19, v0;
	v29 =	vld.idx.msk [tilespmem:v34+s20+$0x0], $0xffff;
	v34 =	vand.u32 $0x3F, v52  }
0xe9: {  	s4 =	sadd.s32 $0xFFFFFFFD, s1;
	v43 =	vand.u32 $0x3F, v43;
	v48 =	vand.u32 $0xFFFF0000, v20;
	v42 =	vld.idx.msk [tilespmem:v42+s20+$0x0], $0xffff;
	v34 =	vor.u32 v5, v34  }
0xea: {  	v13 =	vadd.f32 v13, v30;
	v53 =	vadd.s32 s4, v0;
	v43 =	vor.u32 v5, v43;
	v52 =	vld.idx.msk [tilespmem:v38+s20+$0x0], $0xffff  }
0xeb: {  	v14 =	vadd.f32 v14, v28;
	v26 =	vadd.f32 v31, v26;
	v30 =	vand.u32 $0x3F, v53;
	v54 =	vld.idx.msk [tilespmem:v33+s18+$0x0], $0xffff  }
0xec: {  	v13 =	vadd.f32 v45, v13;
	s4 =	sadd.s32 $0xFFFFFFFE, s1;
	v30 =	vor.u32 v5, v30;
	v28 =	vmul.bf16 v46, v39;
	v31 =	vld.idx.msk [tilespmem:v32+s20+$0x0], $0xffff  }
0xed: {  	v12 =	vadd.f32 v12, v22;
	v10 =	vadd.f32 v10, v26;
	v45 =	vadd.s32 s4, v0;
	v39 =	vld.idx.msk [tilespmem:v44+s20+$0x0], $0xffff  }
0xee: {  	v13 =	vadd.f32 v19, v13;
	v19 =	vshll.u32 v20, $0x10;
	v46 =	vshll.u32 v28, $0x10;
	v40 =	vld.idx.msk [tilespmem:v40+s18+$0x0], $0xffff  }
0xef: {  	v14 =	vadd.f32 v27, v14;
	v22 =	vmul.bf16 v41, v35;
	v28 =	vand.u32 $0xFFFF0000, v28;
	v26 =	vld.idx.msk [tilespmem:v34+s20+$0x0], $0xffff  }
0xf0: {  	v10 =	vadd.f32 v16, v10;
	v16 =	vand.u32 $0xFFFF0000, v17;
	v20 =	vand.u32 $0x3F, v45;
	v35 =	vld.idx.msk [tilespmem:v43+s20+$0x0], $0xffff  }
0xf1: {  	v14 =	vadd.f32 v15, v14;
	v20 =	vor.u32 v5, v20;
	v17 =	vand.u32 $0xFFFF0000, v22;
	v27 =	vld.idx.msk [tilespmem:v37+s20+$0x0], $0xffff  }
0xf2: {  	v12 =	vadd.f32 v18, v12;
	s4 =	sadd.s32 $0xFFFFFFFF, s1;
	v13 =	vadd.f32 v24, v13;
	v15 =	vshll.u32 v22, $0x10;
	v41 =	vld.idx.msk [tilespmem:v30+s18+$0x0], $0xffff  }
0xf3: {  	v9 =	vadd.f32 v9, v10;
	v10 =	vadd.f32 v16, v14;
	v22 =	vadd.s32 s4, v0;
	v18 =	vld.idx.msk [tilespmem:v34+s18+$0x0], $0xffff  }
0xf4: {  	v8 =	vadd.f32 v8, v12;
	v12 =	vadd.f32 v19, v13;
	v14 =	vand.u32 $0x3F, v22;
	v24 =	vld.idx.msk [tilespmem:v43+s18+$0x0], $0xffff  }
0xf5: {  	v9 =	vadd.f32 v11, v9;
	v16 =	vmul.bf16 v29, v47;
	v29 =	vor.u32 v5, v14;
	v19 =	vld.idx.msk [tilespmem:v30+s20+$0x0], $0xffff  }
0xf6: {  	v8 =	vadd.f32 v21, v8;
	v10 =	vadd.f32 v48, v10;
	v11 =	vmul.bf16 v42, v50;
	v42 =	vld.idx.msk [tilespmem:v44+s18+$0x0], $0xffff  }
0xf7: {  	v9 =	vadd.f32 v25, v9;
	v21 =	vadd.f32 v49, v12;
	v14 =	vand.u32 $0xFFFF0000, v36;
	v33 =	vld.idx.msk [tilespmem:v33+s20+$0x0], $0xffff  }
0xf8: {  	v8 =	vadd.f32 v23, v8;
	v13 =	vshll.u32 v11, $0x10;
	v36 =	vld.idx.msk [tilespmem:v37+s18+$0x0], $0xffff;
	v37 =	vadd.f32 v14, v10  }
0xf9: {  	v23 =	vadd.s32 s1, v0;
	v10 =	vand.u32 $0xFFFF0000, v16;
	v18 =	vmul.bf16 v26, v18;
	v38 =	vld.idx.msk [tilespmem:v38+s18+$0x0], $0xffff  }
0xfa: {  	v12 =	vshll.u32 v16, $0x10;
	v26 =	vadd.f32 v17, v9;
	v14 =	vand.u32 $0xFFFF0000, v11;
	v25 =	vld.idx.msk [tilespmem:v29+s20+$0x0], $0xffff  }
0xfb: {  	v22 =	vadd.f32 v15, v8;
	v30 =	vadd.f32 v46, v21;
	v8 =	vshll.u32 v18, $0x10;
	v43 =	vld.idx.msk [tilespmem:v32+s18+$0x0], $0xffff  }
0xfc: {  	v15 =	vand.u32 $0x3F, v23;
	v11 =	vmul.bf16 v51, v40;
	v9 =	vand.u32 $0xFFFF0000, v18;
	v34 =	vld.idx.msk [tilespmem:v29+s18+$0x0], $0xffff  }
.Ltmp2:
0xfd: {  	v23 =	vor.u32 v5, v15;
	v21 =	vmul.bf16 v19, v41;
	v18 =	vmul.bf16 v39, v42;
	(pc) =	sbr.rel @p2 .LBB2_8-.Ltmp2, $4  }
0xfe: {  	v19 =	vshll.u32 v11, $0x10;
	v32 =	vmul.bf16 v33, v54;
	v33 =	vmul.bf16 v27, v36  }
0xff: {  	v15 =	vand.u32 $0xFFFF0000, v11;
	v16 =	vand.u32 $0xFFFF0000, v18;
	v27 =	vmul.bf16 v52, v38  }
0x100: {  	v17 =	vmul.bf16 v35, v24;
	v28 =	vadd.f32 v28, v37;
	v11 =	vand.u32 $0xFFFF0000, v21  }
0x101: {  	s23 =	smov.u32 s0;
	v18 =	vshll.u32 v18, $0x10;
	v29 =	vand.u32 $0xFFFF0000, v33;
	v31 =	vmul.bf16 v31, v43  }
0x102: {  	_ =	sdelay $0x1  }
0x103: {  	v5 =	vmul.bf16 v25, v34;
	v6 =	vand.u32 $0xFFFF0000, v32;
	v7 =	vshll.u32 v17, $0x10  }
0x104: {  	v21 =	vshll.u32 v21, $0x10;
	v44 =	vshll.u32 v33, $0x10;
	v47 =	vshll.u32 v32, $0x10  }
0x105: {  	v24 =	vld.idx.msk [tilespmem:v23+s18+$0x0], $0xffff;
	v28 =	vadd.f32 v29, v28;
	v52 =	vshll.u32 v27, $0x10;
	v6 =	vadd.f32 v6, v26  }
0x106: {  	v48 =	vld.idx.msk [tilespmem:v20+s20+$0x0], $0xffff;
	v25 =	vadd.f32 v44, v30;
	v22 =	vadd.f32 v47, v22;
	v49 =	vand.u32 $0xFFFF0000, v31  }
0x107: {  	v50 =	vld.idx.msk [tilespmem:v20+s18+$0x0], $0xffff;
	v51 =	vshll.u32 v31, $0x10;
	v14 =	vadd.f32 v14, v28;
	v6 =	vadd.f32 v49, v6  }
0x108: {  	v46 =	vld.idx.msk [tilespmem:v23+s20+$0x0], $0xffff;
	v53 =	vand.u32 $0xFFFF0000, v27;
	v13 =	vadd.f32 v13, v25;
	v22 =	vadd.f32 v51, v22  }
0x109: {  	v58 =	vand.u32 $0xFFFF0000, v17;
	v55 =	vadd.f32 v53, v14;
	v6 =	vadd.f32 v10, v6  }
0x10a: {  	v45 =	vand.u32 $0xFFFF0000, v5;
	v13 =	vadd.f32 v52, v13;
	v54 =	vadd.f32 v12, v22  }
0x10b: {  	v5 =	vshll.u32 v5, $0x10;
	v12 =	vadd.f32 v15, v55;
	v6 =	vadd.f32 v16, v6  }
0x10c: {  	v57 =	vmul.bf16 v48, v50;
	v13 =	vadd.f32 v19, v13;
	v10 =	vadd.f32 v18, v54  }
0x10d: {  	v56 =	vmul.bf16 v46, v24;
	v12 =	vadd.f32 v58, v12;
	v6 =	vadd.f32 v9, v6  }
0x10e: {  	v60 =	vand.u32 $0xFFFF0000, v57;
	v7 =	vadd.f32 v7, v13;
	v8 =	vadd.f32 v8, v10  }
0x10f: {  	v59 =	vshll.u32 v57, $0x10;
	v10 =	vadd.f32 v60, v12;
	v6 =	vadd.f32 v11, v6  }
0x110: {  	v62 =	vand.u32 $0xFFFF0000, v56;
	v7 =	vadd.f32 v59, v7;
	v8 =	vadd.f32 v21, v8  }
0x111: {  	v61 =	vshll.u32 v56, $0x10;
	v63 =	vadd.f32 v62, v10;
	v6 =	vadd.f32 v45, v6  }
0x112: {  	s29 =	sadd.s32 $0x1, s29;
	v7 =	vadd.f32 v61, v7;
	v5 =	vadd.f32 v5, v8  }
0x113: {  	p2 =	sne.s32 s29, $0x8  }
.Ltmp3:
0x114: {  	v5 =	vadd.f32 v6, v5;
	v6 =	vadd.f32 v63, v7;
	(pc) =	sbr.rel @p2 .LBB2_7-.Ltmp3, $3  }
0x115: {  	_ = 	snop  }
0x116: {  	v5 =	vadd.f32 v6, v5;
	_ =	sdelay $0x1  }
0x117: {  	[tilespmem:v4+s30+$0x0 ss:$0x1] =	vst.idx.msk $0xffff, v5  }
.Ltmp4:
0x118: {  	(pc) =	sbr.rel @p1 .LBB2_12-.Ltmp4, $1  }
0x119: {  	_ =	sdelay $0x3  }
.Ltmp5:
0x11a: {  	(pc) =	sbr.rel .LBB2_2-.Ltmp5, $4  }
0x11b: {  	s0 =	sadd.s32 $0x180, s28  }
0x11c: {  	[tilespmem:s18], [sflag:$0x2] =	stream.indirect.gather [spmem:s2], $0x40, s0, s15, $0xb8;
	[tilespmem:$0x19170] =	vst v63  }
0x11d: {  	s31 =	sadd.s32 $0x2890, s28;
	s26 =	sadd.s32 $0x1, s26  }
0x11e: {  	[tilespmem:s20], [sflag:$0x2] =	stream.indirect.gather [spmem:s2], $0x40, s31, s15, $0xb8;
	[tilespmem:$0x19170] =	vst v63  }
.LBB2_12:
0x11f: {  	s0 =	simm.s32 $0x3  }
0x120: {  	s1 =	simm.s32 $0x1;
	v4 =	vadd.s32 s0, v0  }
0x121: {  	_ =	swait.ge [sflag:s21], $0x400;
	v5 =	vadd.s32 s1, v0;
	v4 =	vand.u32 $0x3F, v4  }
0x122: {  	s29 =	simm.s32 $0x7;
	[sflag:s21] =	ssyncset.done $0x0;
	v5 =	vand.u32 $0x3F, v5;
	v4 =	vor.u32 v1, v4  }
0x123: {  	v6 =	vadd.s32 s29, v0;
	[sflag:s21] =	ssyncadd.s32 $0xFFFFFC00;
	v5 =	vor.u32 v1, v5  }
0x124: {  	s30 =	simm.s32 $0x4;
	v6 =	vand.u32 $0x3F, v6;
	_ =	swait.ge [sflag:s21], $0x400  }
0x125: {  	s31 =	simm.s32 $0x6;
	v7 =	vadd.s32 s30, v0;
	v6 =	vor.u32 v1, v6;
	[sflag:s21] =	ssyncset.done $0x0  }
0x126: {  	v8 =	vadd.s32 s31, v0;
	v7 =	vand.u32 $0x3F, v7;
	[sflag:s21] =	ssyncadd.s32 $0xFFFFFC00  }
0x127: {  	v8 =	vand.u32 $0x3F, v8;
	v7 =	vor.u32 v1, v7;
	v10 =	vld.idx.msk [tilespmem:v4+s16+$0x0], $0xffff  }
0x128: {  	s1 =	simm.s32 $0x2;
	v8 =	vor.u32 v1, v8;
	v12 =	vld.idx.msk [tilespmem:v5+s16+$0x0], $0xffff  }
0x129: {  	v9 =	vadd.s32 s1, v0;
	v13 =	vld.idx.msk [tilespmem:v4+s17+$0x0], $0xffff  }
0x12a: {  	s5 =	simm.s32 $0x5;
	v9 =	vand.u32 $0x3F, v9;
	v14 =	vld.idx.msk [tilespmem:v6+s17+$0x0], $0xffff  }
0x12b: {  	v11 =	vor.u32 v1, v9;
	v9 =	vadd.s32 s5, v0;
	v6 =	vld.idx.msk [tilespmem:v6+s16+$0x0], $0xffff  }
0x12c: {  	s10 =	simm.s32 $0x8;
	v9 =	vand.u32 $0x3F, v9;
	v15 =	vld.idx.msk [tilespmem:v7+s16+$0x0], $0xffff  }
0x12d: {  	s19 =	simm.s32 $0xA;
	v16 =	vor.u32 v1, v9;
	v9 =	vadd.s32 s10, v0;
	v18 =	vld.idx.msk [tilespmem:v8+s17+$0x0], $0xffff  }
0x12e: {  	s4 =	simm.s32 $0x9;
	v19 =	vadd.s32 s19, v0;
	v17 =	vand.u32 $0x38, v9;
	v5 =	vld.idx.msk [tilespmem:v5+s17+$0x0], $0xffff  }
0x12f: {  	v4 =	vadd.s32 s4, v0;
	v20 =	vor.u32 v3, v17;
	v17 =	vand.u32 $0x3F, v19;
	v8 =	vld.idx.msk [tilespmem:v8+s16+$0x0], $0xffff  }
0x130: {  	v7 =	vld.idx.msk [tilespmem:v7+s17+$0x0], $0xffff;
	v4 =	vand.u32 $0x3F, v4;
	v19 =	vor.u32 v1, v17  }
0x131: {  	v9 =	vld.idx.msk [tilespmem:v11+s16+$0x0], $0xffff;
	v4 =	vor.u32 v1, v4  }
0x132: {  	v23 =	vld.idx.msk [tilespmem:v16+s17+$0x0], $0xffff  }
0x133: {  	s26 =	simm.s32 $0xD;
	s28 =	simm.s32 $0xB;
	v16 =	vld.idx.msk [tilespmem:v16+s16+$0x0], $0xffff  }
0x134: {  	s23 =	simm.s32 $0xC;
	v24 =	vadd.s32 s26, v0;
	v27 =	vadd.s32 s28, v0;
	v26 =	vld.idx.msk [tilespmem:v20+s16+$0x0], $0xffff  }
0x135: {  	v17 =	vadd.s32 s23, v0;
	v10 =	vmul.bf16 v13, v10;
	v13 =	vand.u32 $0x3F, v24;
	v24 =	vld.idx.msk [tilespmem:v19+s17+$0x0], $0xffff  }
0x136: {  	v12 =	vmul.bf16 v5, v12;
	v6 =	vmul.bf16 v14, v6;
	v13 =	vor.u32 v1, v13;
	v21 =	vld.idx.msk [tilespmem:v4+s17+$0x0], $0xffff  }
0x137: {  	v18 =	vmul.bf16 v18, v8;
	v15 =	vmul.bf16 v7, v15;
	v22 =	vld.idx.msk [tilespmem:v4+s16+$0x0], $0xffff;
	v4 =	vand.u32 $0x3F, v17  }
0x138: {  	s31 =	simm.s32 $0xF;
	v14 =	vld.idx.msk [tilespmem:v19+s16+$0x0], $0xffff;
	v19 =	vand.u32 $0x3F, v27;
	v25 =	vor.u32 v1, v4;
	v4 =	vmul.u32 $0x41, v0  }
0x139: {  	s29 =	simm.s32 $0x0;
	v20 =	vld.idx.msk [tilespmem:v20+s17+$0x0], $0xffff;
	v7 =	vadd.s32 s31, v0;
	v17 =	vimm.f32 $0.0e+00;
	v27 =	vor.u32 v1, v19  }
0x13a: {  	v11 =	vld.idx.msk [tilespmem:v11+s17+$0x0], $0xffff;
	v29 =	vshll.u32 v10, $0x10;
	v10 =	vand.u32 $0xFFFF0000, v10;
	v28 =	vor.u32 s29, v4  }
0x13b: {  	s30 =	simm.s32 $0xE;
	v30 =	vshll.u32 v12, $0x10;
	v5 =	vshll.u32 v6, $0x10;
	v12 =	vand.u32 $0xFFFF0000, v12;
	v31 =	vld.idx.msk [tilespmem:v13+s17+$0x0], $0xffff  }
0x13c: {  	v8 =	vand.u32 $0xFFFF0000, v6;
	v13 =	vld.idx.msk [tilespmem:v13+s16+$0x0], $0xffff;
	v36 =	vmul.bf16 v21, v22;
	v21 =	vadd.s32 s30, v0  }
0x13d: {  	v6 =	vadd.f32 v12, v17;
	v23 =	vmul.bf16 v23, v16;
	v19 =	vld.idx.msk [tilespmem:v25+s17+$0x0], $0xffff;
	v12 =	vand.u32 $0x3F, v21  }
0x13e: {  	v20 =	vmul.bf16 v20, v26;
	v21 =	vadd.f32 v30, v17;
	v30 =	vld.idx.msk [tilespmem:v27+s17+$0x0], $0xffff;
	v26 =	vor.u32 v1, v12  }
0x13f: {  	v10 =	vadd.f32 v10, v6;
	v6 =	vand.u32 $0x3F, v7;
	v24 =	vmul.bf16 v24, v14;
	v37 =	vld.idx.msk [tilespmem:v28+s16+$0x0], $0xffff  }
0x140: {  	v16 =	vshll.u32 v15, $0x10;
	v33 =	vshll.u32 v23, $0x10;
	v22 =	vor.u32 v1, v6;
	v38 =	vld.idx.msk [tilespmem:v28+s17+$0x0], $0xffff  }
0x141: {  	v6 =	vshll.u32 v20, $0x10;
	v7 =	vand.u32 $0xFFFF0000, v24;
	v28 =	vadd.f32 v29, v21;
	v21 =	vld.idx.msk [tilespmem:v25+s16+$0x0], $0xffff  }
0x142: {  	v12 =	vand.u32 $0xFFFF0000, v18;
	v14 =	vand.u32 $0xFFFF0000, v36;
	v29 =	vld.idx.msk [tilespmem:v27+s16+$0x0], $0xffff;
	v27 =	vand.u32 $0xFFFF0000, v15  }
0x143: {  	v15 =	vshll.u32 v18, $0x10;
	v35 =	vmul.bf16 v31, v13;
	v13 =	vand.u32 $0xFFFF0000, v23;
	v32 =	vld.idx.msk [tilespmem:v26+s16+$0x0], $0xffff  }
0x144: {  	v18 =	vshll.u32 v36, $0x10;
	v25 =	vimm.f32 $0.0e+00;
	v23 =	vadd.f32 v13, v10;
	v34 =	vld.idx.msk [tilespmem:v26+s17+$0x0], $0xffff  }
0x145: {  	s1 =	simm.s32 $0x1F;
	v10 =	vshll.u32 v24, $0x10;
	v13 =	vand.u32 $0xFFFF0000, v35;
	v26 =	vld.idx.msk [tilespmem:v22+s16+$0x0], $0xffff;
	v31 =	vmul.bf16 v38, v37  }
.LBB2_13:
0x146: {  	s4 =	sadd.s32 $0xFFFFFFF2, s1  }
0x147: {  	s5 =	sadd.s32 $0xFFFFFFF4, s1;
	s10 =	sadd.s32 $0xFFFFFFF6, s1;
	v9 =	vmul.bf16 v11, v9;
	v24 =	vand.u32 $0xFFFF0000, v20;
	v19 =	vmul.bf16 v19, v21;
	v11 =	vld.idx.msk [tilespmem:v22+s17+$0x0], $0xffff;
	s0 =	smov.u32 s1  }
0x148: {  	s26 =	sadd.s32 $0x10, s1;
	v22 =	vshll.u32 v35, $0x10;
	v20 =	vadd.s32 s4, v0;
	v21 =	vadd.s32 s5, v0;
	s4 =	sadd.s32 $0xFFFFFFF8, s0;
	s5 =	sadd.s32 $0xFFFFFFFC, s0  }
0x149: {  	p1 =	sne.s32 s1, $0x3F;
	v20 =	vand.u32 $0x3F, v20;
	v35 =	vand.u32 $0x3F, v21;
	v21 =	vand.u32 $0xFFFF0000, v19  }
0x14a: {  	s1 =	sadd.s32 $0xFFFFFFFA, s0;
	v36 =	vor.u32 v1, v20;
	v35 =	vor.u32 v1, v35;
	v20 =	vmul.bf16 v34, v32  }
0x14b: {  	v28 =	vadd.f32 v33, v28;
	s19 =	sadd.s32 $0xFFFFFFF3, s0;
	v32 =	vadd.s32 s10, v0;
	v34 =	vadd.s32 s4, v0  }
0x14c: {  	v29 =	vmul.bf16 v30, v29;
	v33 =	vand.u32 $0x3F, v34;
	v34 =	vadd.s32 s1, v0  }
0x14d: {  	v37 =	vand.u32 $0xFFFF0000, v31;
	v30 =	vadd.s32 s19, v0;
	s4 =	sadd.s32 $0xFFFFFFF7, s0;
	s1 =	sadd.s32 $0xFFFFFFF5, s0;
	v33 =	vor.u32 v1, v33  }
0x14e: {  	v17 =	vadd.f32 v37, v17;
	v39 =	vadd.s32 s4, v0;
	v38 =	vadd.s32 s1, v0  }
0x14f: {  	v40 =	vand.u32 $0xFFFF0000, v9;
	v30 =	vand.u32 $0x3F, v30;
	v38 =	vand.u32 $0x3F, v38;
	v37 =	vld.idx.msk [tilespmem:v35+s16+$0x0], $0xffff  }
0x150: {  	v42 =	vshll.u32 v29, $0x10;
	v39 =	vand.u32 $0x3F, v39;
	v38 =	vor.u32 v1, v38;
	v41 =	vld.idx.msk [tilespmem:v36+s16+$0x0], $0xffff  }
0x151: {  	v17 =	vadd.f32 v40, v17;
	v34 =	vand.u32 $0x3F, v34;
	v39 =	vor.u32 v1, v39;
	v35 =	vld.idx.msk [tilespmem:v35+s17+$0x0], $0xffff  }
0x152: {  	v43 =	vadd.s32 s5, v0;
	v29 =	vand.u32 $0xFFFF0000, v29;
	v34 =	vor.u32 v1, v34;
	v40 =	vld.idx.msk [tilespmem:v33+s17+$0x0], $0xffff  }
0x153: {  	v44 =	vshll.u32 v9, $0x10;
	v32 =	vand.u32 $0x3F, v32;
	v17 =	vadd.f32 v27, v17  }
0x154: {  	v9 =	vshll.u32 v31, $0x10;
	s1 =	sadd.s32 $0xFFFFFFF9, s0;
	v27 =	vor.u32 v1, v30;
	v30 =	vld.idx.msk [tilespmem:v33+s16+$0x0], $0xffff  }
0x155: {  	v25 =	vadd.f32 v9, v25;
	s4 =	sadd.s32 $0xFFFFFFF1, s0;
	v32 =	vor.u32 v1, v32;
	v33 =	vadd.s32 s1, v0;
	s1 =	sadd.s32 $0xFFFFFFFE, s0;
	v31 =	vld.idx.msk [tilespmem:v38+s16+$0x0], $0xffff  }
0x156: {  	v45 =	vor.u32 s4, v4;
	v26 =	vmul.bf16 v11, v26;
	v9 =	vand.u32 $0x38, v33;
	v46 =	vld.idx.msk [tilespmem:v39+s17+$0x0], $0xffff  }
0x157: {  	v8 =	vadd.f32 v8, v23;
	s4 =	sadd.s32 $0xFFFFFFFB, s0;
	v35 =	vmul.bf16 v35, v37;
	v33 =	vld.idx.msk [tilespmem:v36+s17+$0x0], $0xffff;
	v36 =	vor.u32 v3, v9  }
0x158: {  	v5 =	vadd.f32 v5, v28;
	v11 =	vadd.s32 s4, v0;
	v23 =	vadd.s32 s1, v0  }
0x159: {  	v47 =	vand.u32 $0xFFFF0000, v26;
	v37 =	vand.u32 $0x3F, v11;
	v28 =	vshll.u32 v35, $0x10;
	v9 =	vld.idx.msk [tilespmem:v27+s16+$0x0], $0xffff  }
0x15a: {  	v25 =	vadd.f32 v44, v25;
	s1 =	sadd.s32 $0xFFFFFFFD, s0;
	v30 =	vmul.bf16 v40, v30;
	v11 =	vld.idx.msk [tilespmem:v27+s17+$0x0], $0xffff;
	v27 =	vand.u32 $0xFFFF0000, v35  }
0x15b: {  	v5 =	vadd.f32 v18, v5;
	v37 =	vor.u32 v1, v37;
	v40 =	vadd.s32 s1, v0;
	v35 =	vld.idx.msk [tilespmem:v34+s17+$0x0], $0xffff  }
0x15c: {  	v8 =	vadd.f32 v14, v8;
	v23 =	vand.u32 $0x3F, v23;
	v40 =	vand.u32 $0x3F, v40;
	v18 =	vld.idx.msk [tilespmem:v32+s17+$0x0], $0xffff  }
0x15d: {  	v16 =	vadd.f32 v16, v25;
	v14 =	vmul.bf16 v33, v41;
	v33 =	vld.idx.msk [tilespmem:v34+s16+$0x0], $0xffff;
	v34 =	vor.u32 v1, v40  }
0x15e: {  	v12 =	vadd.f32 v12, v17;
	v23 =	vor.u32 v1, v23;
	v25 =	vld.idx.msk [tilespmem:v39+s16+$0x0], $0xffff;
	v39 =	vshll.u32 v20, $0x10  }
0x15f: {  	v8 =	vadd.f32 v29, v8;
	v17 =	vadd.f32 v42, v5;
	v40 =	vshll.u32 v14, $0x10;
	v41 =	vld.idx.msk [tilespmem:v36+s16+$0x0], $0xffff  }
0x160: {  	v12 =	vadd.f32 v24, v12;
	v24 =	vshll.u32 v26, $0x10;
	v5 =	vshll.u32 v30, $0x10;
	v29 =	vld.idx.msk [tilespmem:v37+s17+$0x0], $0xffff  }
0x161: {  	v15 =	vadd.f32 v15, v16;
	v14 =	vand.u32 $0xFFFF0000, v14;
	v26 =	vld.idx.msk [tilespmem:v38+s17+$0x0], $0xffff;
	v38 =	vand.u32 $0x3F, v43  }
0x162: {  	v8 =	vadd.f32 v13, v8;
	v7 =	vadd.f32 v7, v12;
	v16 =	vld.idx.msk [tilespmem:v37+s16+$0x0], $0xffff;
	v37 =	vor.u32 v1, v38  }
0x163: {  	v13 =	vshll.u32 v19, $0x10;
	v17 =	vadd.f32 v22, v17;
	v12 =	vld.idx.msk [tilespmem:v36+s17+$0x0], $0xffff;
	v36 =	vmul.bf16 v35, v33  }
0x164: {  	v6 =	vadd.f32 v6, v15;
	v15 =	vadd.f32 v47, v8;
	v38 =	vmul.bf16 v46, v25;
	v19 =	vld.idx.msk [tilespmem:v34+s17+$0x0], $0xffff  }
0x165: {  	v7 =	vadd.f32 v21, v7;
	v21 =	vadd.f32 v24, v17;
	s1 =	sadd.s32 $0xFFFFFFFF, s0;
	v8 =	vand.u32 $0xFFFF0000, v30;
	v33 =	vld.idx.msk [tilespmem:v23+s17+$0x0], $0xffff  }
0x166: {  	v6 =	vadd.f32 v10, v6;
	v10 =	vand.u32 $0xFFFF0000, v20;
	v17 =	vadd.s32 s1, v0;
	v24 =	vld.idx.msk [tilespmem:v32+s16+$0x0], $0xffff  }
0x167: {  	v14 =	vadd.f32 v14, v15;
	v15 =	vand.u32 $0x3F, v17;
	v17 =	vadd.f32 v10, v7;
	v42 =	vld.idx.msk [tilespmem:v45+s16+$0x0], $0xffff  }
0x168: {  	v6 =	vadd.f32 v13, v6;
	v7 =	vadd.f32 v40, v21;
	v10 =	vmul.bf16 v29, v16;
	v23 =	vld.idx.msk [tilespmem:v23+s16+$0x0], $0xffff  }
0x169: {  	v15 =	vor.u32 v1, v15;
	v13 =	vmul.bf16 v26, v31;
	v20 =	vmul.bf16 v12, v41;
	v21 =	vld.idx.msk [tilespmem:v34+s16+$0x0], $0xffff  }
0x16a: {  	v25 =	vadd.f32 v39, v6;
	v31 =	vadd.f32 v27, v14;
	v14 =	vadd.s32 s0, v0;
	v26 =	vld.idx.msk [tilespmem:v45+s17+$0x0], $0xffff  }
0x16b: {  	v28 =	vadd.f32 v28, v7;
	v14 =	vand.u32 $0x3F, v14;
	v12 =	vand.u32 $0xFFFF0000, v38;
	v29 =	vld.idx.msk [tilespmem:v37+s16+$0x0], $0xffff  }
0x16c: {  	v22 =	vor.u32 v1, v14;
	v7 =	vand.u32 $0xFFFF0000, v10;
	v6 =	vshll.u32 v20, $0x10;
	v30 =	vld.idx.msk [tilespmem:v37+s17+$0x0], $0xffff  }
.Ltmp6:
0x16d: {  	v14 =	vand.u32 $0xFFFF0000, v36;
	v18 =	vmul.bf16 v18, v24;
	(pc) =	sbr.rel @p1 .LBB2_13-.Ltmp6, $4  }
0x16e: {  	v16 =	vshll.u32 v13, $0x10;
	v35 =	vmul.bf16 v33, v23;
	v32 =	vld.idx.msk [tilespmem:v15+s16+$0x0], $0xffff  }
0x16f: {  	v27 =	vand.u32 $0xFFFF0000, v13;
	v33 =	vshll.u32 v18, $0x10;
	v13 =	vand.u32 $0xFFFF0000, v18;
	v34 =	vld.idx.msk [tilespmem:v15+s17+$0x0], $0xffff  }
0x170: {  	v23 =	vadd.f32 v13, v31;
	v15 =	vshll.u32 v38, $0x10;
	v13 =	vand.u32 $0xFFFF0000, v35  }
0x171: {  	s1 =	smov.u32 s26;
	v10 =	vshll.u32 v10, $0x10;
	v18 =	vshll.u32 v36, $0x10;
	v31 =	vmul.bf16 v26, v42;
	v26 =	vld.idx.msk [tilespmem:v22+s16+$0x0], $0xffff  }
0x172: {  	_ = 	snop  }
0x173: {  	v4 =	vmul.bf16 v11, v9;
	v47 =	vand.u32 $0xFFFF0000, v31;
	v48 =	vshll.u32 v31, $0x10  }
0x174: {  	v9 =	vadd.f32 v47, v17;
	v11 =	vadd.f32 v48, v25  }
0x175: {  	v49 =	vmul.bf16 v19, v21;
	v50 =	vand.u32 $0xFFFF0000, v4;
	v4 =	vshll.u32 v4, $0x10  }
0x176: {  	v20 =	vand.u32 $0xFFFF0000, v20;
	v9 =	vadd.f32 v50, v9;
	v4 =	vadd.f32 v4, v11  }
0x177: {  	v52 =	vshll.u32 v35, $0x10;
	v54 =	vadd.f32 v33, v28;
	v8 =	vadd.f32 v8, v23  }
0x178: {  	v51 =	vld.idx.msk [tilespmem:v22+s17+$0x0], $0xffff;
	v24 =	vmul.bf16 v30, v29;
	v9 =	vadd.f32 v27, v9;
	v4 =	vadd.f32 v16, v4  }
0x179: {  	v53 =	vand.u32 $0xFFFF0000, v49;
	v55 =	vmul.bf16 v34, v32;
	v5 =	vadd.f32 v5, v54  }
0x17a: {  	v56 =	vshll.u32 v24, $0x10;
	v9 =	vadd.f32 v12, v9;
	v4 =	vadd.f32 v15, v4  }
0x17b: {  	v8 =	vadd.f32 v14, v8;
	v58 =	vand.u32 $0xFFFF0000, v24;
	v5 =	vadd.f32 v18, v5  }
0x17c: {  	v61 =	vshll.u32 v49, $0x10;
	v9 =	vadd.f32 v20, v9;
	v4 =	vadd.f32 v6, v4  }
0x17d: {  	v8 =	vadd.f32 v58, v8;
	v57 =	vmul.bf16 v51, v26;
	v5 =	vadd.f32 v56, v5  }
0x17e: {  	v60 =	vshll.u32 v55, $0x10;
	v7 =	vadd.f32 v7, v9;
	v4 =	vadd.f32 v10, v4  }
0x17f: {  	v8 =	vadd.f32 v13, v8;
	v59 =	vand.u32 $0xFFFF0000, v57;
	v5 =	vadd.f32 v52, v5  }
0x180: {  	v62 =	vshll.u32 v57, $0x10;
	v7 =	vadd.f32 v53, v7;
	v4 =	vadd.f32 v61, v4  }
0x181: {  	v63 =	vand.u32 $0xFFFF0000, v55;
	v6 =	vadd.f32 v59, v8;
	v5 =	vadd.f32 v62, v5  }
0x182: {  	v7 =	vadd.f32 v63, v7;
	v4 =	vadd.f32 v60, v4;
	_ =	sdelay $0x1  }
0x183: {  	v5 =	vadd.f32 v6, v5;
	v4 =	vadd.f32 v7, v4;
	_ =	sdelay $0x1  }
0x184: {  	s25 =	sadd.s32 $0x1, s25;
	v4 =	vadd.f32 v5, v4  }
0x185: {  	p1 =	sne.s32 s25, s9  }
.Ltmp7:
0x186: {  	s0 =	simm.s32 $0xCE20;
	[tilespmem:$0xF520] =	vst v4;
	(pc) =	sbr.rel @p1 .LBB2_1-.Ltmp7, $4  }
0x187: {  	[hbm4b:s8+s3] =	stream.linear.scatter [tilespmem:s0], [sflag:$0x4], $0x2710, $0x38;
	[tilespmem:$0x19170] =	vst v63  }
0x188: {  	_ =	swait.ge [sflag:s24], $0x2710  }
0x189: {  	[sflag:s24] =	ssyncset.done $0x0  }
0x18a: {  	[sflag:s24] =	ssyncadd.s32 $0xFFFFD8F0  }
0x18b: {  	_ =	sfence.sel $0x180000  }
0x18c: {  	[bflag:$0x0] =	sbarrier.arrive $0xFFFF  }
0x18d: {  	_ =	strace $0x90000047  }
0x18e: {  	s0 =	stileid.u32;
	[bflag:$0x2] =	sbarrier.arrive $0xFFFF  }
0x18f: {  	p0 =	sne.s32 s0, $0x0;
	s0 =	rddreg [dreg:$0x3]  }
0x190: {  	s0 =	sadd.s32 @!p0 $0x100000, s0  }
0x191: {  	[sflag:s0] =	ssyncadd.tile.s32 @!p0 $0x1;
	_ =	shalt  }
.Lfunc_end2:
_tile_overlayer_lowered:
.L_overlay_start_2:
0x192: {  	(tag) =	ssettag $0x2  }
0x193: {  	s0 =	rddreg [dreg:$0x0];
	s2 =	stileid.u32  }
0x194: {  	s1 =	rddreg [dreg:$0x1];
	p0 =	sne.s32 s2, $0x0  }
0x195: {  	s3 =	rddreg [dreg:$0x2];
	[bflag:$0x3] =	sbarrier.arrive $0xFFFF;
	s2 =	simm.s32 @!p0 $0x1C04  }
0x196: {  	[timem:s3], [sflag:s2] =	dma.local @!p0 [hbm:s0], s1  }
0x197: {  	s0 =	simm.s32 @!p0 $0x4  }
0x198: {  	_ =	swait.ge @!p0 [sflag:s0], s1  }
0x199: {  	s1 =	ssub.s32 @!p0 $0x0, s1;
	[sflag:s0] =	ssyncset.done @!p0 $0x0  }
0x19a: {  	[sflag:s0] =	ssyncadd.s32 @!p0 s1  }
0x19b: {  	[bflag:$0x3] =	sbarrier.arrive $0xFFFF  }
0x19c: {  	_ =	shalt  }

</sc_bundles>
